<compile_context>
chip_gen: v7x
topology: tpu7x:2x2x1
jax: 0.10.2.dev20260603
libtpu: 0.0.44.dev20260713+nightly
codegen_flags: <defaults>
</compile_context>

<pallas_src>
import functools

import jax
import jax.numpy as jnp
from jax import lax
from jax.experimental import pallas as pl
from jax.experimental.pallas import tpu as pltpu
from jax.experimental.pallas import tpu_sc as plsc

IN_CH = 128
WIDTH = 128
HEIGHT = 128
IMAGE_NUM = 8
N_PTS = 2048

NC = 2
NS = 16
NW = NC * NS
NHALF = 2
N_H = N_PTS // NHALF
P_PER_W = N_H // NW
NTAP = 4
NROW = NTAP * P_PER_W
CH_STRIDE = HEIGHT * WIDTH
IMG_STRIDE = IN_CH * HEIGHT * WIDTH
LANES = 16
CHUNKS = IN_CH // LANES


def _sc_sample(tbl_hbm, rows_hbm, cols_hbm, s_hbm,
               rows_v, cols_v, base_v, wgt_v, idx_v, g_v, s_v, dsem):
    wid = lax.axis_index("s") * NC + lax.axis_index("c")
    pt0 = wid * P_PER_W

    pltpu.sync_copy(rows_hbm.at[pl.ds(pt0, P_PER_W)], rows_v)
    pltpu.sync_copy(cols_hbm.at[pl.ds(pt0, P_PER_W)], cols_v)

    for ch in range(P_PER_W // LANES):
        r = rows_v[pl.ds(ch * LANES, LANES)]
        c = cols_v[pl.ds(ch * LANES, LANES)]
        y0 = r - 1
        x0 = c - 1
        my0 = y0 >= 0
        mx0 = x0 >= 0
        y0c = jnp.maximum(y0, 0)
        x0c = jnp.maximum(x0, 0)

        def fbase(y, xc):
            return (y >> 7) * IMG_STRIDE + (y & 127) * WIDTH + xc

        quarter = jnp.float32(0.25)
        zero = jnp.float32(0.0)
        taps = (
            (fbase(y0c, x0c), jnp.where(my0 & mx0, quarter, zero)),
            (fbase(y0c, c), jnp.where(my0, quarter, zero)),
            (fbase(r, x0c), jnp.where(mx0, quarter, zero)),
            (fbase(r, c), jnp.full((LANES,), 0.25, jnp.float32)),
        )
        for t, (b, w) in enumerate(taps):
            base_v[pl.ds(t * P_PER_W + ch * LANES, LANES)] = b
            wgt_v[pl.ds(t * P_PER_W + ch * LANES, LANES)] = w

    PCHUNKS = P_PER_W // LANES

    def build(c, cvec):
        for t in range(NTAP):
            for ch in range(PCHUNKS):
                b = base_v[pl.ds(t * P_PER_W + ch * LANES, LANES)]
                idx_v[pl.ds(c * P_PER_W + t * IN_CH * P_PER_W
                            + ch * LANES, LANES)] = b + cvec
        return cvec + CH_STRIDE

    lax.fori_loop(0, IN_CH, build, jnp.zeros((LANES,), jnp.int32),
                  unroll=2)

    cp = pltpu.async_copy(tbl_hbm.at[idx_v], g_v, dsem)
    cp.wait()

    def acc(c, carry):
        for ch in range(PCHUNKS):
            a = jnp.zeros((LANES,), jnp.float32)
            for t in range(NTAP):
                w = wgt_v[pl.ds(t * P_PER_W + ch * LANES, LANES)]
                g = g_v[pl.ds(c * P_PER_W + t * IN_CH * P_PER_W
                              + ch * LANES, LANES)]
                a = a + w * g
            s_v[c, pl.ds(ch * LANES, LANES)] = a
        return carry

    lax.fori_loop(0, IN_CH, acc, 0, unroll=2)

    pltpu.sync_copy(s_v, s_hbm.at[wid])


def _sample_points(tbl, cols, rows):
    mesh = plsc.VectorSubcoreMesh(core_axis_name="c", subcore_axis_name="s")
    sample = functools.partial(
        pl.kernel,
        mesh=mesh,
        out_type=jax.ShapeDtypeStruct((NW, IN_CH, P_PER_W), jnp.float32),
        scratch_types=[
            pltpu.VMEM((P_PER_W,), jnp.int32),
            pltpu.VMEM((P_PER_W,), jnp.int32),
            pltpu.VMEM((NROW,), jnp.int32),
            pltpu.VMEM((NROW,), jnp.float32),
            pltpu.VMEM((NROW * IN_CH,), jnp.int32),
            pltpu.VMEM((NROW * IN_CH,), jnp.float32),
            pltpu.VMEM((IN_CH, P_PER_W), jnp.float32),
            pltpu.SemaphoreType.DMA,
        ],
    )(_sc_sample)
    return sample(tbl, rows, cols)


def _bc_body_first(s_ref, o_ref):
    v = s_ref[0]
    for n in range(P_PER_W):
        o_ref[n] = jnp.broadcast_to(v[:, n:n + 1], (IN_CH, WIDTH))


def _bc_body_next(s_ref, prev_ref, o_ref):
    del prev_ref
    _bc_body_first(s_ref, o_ref)


def _broadcast_half(s_tcp, h, prev):
    out_sd = jax.ShapeDtypeStruct((N_PTS, IN_CH, WIDTH), jnp.float32)
    omap = functools.partial(lambda hh, i: (hh * NW + i, 0, 0), h)
    if prev is None:
        return pl.pallas_call(
            _bc_body_first,
            grid=(NW,),
            in_specs=[pl.BlockSpec((1, IN_CH, P_PER_W), lambda i: (i, 0, 0))],
            out_specs=pl.BlockSpec((P_PER_W, IN_CH, WIDTH), omap),
            out_shape=out_sd,
        )(s_tcp)
    return pl.pallas_call(
        _bc_body_next,
        grid=(NW,),
        in_specs=[pl.BlockSpec((1, IN_CH, P_PER_W), lambda i: (i, 0, 0)),
                  pl.BlockSpec(memory_space=pl.ANY)],
        out_specs=pl.BlockSpec((P_PER_W, IN_CH, WIDTH), omap),
        out_shape=out_sd,
        input_output_aliases={1: 0},
    )(s_tcp, prev)


@jax.jit
def _run(x, cols, rows):
    tbl = x.reshape(-1)
    s = [_sample_points(tbl, cols[h * N_H:(h + 1) * N_H],
                        rows[h * N_H:(h + 1) * N_H]) for h in range(NHALF)]
    out = None
    for h in range(NHALF):
        out = _broadcast_half(s[h], h, out)
    return out


def kernel(x, image_num, image_ids, cols, rows):
    del image_num, image_ids
    return _run(x, cols.astype(jnp.int32), rows.astype(jnp.int32))

# --- scband reference (transcript-rebuilt; emitter-appended) ---
"""Pipeline reference for scband-sample-point-1357209665541 (READ-ONLY COPY).

The authoritative reference and input builder live on the scoring server;
editing this copy changes nothing except your own understanding.
"""

import jax, jax.numpy as jnp
import numpy as np

IN_CH = 128
WIDTH = 128
HEIGHT = 128
IMAGE_NUM = 8
N_PTS = 2048


def setup_inputs(seed: int = 0) -> dict:
    key = jax.random.key(seed)
    k1, k2, k3, k4 = jax.random.split(key, 4)
    x = jax.random.normal(k1, (IMAGE_NUM, IN_CH, HEIGHT, WIDTH), dtype=jnp.float32)
    image_ids = jax.random.randint(k2, (N_PTS,), 0, IMAGE_NUM)
    cols = jax.random.randint(k3, (N_PTS,), 0, WIDTH)
    rows = jax.random.randint(k4, (N_PTS,), 0, HEIGHT * IMAGE_NUM)
    return {"x": x, "image_num": IMAGE_NUM, "image_ids": image_ids, "cols": cols, "rows": rows}


def _grid_sample_bilinear(img, gx, gy):
    # img: [C, H, W]; gx, gy: [N] normalized coords in [-1, 1]
    # torch grid_sample defaults: mode='bilinear', padding_mode='zeros', align_corners=False
    C, H, W = img.shape
    ix = ((gx + 1.0) * W - 1.0) / 2.0
    iy = ((gy + 1.0) * H - 1.0) / 2.0
    x0 = jnp.floor(ix)
    y0 = jnp.floor(iy)
    x1 = x0 + 1.0
    y1 = y0 + 1.0
    wx1 = ix - x0
    wx0 = 1.0 - wx1
    wy1 = iy - y0
    wy0 = 1.0 - wy1

    def tap(xi, yi, w):
        valid = (xi >= 0) & (xi <= W - 1) & (yi >= 0) & (yi <= H - 1)
        xc = jnp.clip(xi, 0, W - 1).astype(jnp.int32)
        yc = jnp.clip(yi, 0, H - 1).astype(jnp.int32)
        vals = img[:, yc, xc]  # [C, N] gather
        return vals * (w * valid.astype(img.dtype))[None, :]

    out = tap(x0, y0, wx0 * wy0) + tap(x1, y0, wx1 * wy0) + tap(x0, y1, wx0 * wy1) + tap(x1, y1, wx1 * wy1)
    return out  # [C, N]


def reference(x, image_num, image_ids, cols, rows):
    cols_f = cols.astype(jnp.float32)
    rows_f = rows.astype(jnp.float32)
    cols_norm = 2.0 * cols_f / WIDTH - 1.0
    rows_norm = 2.0 * rows_f / HEIGHT / image_num - 1.0
    # x: [image_num, C, H, W] -> [1, C, H*image_num, W] (images stacked vertically)
    image_num_static = x.shape[0]
    xr = jnp.transpose(x, (1, 0, 2, 3)).reshape(1, IN_CH, HEIGHT * image_num_static, WIDTH)
    sampled = _grid_sample_bilinear(xr[0], cols_norm, rows_norm)  # [C, N]
    n = sampled.shape[1]
    out = jnp.broadcast_to(sampled[:, None, :], (IN_CH, WIDTH, n))  # repeat(1, W, 1)
    return jnp.transpose(out, (2, 0, 1))  # [N, C, W]

if __name__ == "__main__":
    import jax
    _d = setup_inputs()
    print(jax.jit(kernel)(*tuple(_d.values())))

</pallas_src>

<mosaic_0001>
#map = affine_map<(d0, d1) -> (0)>
#map1 = affine_map<(d0, d1) -> (0, 0, 0)>
module attributes {stable_mosaic.version = 14 : i64} {
  func.func @_sc_sample(%arg0: i32, %arg1: i32, %arg2: memref<16777216xf32, #tpu.memory_space<hbm>>, %arg3: memref<1024xi32, #tpu.memory_space<hbm>>, %arg4: memref<1024xi32, #tpu.memory_space<hbm>>, %arg5: memref<32x128x32xf32, #tpu.memory_space<hbm>>, %arg6: memref<32xi32, #tpu.memory_space<vmem>>, %arg7: memref<32xi32, #tpu.memory_space<vmem>>, %arg8: memref<128xi32, #tpu.memory_space<vmem>>, %arg9: memref<128xf32, #tpu.memory_space<vmem>>, %arg10: memref<16384xi32, #tpu.memory_space<vmem>>, %arg11: memref<16384xf32, #tpu.memory_space<vmem>>, %arg12: memref<128x32xf32, #tpu.memory_space<vmem>>, %arg13: memref<!tpu.dma_semaphore, #tpu.memory_space<semaphore_mem>>) attributes {dimension_semantics = [#tpu.dimension_semantics<core_parallel>, #tpu.dimension_semantics<subcore_parallel>], iteration_bounds = array<i64: 2, 16>, scalar_prefetch = 0 : i64, scratch_operands = 8 : i64, tpu.core_type = #tpu.core_type<sc_vector_subcore>, window_params = [{transform_indices = #map}, {transform_indices = #map}, {transform_indices = #map}, {transform_indices = #map1}]} {
    %mul3A = arith.constant 2 : i32
    %mul3A_0 = arith.muli %arg1, %mul3A : i32
    %add3A = arith.addi %mul3A_0, %arg0 : i32
    %mul3A_1 = arith.constant 32 : i32
    %mul3A_2 = arith.muli %add3A, %mul3A_1 : i32
    "tpu.region"() ({
      %run_scoped3A = tpu.sem_alloc : memref<!tpu.dma_semaphore, #tpu.memory_space<semaphore_mem>>
      %dma_start3A_268 = tpu.memref_slice %arg3[%mul3A_2] : memref<1024xi32, #tpu.memory_space<hbm>> -> memref<32xi32, #tpu.memory_space<hbm>>
      %dma_start3A_269 = tpu.memref_slice %arg3[%mul3A_2] : memref<1024xi32, #tpu.memory_space<hbm>> -> memref<32xi32, #tpu.memory_space<hbm>>
      tpu.enqueue_dma source(%dma_start3A_269 : memref<32xi32, #tpu.memory_space<hbm>>) target(%arg6 : memref<32xi32, #tpu.memory_space<vmem>>) target_semaphore(%run_scoped3A : memref<!tpu.dma_semaphore, #tpu.memory_space<semaphore_mem>>)
      %dma_wait3A_270 = tpu.memref_slice %arg3[%mul3A_2] : memref<1024xi32, #tpu.memory_space<hbm>> -> memref<32xi32, #tpu.memory_space<hbm>>
      %dma_wait3A_271 = tpu.memref_slice %arg3[%mul3A_2] : memref<1024xi32, #tpu.memory_space<hbm>> -> memref<32xi32, #tpu.memory_space<hbm>>
      tpu.wait_dma2 semaphore(%run_scoped3A : memref<!tpu.dma_semaphore, #tpu.memory_space<semaphore_mem>>) src(%dma_wait3A_271 : memref<32xi32, #tpu.memory_space<hbm>>) dst(%arg6 : memref<32xi32, #tpu.memory_space<vmem>>)
      tpu.yield
    }) : () -> ()
    "tpu.region"() ({
      %run_scoped3A = tpu.sem_alloc : memref<!tpu.dma_semaphore, #tpu.memory_space<semaphore_mem>>
      %dma_start3A_268 = tpu.memref_slice %arg4[%mul3A_2] : memref<1024xi32, #tpu.memory_space<hbm>> -> memref<32xi32, #tpu.memory_space<hbm>>
      %dma_start3A_269 = tpu.memref_slice %arg4[%mul3A_2] : memref<1024xi32, #tpu.memory_space<hbm>> -> memref<32xi32, #tpu.memory_space<hbm>>
      tpu.enqueue_dma source(%dma_start3A_269 : memref<32xi32, #tpu.memory_space<hbm>>) target(%arg7 : memref<32xi32, #tpu.memory_space<vmem>>) target_semaphore(%run_scoped3A : memref<!tpu.dma_semaphore, #tpu.memory_space<semaphore_mem>>)
      %dma_wait3A_270 = tpu.memref_slice %arg4[%mul3A_2] : memref<1024xi32, #tpu.memory_space<hbm>> -> memref<32xi32, #tpu.memory_space<hbm>>
      %dma_wait3A_271 = tpu.memref_slice %arg4[%mul3A_2] : memref<1024xi32, #tpu.memory_space<hbm>> -> memref<32xi32, #tpu.memory_space<hbm>>
      tpu.wait_dma2 semaphore(%run_scoped3A : memref<!tpu.dma_semaphore, #tpu.memory_space<semaphore_mem>>) src(%dma_wait3A_271 : memref<32xi32, #tpu.memory_space<hbm>>) dst(%arg7 : memref<32xi32, #tpu.memory_space<vmem>>)
      tpu.yield
    }) : () -> ()
    %get3A = arith.constant 0 : index
    %get3A_3 = tpu.vector_load %arg6[%get3A] {strides = array<i32>} : memref<32xi32, #tpu.memory_space<vmem>>, vector<16xi32>,
    %get3A_4 = vector.shape_cast %get3A_3 : vector<16xi32> to vector<16xi32>
    %get3A_5 = arith.constant 0 : index
    %get3A_6 = tpu.vector_load %arg7[%get3A_5] {strides = array<i32>} : memref<32xi32, #tpu.memory_space<vmem>>, vector<16xi32>,
    %get3A_7 = vector.shape_cast %get3A_6 : vector<16xi32> to vector<16xi32>
    %sub3A = arith.constant 1 : i32
    %sub3A_8 = vector.broadcast %sub3A : i32 to vector<16xi32>
    %sub3A_9 = arith.subi %get3A_4, %sub3A_8 : vector<16xi32>
    %sub3A_10 = arith.constant 1 : i32
    %sub3A_11 = vector.broadcast %sub3A_10 : i32 to vector<16xi32>
    %sub3A_12 = arith.subi %get3A_7, %sub3A_11 : vector<16xi32>
    %ge3A = arith.constant 0 : i32
    %ge3A_13 = vector.broadcast %ge3A : i32 to vector<16xi32>
    %ge3A_14 = arith.cmpi sge, %sub3A_9, %ge3A_13 : vector<16xi32>
    %ge3A_15 = arith.constant 0 : i32
    %ge3A_16 = vector.broadcast %ge3A_15 : i32 to vector<16xi32>
    %ge3A_17 = arith.cmpi sge, %sub3A_12, %ge3A_16 : vector<16xi32>
    %max3A = arith.constant 0 : i32
    %max3A_18 = vector.broadcast %max3A : i32 to vector<16xi32>
    %max3A_19 = arith.maxsi %sub3A_9, %max3A_18 : vector<16xi32>
    %max3A_20 = arith.constant 0 : i32
    %max3A_21 = vector.broadcast %max3A_20 : i32 to vector<16xi32>
    %max3A_22 = arith.maxsi %sub3A_12, %max3A_21 : vector<16xi32>
    %shift_right_arithmetic3A = arith.constant 7 : i32
    %shift_right_arithmetic3A_23 = vector.broadcast %shift_right_arithmetic3A : i32 to vector<16xi32>
    %shift_right_arithmetic3A_24 = arith.shrsi %max3A_19, %shift_right_arithmetic3A_23 : vector<16xi32>
    %mul3A_25 = arith.constant 2097152 : i32
    %mul3A_26 = vector.broadcast %mul3A_25 : i32 to vector<16xi32>
    %mul3A_27 = arith.muli %shift_right_arithmetic3A_24, %mul3A_26 : vector<16xi32>
    %and3A = arith.constant 127 : i32
    %and3A_28 = vector.broadcast %and3A : i32 to vector<16xi32>
    %and3A_29 = arith.andi %max3A_19, %and3A_28 : vector<16xi32>
    %mul3A_30 = arith.constant 128 : i32
    %mul3A_31 = vector.broadcast %mul3A_30 : i32 to vector<16xi32>
    %mul3A_32 = arith.muli %and3A_29, %mul3A_31 : vector<16xi32>
    %add3A_33 = arith.addi %mul3A_27, %mul3A_32 : vector<16xi32>
    %add3A_34 = arith.addi %add3A_33, %max3A_22 : vector<16xi32>
    %and3A_35 = arith.andi %ge3A_14, %ge3A_17 : vector<16xi1>
    %jit3A = arith.constant 2.500000e-01 : f32
    %jit3A_36 = arith.constant 0.000000e+00 : f32
    %broadcast_in_dim3A = vector.broadcast %jit3A : f32 to vector<16xf32>
    %broadcast_in_dim3A_37 = vector.broadcast %jit3A_36 : f32 to vector<16xf32>
    %select_n3A = arith.select %and3A_35, %broadcast_in_dim3A, %broadcast_in_dim3A_37 : vector<16xi1>, vector<16xf32>
    %shift_right_arithmetic3A_38 = arith.constant 7 : i32
    %shift_right_arithmetic3A_39 = vector.broadcast %shift_right_arithmetic3A_38 : i32 to vector<16xi32>
    %shift_right_arithmetic3A_40 = arith.shrsi %max3A_19, %shift_right_arithmetic3A_39 : vector<16xi32>
    %mul3A_41 = arith.constant 2097152 : i32
    %mul3A_42 = vector.broadcast %mul3A_41 : i32 to vector<16xi32>
    %mul3A_43 = arith.muli %shift_right_arithmetic3A_40, %mul3A_42 : vector<16xi32>
    %and3A_44 = arith.constant 127 : i32
    %and3A_45 = vector.broadcast %and3A_44 : i32 to vector<16xi32>
    %and3A_46 = arith.andi %max3A_19, %and3A_45 : vector<16xi32>
    %mul3A_47 = arith.constant 128 : i32
    %mul3A_48 = vector.broadcast %mul3A_47 : i32 to vector<16xi32>
    %mul3A_49 = arith.muli %and3A_46, %mul3A_48 : vector<16xi32>
    %add3A_50 = arith.addi %mul3A_43, %mul3A_49 : vector<16xi32>
    %add3A_51 = arith.addi %add3A_50, %get3A_7 : vector<16xi32>
    %jit3A_52 = arith.constant 2.500000e-01 : f32
    %jit3A_53 = arith.constant 0.000000e+00 : f32
    %broadcast_in_dim3A_54 = vector.broadcast %jit3A_52 : f32 to vector<16xf32>
    %broadcast_in_dim3A_55 = vector.broadcast %jit3A_53 : f32 to vector<16xf32>
    %select_n3A_56 = arith.select %ge3A_14, %broadcast_in_dim3A_54, %broadcast_in_dim3A_55 : vector<16xi1>, vector<16xf32>
    %shift_right_arithmetic3A_57 = arith.constant 7 : i32
    %shift_right_arithmetic3A_58 = vector.broadcast %shift_right_arithmetic3A_57 : i32 to vector<16xi32>
    %shift_right_arithmetic3A_59 = arith.shrsi %get3A_4, %shift_right_arithmetic3A_58 : vector<16xi32>
    %mul3A_60 = arith.constant 2097152 : i32
    %mul3A_61 = vector.broadcast %mul3A_60 : i32 to vector<16xi32>
    %mul3A_62 = arith.muli %shift_right_arithmetic3A_59, %mul3A_61 : vector<16xi32>
    %and3A_63 = arith.constant 127 : i32
    %and3A_64 = vector.broadcast %and3A_63 : i32 to vector<16xi32>
    %and3A_65 = arith.andi %get3A_4, %and3A_64 : vector<16xi32>
    %mul3A_66 = arith.constant 128 : i32
    %mul3A_67 = vector.broadcast %mul3A_66 : i32 to vector<16xi32>
    %mul3A_68 = arith.muli %and3A_65, %mul3A_67 : vector<16xi32>
    %add3A_69 = arith.addi %mul3A_62, %mul3A_68 : vector<16xi32>
    %add3A_70 = arith.addi %add3A_69, %max3A_22 : vector<16xi32>
    %jit3A_71 = arith.constant 2.500000e-01 : f32
    %jit3A_72 = arith.constant 0.000000e+00 : f32
    %broadcast_in_dim3A_73 = vector.broadcast %jit3A_71 : f32 to vector<16xf32>
    %broadcast_in_dim3A_74 = vector.broadcast %jit3A_72 : f32 to vector<16xf32>
    %select_n3A_75 = arith.select %ge3A_17, %broadcast_in_dim3A_73, %broadcast_in_dim3A_74 : vector<16xi1>, vector<16xf32>
    %shift_right_arithmetic3A_76 = arith.constant 7 : i32
    %shift_right_arithmetic3A_77 = vector.broadcast %shift_right_arithmetic3A_76 : i32 to vector<16xi32>
    %shift_right_arithmetic3A_78 = arith.shrsi %get3A_4, %shift_right_arithmetic3A_77 : vector<16xi32>
    %mul3A_79 = arith.constant 2097152 : i32
    %mul3A_80 = vector.broadcast %mul3A_79 : i32 to vector<16xi32>
    %mul3A_81 = arith.muli %shift_right_arithmetic3A_78, %mul3A_80 : vector<16xi32>
    %and3A_82 = arith.constant 127 : i32
    %and3A_83 = vector.broadcast %and3A_82 : i32 to vector<16xi32>
    %and3A_84 = arith.andi %get3A_4, %and3A_83 : vector<16xi32>
    %mul3A_85 = arith.constant 128 : i32
    %mul3A_86 = vector.broadcast %mul3A_85 : i32 to vector<16xi32>
    %mul3A_87 = arith.muli %and3A_84, %mul3A_86 : vector<16xi32>
    %add3A_88 = arith.addi %mul3A_81, %mul3A_87 : vector<16xi32>
    %add3A_89 = arith.addi %add3A_88, %get3A_7 : vector<16xi32>
    %broadcast_in_dim3A_90 = arith.constant 2.500000e-01 : f32
    %broadcast_in_dim3A_91 = vector.broadcast %broadcast_in_dim3A_90 : f32 to vector<16xf32>
    %swap3A = arith.constant 0 : index
    %swap3A_92 = tpu.vector_load %arg8[%swap3A] {strides = array<i32>} : memref<128xi32, #tpu.memory_space<vmem>>, vector<16xi32>,
    %swap3A_93 = vector.shape_cast %swap3A_92 : vector<16xi32> to vector<16xi32>
    %swap3A_94 = vector.shape_cast %add3A_34 : vector<16xi32> to vector<16xi32>
    tpu.vector_store %arg8[%swap3A], %swap3A_94 {strides = array<i32>} : memref<128xi32, #tpu.memory_space<vmem>>, vector<16xi32>,
    %swap3A_95 = arith.constant 0 : index
    %swap3A_96 = tpu.vector_load %arg9[%swap3A_95] {strides = array<i32>} : memref<128xf32, #tpu.memory_space<vmem>>, vector<16xf32>,
    %swap3A_97 = vector.shape_cast %swap3A_96 : vector<16xf32> to vector<16xf32>
    %swap3A_98 = vector.shape_cast %select_n3A : vector<16xf32> to vector<16xf32>
    tpu.vector_store %arg9[%swap3A_95], %swap3A_98 {strides = array<i32>} : memref<128xf32, #tpu.memory_space<vmem>>, vector<16xf32>,
    %swap3A_99 = arith.constant 32 : index
    %swap3A_100 = tpu.vector_load %arg8[%swap3A_99] {strides = array<i32>} : memref<128xi32, #tpu.memory_space<vmem>>, vector<16xi32>,
    %swap3A_101 = vector.shape_cast %swap3A_100 : vector<16xi32> to vector<16xi32>
    %swap3A_102 = vector.shape_cast %add3A_51 : vector<16xi32> to vector<16xi32>
    tpu.vector_store %arg8[%swap3A_99], %swap3A_102 {strides = array<i32>} : memref<128xi32, #tpu.memory_space<vmem>>, vector<16xi32>,
    %swap3A_103 = arith.constant 32 : index
    %swap3A_104 = tpu.vector_load %arg9[%swap3A_103] {strides = array<i32>} : memref<128xf32, #tpu.memory_space<vmem>>, vector<16xf32>,
    %swap3A_105 = vector.shape_cast %swap3A_104 : vector<16xf32> to vector<16xf32>
    %swap3A_106 = vector.shape_cast %select_n3A_56 : vector<16xf32> to vector<16xf32>
    tpu.vector_store %arg9[%swap3A_103], %swap3A_106 {strides = array<i32>} : memref<128xf32, #tpu.memory_space<vmem>>, vector<16xf32>,
    %swap3A_107 = arith.constant 64 : index
    %swap3A_108 = tpu.vector_load %arg8[%swap3A_107] {strides = array<i32>} : memref<128xi32, #tpu.memory_space<vmem>>, vector<16xi32>,
    %swap3A_109 = vector.shape_cast %swap3A_108 : vector<16xi32> to vector<16xi32>
    %swap3A_110 = vector.shape_cast %add3A_70 : vector<16xi32> to vector<16xi32>
    tpu.vector_store %arg8[%swap3A_107], %swap3A_110 {strides = array<i32>} : memref<128xi32, #tpu.memory_space<vmem>>, vector<16xi32>,
    %swap3A_111 = arith.constant 64 : index
    %swap3A_112 = tpu.vector_load %arg9[%swap3A_111] {strides = array<i32>} : memref<128xf32, #tpu.memory_space<vmem>>, vector<16xf32>,
    %swap3A_113 = vector.shape_cast %swap3A_112 : vector<16xf32> to vector<16xf32>
    %swap3A_114 = vector.shape_cast %select_n3A_75 : vector<16xf32> to vector<16xf32>
    tpu.vector_store %arg9[%swap3A_111], %swap3A_114 {strides = array<i32>} : memref<128xf32, #tpu.memory_space<vmem>>, vector<16xf32>,
    %swap3A_115 = arith.constant 96 : index
    %swap3A_116 = tpu.vector_load %arg8[%swap3A_115] {strides = array<i32>} : memref<128xi32, #tpu.memory_space<vmem>>, vector<16xi32>,
    %swap3A_117 = vector.shape_cast %swap3A_116 : vector<16xi32> to vector<16xi32>
    %swap3A_118 = vector.shape_cast %add3A_89 : vector<16xi32> to vector<16xi32>
    tpu.vector_store %arg8[%swap3A_115], %swap3A_118 {strides = array<i32>} : memref<128xi32, #tpu.memory_space<vmem>>, vector<16xi32>,
    %swap3A_119 = arith.constant 96 : index
    %swap3A_120 = tpu.vector_load %arg9[%swap3A_119] {strides = array<i32>} : memref<128xf32, #tpu.memory_space<vmem>>, vector<16xf32>,
    %swap3A_121 = vector.shape_cast %swap3A_120 : vector<16xf32> to vector<16xf32>
    %swap3A_122 = vector.shape_cast %broadcast_in_dim3A_91 : vector<16xf32> to vector<16xf32>
    tpu.vector_store %arg9[%swap3A_119], %swap3A_122 {strides = array<i32>} : memref<128xf32, #tpu.memory_space<vmem>>, vector<16xf32>,
    %get3A_123 = arith.constant 16 : index
    %get3A_124 = tpu.vector_load %arg6[%get3A_123] {strides = array<i32>} : memref<32xi32, #tpu.memory_space<vmem>>, vector<16xi32>,
    %get3A_125 = vector.shape_cast %get3A_124 : vector<16xi32> to vector<16xi32>
    %get3A_126 = arith.constant 16 : index
    %get3A_127 = tpu.vector_load %arg7[%get3A_126] {strides = array<i32>} : memref<32xi32, #tpu.memory_space<vmem>>, vector<16xi32>,
    %get3A_128 = vector.shape_cast %get3A_127 : vector<16xi32> to vector<16xi32>
    %sub3A_129 = arith.constant 1 : i32
    %sub3A_130 = vector.broadcast %sub3A_129 : i32 to vector<16xi32>
    %sub3A_131 = arith.subi %get3A_125, %sub3A_130 : vector<16xi32>
    %sub3A_132 = arith.constant 1 : i32
    %sub3A_133 = vector.broadcast %sub3A_132 : i32 to vector<16xi32>
    %sub3A_134 = arith.subi %get3A_128, %sub3A_133 : vector<16xi32>
    %ge3A_135 = arith.constant 0 : i32
    %ge3A_136 = vector.broadcast %ge3A_135 : i32 to vector<16xi32>
    %ge3A_137 = arith.cmpi sge, %sub3A_131, %ge3A_136 : vector<16xi32>
    %ge3A_138 = arith.constant 0 : i32
    %ge3A_139 = vector.broadcast %ge3A_138 : i32 to vector<16xi32>
    %ge3A_140 = arith.cmpi sge, %sub3A_134, %ge3A_139 : vector<16xi32>
    %max3A_141 = arith.constant 0 : i32
    %max3A_142 = vector.broadcast %max3A_141 : i32 to vector<16xi32>
    %max3A_143 = arith.maxsi %sub3A_131, %max3A_142 : vector<16xi32>
    %max3A_144 = arith.constant 0 : i32
    %max3A_145 = vector.broadcast %max3A_144 : i32 to vector<16xi32>
    %max3A_146 = arith.maxsi %sub3A_134, %max3A_145 : vector<16xi32>
    %shift_right_arithmetic3A_147 = arith.constant 7 : i32
    %shift_right_arithmetic3A_148 = vector.broadcast %shift_right_arithmetic3A_147 : i32 to vector<16xi32>
    %shift_right_arithmetic3A_149 = arith.shrsi %max3A_143, %shift_right_arithmetic3A_148 : vector<16xi32>
    %mul3A_150 = arith.constant 2097152 : i32
    %mul3A_151 = vector.broadcast %mul3A_150 : i32 to vector<16xi32>
    %mul3A_152 = arith.muli %shift_right_arithmetic3A_149, %mul3A_151 : vector<16xi32>
    %and3A_153 = arith.constant 127 : i32
    %and3A_154 = vector.broadcast %and3A_153 : i32 to vector<16xi32>
    %and3A_155 = arith.andi %max3A_143, %and3A_154 : vector<16xi32>
    %mul3A_156 = arith.constant 128 : i32
    %mul3A_157 = vector.broadcast %mul3A_156 : i32 to vector<16xi32>
    %mul3A_158 = arith.muli %and3A_155, %mul3A_157 : vector<16xi32>
    %add3A_159 = arith.addi %mul3A_152, %mul3A_158 : vector<16xi32>
    %add3A_160 = arith.addi %add3A_159, %max3A_146 : vector<16xi32>
    %and3A_161 = arith.andi %ge3A_137, %ge3A_140 : vector<16xi1>
    %jit3A_162 = arith.constant 2.500000e-01 : f32
    %jit3A_163 = arith.constant 0.000000e+00 : f32
    %broadcast_in_dim3A_164 = vector.broadcast %jit3A_162 : f32 to vector<16xf32>
    %broadcast_in_dim3A_165 = vector.broadcast %jit3A_163 : f32 to vector<16xf32>
    %select_n3A_166 = arith.select %and3A_161, %broadcast_in_dim3A_164, %broadcast_in_dim3A_165 : vector<16xi1>, vector<16xf32>
    %shift_right_arithmetic3A_167 = arith.constant 7 : i32
    %shift_right_arithmetic3A_168 = vector.broadcast %shift_right_arithmetic3A_167 : i32 to vector<16xi32>
    %shift_right_arithmetic3A_169 = arith.shrsi %max3A_143, %shift_right_arithmetic3A_168 : vector<16xi32>
    %mul3A_170 = arith.constant 2097152 : i32
    %mul3A_171 = vector.broadcast %mul3A_170 : i32 to vector<16xi32>
    %mul3A_172 = arith.muli %shift_right_arithmetic3A_169, %mul3A_171 : vector<16xi32>
    %and3A_173 = arith.constant 127 : i32
    %and3A_174 = vector.broadcast %and3A_173 : i32 to vector<16xi32>
    %and3A_175 = arith.andi %max3A_143, %and3A_174 : vector<16xi32>
    %mul3A_176 = arith.constant 128 : i32
    %mul3A_177 = vector.broadcast %mul3A_176 : i32 to vector<16xi32>
    %mul3A_178 = arith.muli %and3A_175, %mul3A_177 : vector<16xi32>
    %add3A_179 = arith.addi %mul3A_172, %mul3A_178 : vector<16xi32>
    %add3A_180 = arith.addi %add3A_179, %get3A_128 : vector<16xi32>
    %jit3A_181 = arith.constant 2.500000e-01 : f32
    %jit3A_182 = arith.constant 0.000000e+00 : f32
    %broadcast_in_dim3A_183 = vector.broadcast %jit3A_181 : f32 to vector<16xf32>
    %broadcast_in_dim3A_184 = vector.broadcast %jit3A_182 : f32 to vector<16xf32>
    %select_n3A_185 = arith.select %ge3A_137, %broadcast_in_dim3A_183, %broadcast_in_dim3A_184 : vector<16xi1>, vector<16xf32>
    %shift_right_arithmetic3A_186 = arith.constant 7 : i32
    %shift_right_arithmetic3A_187 = vector.broadcast %shift_right_arithmetic3A_186 : i32 to vector<16xi32>
    %shift_right_arithmetic3A_188 = arith.shrsi %get3A_125, %shift_right_arithmetic3A_187 : vector<16xi32>
    %mul3A_189 = arith.constant 2097152 : i32
    %mul3A_190 = vector.broadcast %mul3A_189 : i32 to vector<16xi32>
    %mul3A_191 = arith.muli %shift_right_arithmetic3A_188, %mul3A_190 : vector<16xi32>
    %and3A_192 = arith.constant 127 : i32
    %and3A_193 = vector.broadcast %and3A_192 : i32 to vector<16xi32>
    %and3A_194 = arith.andi %get3A_125, %and3A_193 : vector<16xi32>
    %mul3A_195 = arith.constant 128 : i32
    %mul3A_196 = vector.broadcast %mul3A_195 : i32 to vector<16xi32>
    %mul3A_197 = arith.muli %and3A_194, %mul3A_196 : vector<16xi32>
    %add3A_198 = arith.addi %mul3A_191, %mul3A_197 : vector<16xi32>
    %add3A_199 = arith.addi %add3A_198, %max3A_146 : vector<16xi32>
    %jit3A_200 = arith.constant 2.500000e-01 : f32
    %jit3A_201 = arith.constant 0.000000e+00 : f32
    %broadcast_in_dim3A_202 = vector.broadcast %jit3A_200 : f32 to vector<16xf32>
    %broadcast_in_dim3A_203 = vector.broadcast %jit3A_201 : f32 to vector<16xf32>
    %select_n3A_204 = arith.select %ge3A_140, %broadcast_in_dim3A_202, %broadcast_in_dim3A_203 : vector<16xi1>, vector<16xf32>
    %shift_right_arithmetic3A_205 = arith.constant 7 : i32
    %shift_right_arithmetic3A_206 = vector.broadcast %shift_right_arithmetic3A_205 : i32 to vector<16xi32>
    %shift_right_arithmetic3A_207 = arith.shrsi %get3A_125, %shift_right_arithmetic3A_206 : vector<16xi32>
    %mul3A_208 = arith.constant 2097152 : i32
    %mul3A_209 = vector.broadcast %mul3A_208 : i32 to vector<16xi32>
    %mul3A_210 = arith.muli %shift_right_arithmetic3A_207, %mul3A_209 : vector<16xi32>
    %and3A_211 = arith.constant 127 : i32
    %and3A_212 = vector.broadcast %and3A_211 : i32 to vector<16xi32>
    %and3A_213 = arith.andi %get3A_125, %and3A_212 : vector<16xi32>
    %mul3A_214 = arith.constant 128 : i32
    %mul3A_215 = vector.broadcast %mul3A_214 : i32 to vector<16xi32>
    %mul3A_216 = arith.muli %and3A_213, %mul3A_215 : vector<16xi32>
    %add3A_217 = arith.addi %mul3A_210, %mul3A_216 : vector<16xi32>
    %add3A_218 = arith.addi %add3A_217, %get3A_128 : vector<16xi32>
    %broadcast_in_dim3A_219 = arith.constant 2.500000e-01 : f32
    %broadcast_in_dim3A_220 = vector.broadcast %broadcast_in_dim3A_219 : f32 to vector<16xf32>
    %swap3A_221 = arith.constant 16 : index
    %swap3A_222 = tpu.vector_load %arg8[%swap3A_221] {strides = array<i32>} : memref<128xi32, #tpu.memory_space<vmem>>, vector<16xi32>,
    %swap3A_223 = vector.shape_cast %swap3A_222 : vector<16xi32> to vector<16xi32>
    %swap3A_224 = vector.shape_cast %add3A_160 : vector<16xi32> to vector<16xi32>
    tpu.vector_store %arg8[%swap3A_221], %swap3A_224 {strides = array<i32>} : memref<128xi32, #tpu.memory_space<vmem>>, vector<16xi32>,
    %swap3A_225 = arith.constant 16 : index
    %swap3A_226 = tpu.vector_load %arg9[%swap3A_225] {strides = array<i32>} : memref<128xf32, #tpu.memory_space<vmem>>, vector<16xf32>,
    %swap3A_227 = vector.shape_cast %swap3A_226 : vector<16xf32> to vector<16xf32>
    %swap3A_228 = vector.shape_cast %select_n3A_166 : vector<16xf32> to vector<16xf32>
    tpu.vector_store %arg9[%swap3A_225], %swap3A_228 {strides = array<i32>} : memref<128xf32, #tpu.memory_space<vmem>>, vector<16xf32>,
    %swap3A_229 = arith.constant 48 : index
    %swap3A_230 = tpu.vector_load %arg8[%swap3A_229] {strides = array<i32>} : memref<128xi32, #tpu.memory_space<vmem>>, vector<16xi32>,
    %swap3A_231 = vector.shape_cast %swap3A_230 : vector<16xi32> to vector<16xi32>
    %swap3A_232 = vector.shape_cast %add3A_180 : vector<16xi32> to vector<16xi32>
    tpu.vector_store %arg8[%swap3A_229], %swap3A_232 {strides = array<i32>} : memref<128xi32, #tpu.memory_space<vmem>>, vector<16xi32>,
    %swap3A_233 = arith.constant 48 : index
    %swap3A_234 = tpu.vector_load %arg9[%swap3A_233] {strides = array<i32>} : memref<128xf32, #tpu.memory_space<vmem>>, vector<16xf32>,
    %swap3A_235 = vector.shape_cast %swap3A_234 : vector<16xf32> to vector<16xf32>
    %swap3A_236 = vector.shape_cast %select_n3A_185 : vector<16xf32> to vector<16xf32>
    tpu.vector_store %arg9[%swap3A_233], %swap3A_236 {strides = array<i32>} : memref<128xf32, #tpu.memory_space<vmem>>, vector<16xf32>,
    %swap3A_237 = arith.constant 80 : index
    %swap3A_238 = tpu.vector_load %arg8[%swap3A_237] {strides = array<i32>} : memref<128xi32, #tpu.memory_space<vmem>>, vector<16xi32>,
    %swap3A_239 = vector.shape_cast %swap3A_238 : vector<16xi32> to vector<16xi32>
    %swap3A_240 = vector.shape_cast %add3A_199 : vector<16xi32> to vector<16xi32>
    tpu.vector_store %arg8[%swap3A_237], %swap3A_240 {strides = array<i32>} : memref<128xi32, #tpu.memory_space<vmem>>, vector<16xi32>,
    %swap3A_241 = arith.constant 80 : index
    %swap3A_242 = tpu.vector_load %arg9[%swap3A_241] {strides = array<i32>} : memref<128xf32, #tpu.memory_space<vmem>>, vector<16xf32>,
    %swap3A_243 = vector.shape_cast %swap3A_242 : vector<16xf32> to vector<16xf32>
    %swap3A_244 = vector.shape_cast %select_n3A_204 : vector<16xf32> to vector<16xf32>
    tpu.vector_store %arg9[%swap3A_241], %swap3A_244 {strides = array<i32>} : memref<128xf32, #tpu.memory_space<vmem>>, vector<16xf32>,
    %swap3A_245 = arith.constant 112 : index
    %swap3A_246 = tpu.vector_load %arg8[%swap3A_245] {strides = array<i32>} : memref<128xi32, #tpu.memory_space<vmem>>, vector<16xi32>,
    %swap3A_247 = vector.shape_cast %swap3A_246 : vector<16xi32> to vector<16xi32>
    %swap3A_248 = vector.shape_cast %add3A_218 : vector<16xi32> to vector<16xi32>
    tpu.vector_store %arg8[%swap3A_245], %swap3A_248 {strides = array<i32>} : memref<128xi32, #tpu.memory_space<vmem>>, vector<16xi32>,
    %swap3A_249 = arith.constant 112 : index
    %swap3A_250 = tpu.vector_load %arg9[%swap3A_249] {strides = array<i32>} : memref<128xf32, #tpu.memory_space<vmem>>, vector<16xf32>,
    %swap3A_251 = vector.shape_cast %swap3A_250 : vector<16xf32> to vector<16xf32>
    %swap3A_252 = vector.shape_cast %broadcast_in_dim3A_220 : vector<16xf32> to vector<16xf32>
    tpu.vector_store %arg9[%swap3A_249], %swap3A_252 {strides = array<i32>} : memref<128xf32, #tpu.memory_space<vmem>>, vector<16xf32>,
    %broadcast_in_dim3A_253 = arith.constant 0 : i32
    %broadcast_in_dim3A_254 = vector.broadcast %broadcast_in_dim3A_253 : i32 to vector<16xi32>
    %scan3A = arith.constant 0 : i32
    %scan3A_255 = arith.constant 128 : i32
    %scan3A_256 = arith.addi %scan3A, %scan3A_255 : i32
    %scan3A_257 = arith.constant 2 : i32
    %scan3A_258 = scf.for %scan3A_268 = %scan3A to %scan3A_256 step %scan3A_257 iter_args(%scan3A_269 = %broadcast_in_dim3A_254) -> (vector<16xi32>)  : i32 {
      %get3A_270 = arith.constant 0 : index
      %get3A_271 = tpu.vector_load %arg8[%get3A_270] {strides = array<i32>} : memref<128xi32, #tpu.memory_space<vmem>>, vector<16xi32>,
      %get3A_272 = vector.shape_cast %get3A_271 : vector<16xi32> to vector<16xi32>
      %add3A_273 = arith.addi %get3A_272, %scan3A_269 : vector<16xi32>
      %mul3A_274 = arith.constant 32 : i32
      %mul3A_275 = arith.muli %scan3A_268, %mul3A_274 : i32
      %add3A_276 = arith.constant 0 : i32
      %add3A_277 = arith.addi %mul3A_275, %add3A_276 : i32
      %add3A_278 = arith.constant 0 : i32
      %add3A_279 = arith.addi %add3A_277, %add3A_278 : i32
      %swap3A_280 = arith.index_cast %add3A_279 : i32 to index
      %swap3A_281 = tpu.vector_load %arg10[%swap3A_280] {strides = array<i32>} : memref<16384xi32, #tpu.memory_space<vmem>>, vector<16xi32>,
      %swap3A_282 = vector.shape_cast %swap3A_281 : vector<16xi32> to vector<16xi32>
      %swap3A_283 = vector.shape_cast %add3A_273 : vector<16xi32> to vector<16xi32>
      tpu.vector_store %arg10[%swap3A_280], %swap3A_283 {strides = array<i32>} : memref<16384xi32, #tpu.memory_space<vmem>>, vector<16xi32>,
      %get3A_284 = arith.constant 16 : index
      %get3A_285 = tpu.vector_load %arg8[%get3A_284] {strides = array<i32>} : memref<128xi32, #tpu.memory_space<vmem>>, vector<16xi32>,
      %get3A_286 = vector.shape_cast %get3A_285 : vector<16xi32> to vector<16xi32>
      %add3A_287 = arith.addi %get3A_286, %scan3A_269 : vector<16xi32>
      %mul3A_288 = arith.constant 32 : i32
      %mul3A_289 = arith.muli %scan3A_268, %mul3A_288 : i32
      %add3A_290 = arith.constant 0 : i32
      %add3A_291 = arith.addi %mul3A_289, %add3A_290 : i32
      %add3A_292 = arith.constant 16 : i32
      %add3A_293 = arith.addi %add3A_291, %add3A_292 : i32
      %swap3A_294 = arith.index_cast %add3A_293 : i32 to index
      %swap3A_295 = tpu.vector_load %arg10[%swap3A_294] {strides = array<i32>} : memref<16384xi32, #tpu.memory_space<vmem>>, vector<16xi32>,
      %swap3A_296 = vector.shape_cast %swap3A_295 : vector<16xi32> to vector<16xi32>
      %swap3A_297 = vector.shape_cast %add3A_287 : vector<16xi32> to vector<16xi32>
      tpu.vector_store %arg10[%swap3A_294], %swap3A_297 {strides = array<i32>} : memref<16384xi32, #tpu.memory_space<vmem>>, vector<16xi32>,
      %get3A_298 = arith.constant 32 : index
      %get3A_299 = tpu.vector_load %arg8[%get3A_298] {strides = array<i32>} : memref<128xi32, #tpu.memory_space<vmem>>, vector<16xi32>,
      %get3A_300 = vector.shape_cast %get3A_299 : vector<16xi32> to vector<16xi32>
      %add3A_301 = arith.addi %get3A_300, %scan3A_269 : vector<16xi32>
      %mul3A_302 = arith.constant 32 : i32
      %mul3A_303 = arith.muli %scan3A_268, %mul3A_302 : i32
      %add3A_304 = arith.constant 4096 : i32
      %add3A_305 = arith.addi %mul3A_303, %add3A_304 : i32
      %add3A_306 = arith.constant 0 : i32
      %add3A_307 = arith.addi %add3A_305, %add3A_306 : i32
      %swap3A_308 = arith.index_cast %add3A_307 : i32 to index
      %swap3A_309 = tpu.vector_load %arg10[%swap3A_308] {strides = array<i32>} : memref<16384xi32, #tpu.memory_space<vmem>>, vector<16xi32>,
      %swap3A_310 = vector.shape_cast %swap3A_309 : vector<16xi32> to vector<16xi32>
      %swap3A_311 = vector.shape_cast %add3A_301 : vector<16xi32> to vector<16xi32>
      tpu.vector_store %arg10[%swap3A_308], %swap3A_311 {strides = array<i32>} : memref<16384xi32, #tpu.memory_space<vmem>>, vector<16xi32>,
      %get3A_312 = arith.constant 48 : index
      %get3A_313 = tpu.vector_load %arg8[%get3A_312] {strides = array<i32>} : memref<128xi32, #tpu.memory_space<vmem>>, vector<16xi32>,
      %get3A_314 = vector.shape_cast %get3A_313 : vector<16xi32> to vector<16xi32>
      %add3A_315 = arith.addi %get3A_314, %scan3A_269 : vector<16xi32>
      %mul3A_316 = arith.constant 32 : i32
      %mul3A_317 = arith.muli %scan3A_268, %mul3A_316 : i32
      %add3A_318 = arith.constant 4096 : i32
      %add3A_319 = arith.addi %mul3A_317, %add3A_318 : i32
      %add3A_320 = arith.constant 16 : i32
      %add3A_321 = arith.addi %add3A_319, %add3A_320 : i32
      %swap3A_322 = arith.index_cast %add3A_321 : i32 to index
      %swap3A_323 = tpu.vector_load %arg10[%swap3A_322] {strides = array<i32>} : memref<16384xi32, #tpu.memory_space<vmem>>, vector<16xi32>,
      %swap3A_324 = vector.shape_cast %swap3A_323 : vector<16xi32> to vector<16xi32>
      %swap3A_325 = vector.shape_cast %add3A_315 : vector<16xi32> to vector<16xi32>
      tpu.vector_store %arg10[%swap3A_322], %swap3A_325 {strides = array<i32>} : memref<16384xi32, #tpu.memory_space<vmem>>, vector<16xi32>,
      %get3A_326 = arith.constant 64 : index
      %get3A_327 = tpu.vector_load %arg8[%get3A_326] {strides = array<i32>} : memref<128xi32, #tpu.memory_space<vmem>>, vector<16xi32>,
      %get3A_328 = vector.shape_cast %get3A_327 : vector<16xi32> to vector<16xi32>
      %add3A_329 = arith.addi %get3A_328, %scan3A_269 : vector<16xi32>
      %mul3A_330 = arith.constant 32 : i32
      %mul3A_331 = arith.muli %scan3A_268, %mul3A_330 : i32
      %add3A_332 = arith.constant 8192 : i32
      %add3A_333 = arith.addi %mul3A_331, %add3A_332 : i32
      %add3A_334 = arith.constant 0 : i32
      %add3A_335 = arith.addi %add3A_333, %add3A_334 : i32
      %swap3A_336 = arith.index_cast %add3A_335 : i32 to index
      %swap3A_337 = tpu.vector_load %arg10[%swap3A_336] {strides = array<i32>} : memref<16384xi32, #tpu.memory_space<vmem>>, vector<16xi32>,
      %swap3A_338 = vector.shape_cast %swap3A_337 : vector<16xi32> to vector<16xi32>
      %swap3A_339 = vector.shape_cast %add3A_329 : vector<16xi32> to vector<16xi32>
      tpu.vector_store %arg10[%swap3A_336], %swap3A_339 {strides = array<i32>} : memref<16384xi32, #tpu.memory_space<vmem>>, vector<16xi32>,
      %get3A_340 = arith.constant 80 : index
      %get3A_341 = tpu.vector_load %arg8[%get3A_340] {strides = array<i32>} : memref<128xi32, #tpu.memory_space<vmem>>, vector<16xi32>,
      %get3A_342 = vector.shape_cast %get3A_341 : vector<16xi32> to vector<16xi32>
      %add3A_343 = arith.addi %get3A_342, %scan3A_269 : vector<16xi32>
      %mul3A_344 = arith.constant 32 : i32
      %mul3A_345 = arith.muli %scan3A_268, %mul3A_344 : i32
      %add3A_346 = arith.constant 8192 : i32
      %add3A_347 = arith.addi %mul3A_345, %add3A_346 : i32
      %add3A_348 = arith.constant 16 : i32
      %add3A_349 = arith.addi %add3A_347, %add3A_348 : i32
      %swap3A_350 = arith.index_cast %add3A_349 : i32 to index
      %swap3A_351 = tpu.vector_load %arg10[%swap3A_350] {strides = array<i32>} : memref<16384xi32, #tpu.memory_space<vmem>>, vector<16xi32>,
      %swap3A_352 = vector.shape_cast %swap3A_351 : vector<16xi32> to vector<16xi32>
      %swap3A_353 = vector.shape_cast %add3A_343 : vector<16xi32> to vector<16xi32>
      tpu.vector_store %arg10[%swap3A_350], %swap3A_353 {strides = array<i32>} : memref<16384xi32, #tpu.memory_space<vmem>>, vector<16xi32>,
      %get3A_354 = arith.constant 96 : index
      %get3A_355 = tpu.vector_load %arg8[%get3A_354] {strides = array<i32>} : memref<128xi32, #tpu.memory_space<vmem>>, vector<16xi32>,
      %get3A_356 = vector.shape_cast %get3A_355 : vector<16xi32> to vector<16xi32>
      %add3A_357 = arith.addi %get3A_356, %scan3A_269 : vector<16xi32>
      %mul3A_358 = arith.constant 32 : i32
      %mul3A_359 = arith.muli %scan3A_268, %mul3A_358 : i32
      %add3A_360 = arith.constant 12288 : i32
      %add3A_361 = arith.addi %mul3A_359, %add3A_360 : i32
      %add3A_362 = arith.constant 0 : i32
      %add3A_363 = arith.addi %add3A_361, %add3A_362 : i32
      %swap3A_364 = arith.index_cast %add3A_363 : i32 to index
      %swap3A_365 = tpu.vector_load %arg10[%swap3A_364] {strides = array<i32>} : memref<16384xi32, #tpu.memory_space<vmem>>, vector<16xi32>,
      %swap3A_366 = vector.shape_cast %swap3A_365 : vector<16xi32> to vector<16xi32>
      %swap3A_367 = vector.shape_cast %add3A_357 : vector<16xi32> to vector<16xi32>
      tpu.vector_store %arg10[%swap3A_364], %swap3A_367 {strides = array<i32>} : memref<16384xi32, #tpu.memory_space<vmem>>, vector<16xi32>,
      %get3A_368 = arith.constant 112 : index
      %get3A_369 = tpu.vector_load %arg8[%get3A_368] {strides = array<i32>} : memref<128xi32, #tpu.memory_space<vmem>>, vector<16xi32>,
      %get3A_370 = vector.shape_cast %get3A_369 : vector<16xi32> to vector<16xi32>
      %add3A_371 = arith.addi %get3A_370, %scan3A_269 : vector<16xi32>
      %mul3A_372 = arith.constant 32 : i32
      %mul3A_373 = arith.muli %scan3A_268, %mul3A_372 : i32
      %add3A_374 = arith.constant 12288 : i32
      %add3A_375 = arith.addi %mul3A_373, %add3A_374 : i32
      %add3A_376 = arith.constant 16 : i32
      %add3A_377 = arith.addi %add3A_375, %add3A_376 : i32
      %swap3A_378 = arith.index_cast %add3A_377 : i32 to index
      %swap3A_379 = tpu.vector_load %arg10[%swap3A_378] {strides = array<i32>} : memref<16384xi32, #tpu.memory_space<vmem>>, vector<16xi32>,
      %swap3A_380 = vector.shape_cast %swap3A_379 : vector<16xi32> to vector<16xi32>
      %swap3A_381 = vector.shape_cast %add3A_371 : vector<16xi32> to vector<16xi32>
      tpu.vector_store %arg10[%swap3A_378], %swap3A_381 {strides = array<i32>} : memref<16384xi32, #tpu.memory_space<vmem>>, vector<16xi32>,
      %add3A_382 = arith.constant 16384 : i32
      %add3A_383 = vector.broadcast %add3A_382 : i32 to vector<16xi32>
      %add3A_384 = arith.addi %scan3A_269, %add3A_383 : vector<16xi32>
      %scan3A_385 = arith.constant 1 : i32
      %scan3A_386 = arith.addi %scan3A_268, %scan3A_385 : i32
      %get3A_387 = arith.constant 0 : index
      %get3A_388 = tpu.vector_load %arg8[%get3A_387] {strides = array<i32>} : memref<128xi32, #tpu.memory_space<vmem>>, vector<16xi32>,
      %get3A_389 = vector.shape_cast %get3A_388 : vector<16xi32> to vector<16xi32>
      %add3A_390 = arith.addi %get3A_389, %add3A_384 : vector<16xi32>
      %mul3A_391 = arith.constant 32 : i32
      %mul3A_392 = arith.muli %scan3A_386, %mul3A_391 : i32
      %add3A_393 = arith.constant 0 : i32
      %add3A_394 = arith.addi %mul3A_392, %add3A_393 : i32
      %add3A_395 = arith.constant 0 : i32
      %add3A_396 = arith.addi %add3A_394, %add3A_395 : i32
      %swap3A_397 = arith.index_cast %add3A_396 : i32 to index
      %swap3A_398 = tpu.vector_load %arg10[%swap3A_397] {strides = array<i32>} : memref<16384xi32, #tpu.memory_space<vmem>>, vector<16xi32>,
      %swap3A_399 = vector.shape_cast %swap3A_398 : vector<16xi32> to vector<16xi32>
      %swap3A_400 = vector.shape_cast %add3A_390 : vector<16xi32> to vector<16xi32>
      tpu.vector_store %arg10[%swap3A_397], %swap3A_400 {strides = array<i32>} : memref<16384xi32, #tpu.memory_space<vmem>>, vector<16xi32>,
      %get3A_401 = arith.constant 16 : index
      %get3A_402 = tpu.vector_load %arg8[%get3A_401] {strides = array<i32>} : memref<128xi32, #tpu.memory_space<vmem>>, vector<16xi32>,
      %get3A_403 = vector.shape_cast %get3A_402 : vector<16xi32> to vector<16xi32>
      %add3A_404 = arith.addi %get3A_403, %add3A_384 : vector<16xi32>
      %mul3A_405 = arith.constant 32 : i32
      %mul3A_406 = arith.muli %scan3A_386, %mul3A_405 : i32
      %add3A_407 = arith.constant 0 : i32
      %add3A_408 = arith.addi %mul3A_406, %add3A_407 : i32
      %add3A_409 = arith.constant 16 : i32
      %add3A_410 = arith.addi %add3A_408, %add3A_409 : i32
      %swap3A_411 = arith.index_cast %add3A_410 : i32 to index
      %swap3A_412 = tpu.vector_load %arg10[%swap3A_411] {strides = array<i32>} : memref<16384xi32, #tpu.memory_space<vmem>>, vector<16xi32>,
      %swap3A_413 = vector.shape_cast %swap3A_412 : vector<16xi32> to vector<16xi32>
      %swap3A_414 = vector.shape_cast %add3A_404 : vector<16xi32> to vector<16xi32>
      tpu.vector_store %arg10[%swap3A_411], %swap3A_414 {strides = array<i32>} : memref<16384xi32, #tpu.memory_space<vmem>>, vector<16xi32>,
      %get3A_415 = arith.constant 32 : index
      %get3A_416 = tpu.vector_load %arg8[%get3A_415] {strides = array<i32>} : memref<128xi32, #tpu.memory_space<vmem>>, vector<16xi32>,
      %get3A_417 = vector.shape_cast %get3A_416 : vector<16xi32> to vector<16xi32>
      %add3A_418 = arith.addi %get3A_417, %add3A_384 : vector<16xi32>
      %mul3A_419 = arith.constant 32 : i32
      %mul3A_420 = arith.muli %scan3A_386, %mul3A_419 : i32
      %add3A_421 = arith.constant 4096 : i32
      %add3A_422 = arith.addi %mul3A_420, %add3A_421 : i32
      %add3A_423 = arith.constant 0 : i32
      %add3A_424 = arith.addi %add3A_422, %add3A_423 : i32
      %swap3A_425 = arith.index_cast %add3A_424 : i32 to index
      %swap3A_426 = tpu.vector_load %arg10[%swap3A_425] {strides = array<i32>} : memref<16384xi32, #tpu.memory_space<vmem>>, vector<16xi32>,
      %swap3A_427 = vector.shape_cast %swap3A_426 : vector<16xi32> to vector<16xi32>
      %swap3A_428 = vector.shape_cast %add3A_418 : vector<16xi32> to vector<16xi32>
      tpu.vector_store %arg10[%swap3A_425], %swap3A_428 {strides = array<i32>} : memref<16384xi32, #tpu.memory_space<vmem>>, vector<16xi32>,
      %get3A_429 = arith.constant 48 : index
      %get3A_430 = tpu.vector_load %arg8[%get3A_429] {strides = array<i32>} : memref<128xi32, #tpu.memory_space<vmem>>, vector<16xi32>,
      %get3A_431 = vector.shape_cast %get3A_430 : vector<16xi32> to vector<16xi32>
      %add3A_432 = arith.addi %get3A_431, %add3A_384 : vector<16xi32>
      %mul3A_433 = arith.constant 32 : i32
      %mul3A_434 = arith.muli %scan3A_386, %mul3A_433 : i32
      %add3A_435 = arith.constant 4096 : i32
      %add3A_436 = arith.addi %mul3A_434, %add3A_435 : i32
      %add3A_437 = arith.constant 16 : i32
      %add3A_438 = arith.addi %add3A_436, %add3A_437 : i32
      %swap3A_439 = arith.index_cast %add3A_438 : i32 to index
      %swap3A_440 = tpu.vector_load %arg10[%swap3A_439] {strides = array<i32>} : memref<16384xi32, #tpu.memory_space<vmem>>, vector<16xi32>,
      %swap3A_441 = vector.shape_cast %swap3A_440 : vector<16xi32> to vector<16xi32>
      %swap3A_442 = vector.shape_cast %add3A_432 : vector<16xi32> to vector<16xi32>
      tpu.vector_store %arg10[%swap3A_439], %swap3A_442 {strides = array<i32>} : memref<16384xi32, #tpu.memory_space<vmem>>, vector<16xi32>,
      %get3A_443 = arith.constant 64 : index
      %get3A_444 = tpu.vector_load %arg8[%get3A_443] {strides = array<i32>} : memref<128xi32, #tpu.memory_space<vmem>>, vector<16xi32>,
      %get3A_445 = vector.shape_cast %get3A_444 : vector<16xi32> to vector<16xi32>
      %add3A_446 = arith.addi %get3A_445, %add3A_384 : vector<16xi32>
      %mul3A_447 = arith.constant 32 : i32
      %mul3A_448 = arith.muli %scan3A_386, %mul3A_447 : i32
      %add3A_449 = arith.constant 8192 : i32
      %add3A_450 = arith.addi %mul3A_448, %add3A_449 : i32
      %add3A_451 = arith.constant 0 : i32
      %add3A_452 = arith.addi %add3A_450, %add3A_451 : i32
      %swap3A_453 = arith.index_cast %add3A_452 : i32 to index
      %swap3A_454 = tpu.vector_load %arg10[%swap3A_453] {strides = array<i32>} : memref<16384xi32, #tpu.memory_space<vmem>>, vector<16xi32>,
      %swap3A_455 = vector.shape_cast %swap3A_454 : vector<16xi32> to vector<16xi32>
      %swap3A_456 = vector.shape_cast %add3A_446 : vector<16xi32> to vector<16xi32>
      tpu.vector_store %arg10[%swap3A_453], %swap3A_456 {strides = array<i32>} : memref<16384xi32, #tpu.memory_space<vmem>>, vector<16xi32>,
      %get3A_457 = arith.constant 80 : index
      %get3A_458 = tpu.vector_load %arg8[%get3A_457] {strides = array<i32>} : memref<128xi32, #tpu.memory_space<vmem>>, vector<16xi32>,
      %get3A_459 = vector.shape_cast %get3A_458 : vector<16xi32> to vector<16xi32>
      %add3A_460 = arith.addi %get3A_459, %add3A_384 : vector<16xi32>
      %mul3A_461 = arith.constant 32 : i32
      %mul3A_462 = arith.muli %scan3A_386, %mul3A_461 : i32
      %add3A_463 = arith.constant 8192 : i32
      %add3A_464 = arith.addi %mul3A_462, %add3A_463 : i32
      %add3A_465 = arith.constant 16 : i32
      %add3A_466 = arith.addi %add3A_464, %add3A_465 : i32
      %swap3A_467 = arith.index_cast %add3A_466 : i32 to index
      %swap3A_468 = tpu.vector_load %arg10[%swap3A_467] {strides = array<i32>} : memref<16384xi32, #tpu.memory_space<vmem>>, vector<16xi32>,
      %swap3A_469 = vector.shape_cast %swap3A_468 : vector<16xi32> to vector<16xi32>
      %swap3A_470 = vector.shape_cast %add3A_460 : vector<16xi32> to vector<16xi32>
      tpu.vector_store %arg10[%swap3A_467], %swap3A_470 {strides = array<i32>} : memref<16384xi32, #tpu.memory_space<vmem>>, vector<16xi32>,
      %get3A_471 = arith.constant 96 : index
      %get3A_472 = tpu.vector_load %arg8[%get3A_471] {strides = array<i32>} : memref<128xi32, #tpu.memory_space<vmem>>, vector<16xi32>,
      %get3A_473 = vector.shape_cast %get3A_472 : vector<16xi32> to vector<16xi32>
      %add3A_474 = arith.addi %get3A_473, %add3A_384 : vector<16xi32>
      %mul3A_475 = arith.constant 32 : i32
      %mul3A_476 = arith.muli %scan3A_386, %mul3A_475 : i32
      %add3A_477 = arith.constant 12288 : i32
      %add3A_478 = arith.addi %mul3A_476, %add3A_477 : i32
      %add3A_479 = arith.constant 0 : i32
      %add3A_480 = arith.addi %add3A_478, %add3A_479 : i32
      %swap3A_481 = arith.index_cast %add3A_480 : i32 to index
      %swap3A_482 = tpu.vector_load %arg10[%swap3A_481] {strides = array<i32>} : memref<16384xi32, #tpu.memory_space<vmem>>, vector<16xi32>,
      %swap3A_483 = vector.shape_cast %swap3A_482 : vector<16xi32> to vector<16xi32>
      %swap3A_484 = vector.shape_cast %add3A_474 : vector<16xi32> to vector<16xi32>
      tpu.vector_store %arg10[%swap3A_481], %swap3A_484 {strides = array<i32>} : memref<16384xi32, #tpu.memory_space<vmem>>, vector<16xi32>,
      %get3A_485 = arith.constant 112 : index
      %get3A_486 = tpu.vector_load %arg8[%get3A_485] {strides = array<i32>} : memref<128xi32, #tpu.memory_space<vmem>>, vector<16xi32>,
      %get3A_487 = vector.shape_cast %get3A_486 : vector<16xi32> to vector<16xi32>
      %add3A_488 = arith.addi %get3A_487, %add3A_384 : vector<16xi32>
      %mul3A_489 = arith.constant 32 : i32
      %mul3A_490 = arith.muli %scan3A_386, %mul3A_489 : i32
      %add3A_491 = arith.constant 12288 : i32
      %add3A_492 = arith.addi %mul3A_490, %add3A_491 : i32
      %add3A_493 = arith.constant 16 : i32
      %add3A_494 = arith.addi %add3A_492, %add3A_493 : i32
      %swap3A_495 = arith.index_cast %add3A_494 : i32 to index
      %swap3A_496 = tpu.vector_load %arg10[%swap3A_495] {strides = array<i32>} : memref<16384xi32, #tpu.memory_space<vmem>>, vector<16xi32>,
      %swap3A_497 = vector.shape_cast %swap3A_496 : vector<16xi32> to vector<16xi32>
      %swap3A_498 = vector.shape_cast %add3A_488 : vector<16xi32> to vector<16xi32>
      tpu.vector_store %arg10[%swap3A_495], %swap3A_498 {strides = array<i32>} : memref<16384xi32, #tpu.memory_space<vmem>>, vector<16xi32>,
      %add3A_499 = arith.constant 16384 : i32
      %add3A_500 = vector.broadcast %add3A_499 : i32 to vector<16xi32>
      %add3A_501 = arith.addi %add3A_384, %add3A_500 : vector<16xi32>
      scf.yield %add3A_501 : vector<16xi32>
    }
    %scan3A_259 = arith.constant 128 : i32
    %dma_start3A = arith.constant 0 : i32
    %dma_start3A_260 = tpu.memref_slice %arg2[%dma_start3A] : memref<16777216xf32, #tpu.memory_space<hbm>> -> memref<16777216xf32, #tpu.memory_space<hbm>>
    tpu.enqueue_indirect_dma source(%dma_start3A_260 : memref<16777216xf32, #tpu.memory_space<hbm>>) target(%arg11 : memref<16384xf32, #tpu.memory_space<vmem>>) offsets(%arg10 : memref<16384xi32, #tpu.memory_space<vmem>>) semaphore(%arg13 : memref<!tpu.dma_semaphore, #tpu.memory_space<semaphore_mem>>)
    %dma_wait3A = arith.constant 0 : i32
    %dma_wait3A_261 = tpu.memref_slice %arg2[%dma_wait3A] : memref<16777216xf32, #tpu.memory_space<hbm>> -> memref<16777216xf32, #tpu.memory_space<hbm>>
    tpu.wait_indirect_dma semaphore(%arg13 : memref<!tpu.dma_semaphore, #tpu.memory_space<semaphore_mem>>) src(%dma_wait3A_261 : memref<16777216xf32, #tpu.memory_space<hbm>>) dst(%arg11 : memref<16384xf32, #tpu.memory_space<vmem>>)
    %scan3A_262 = arith.constant 0 : i32
    %scan3A_263 = arith.constant 0 : i32
    %scan3A_264 = arith.constant 128 : i32
    %scan3A_265 = arith.addi %scan3A_263, %scan3A_264 : i32
    %scan3A_266 = arith.constant 2 : i32
    scf.for %scan3A_268 = %scan3A_263 to %scan3A_265 step %scan3A_266  : i32 {
      %broadcast_in_dim3A_269 = arith.constant 0.000000e+00 : f32
      %broadcast_in_dim3A_270 = vector.broadcast %broadcast_in_dim3A_269 : f32 to vector<16xf32>
      %get3A_271 = arith.constant 0 : index
      %get3A_272 = tpu.vector_load %arg9[%get3A_271] {strides = array<i32>} : memref<128xf32, #tpu.memory_space<vmem>>, vector<16xf32>,
      %get3A_273 = vector.shape_cast %get3A_272 : vector<16xf32> to vector<16xf32>
      %mul3A_274 = arith.constant 32 : i32
      %mul3A_275 = arith.muli %scan3A_268, %mul3A_274 : i32
      %add3A_276 = arith.constant 0 : i32
      %add3A_277 = arith.addi %mul3A_275, %add3A_276 : i32
      %add3A_278 = arith.constant 0 : i32
      %add3A_279 = arith.addi %add3A_277, %add3A_278 : i32
      %get3A_280 = arith.index_cast %add3A_279 : i32 to index
      %get3A_281 = tpu.vector_load %arg11[%get3A_280] {strides = array<i32>} : memref<16384xf32, #tpu.memory_space<vmem>>, vector<16xf32>,
      %get3A_282 = vector.shape_cast %get3A_281 : vector<16xf32> to vector<16xf32>
      %mul3A_283 = arith.mulf %get3A_273, %get3A_282 : vector<16xf32>
      %add3A_284 = arith.addf %broadcast_in_dim3A_270, %mul3A_283 : vector<16xf32>
      %get3A_285 = arith.constant 32 : index
      %get3A_286 = tpu.vector_load %arg9[%get3A_285] {strides = array<i32>} : memref<128xf32, #tpu.memory_space<vmem>>, vector<16xf32>,
      %get3A_287 = vector.shape_cast %get3A_286 : vector<16xf32> to vector<16xf32>
      %mul3A_288 = arith.constant 32 : i32
      %mul3A_289 = arith.muli %scan3A_268, %mul3A_288 : i32
      %add3A_290 = arith.constant 4096 : i32
      %add3A_291 = arith.addi %mul3A_289, %add3A_290 : i32
      %add3A_292 = arith.constant 0 : i32
      %add3A_293 = arith.addi %add3A_291, %add3A_292 : i32
      %get3A_294 = arith.index_cast %add3A_293 : i32 to index
      %get3A_295 = tpu.vector_load %arg11[%get3A_294] {strides = array<i32>} : memref<16384xf32, #tpu.memory_space<vmem>>, vector<16xf32>,
      %get3A_296 = vector.shape_cast %get3A_295 : vector<16xf32> to vector<16xf32>
      %mul3A_297 = arith.mulf %get3A_287, %get3A_296 : vector<16xf32>
      %add3A_298 = arith.addf %add3A_284, %mul3A_297 : vector<16xf32>
      %get3A_299 = arith.constant 64 : index
      %get3A_300 = tpu.vector_load %arg9[%get3A_299] {strides = array<i32>} : memref<128xf32, #tpu.memory_space<vmem>>, vector<16xf32>,
      %get3A_301 = vector.shape_cast %get3A_300 : vector<16xf32> to vector<16xf32>
      %mul3A_302 = arith.constant 32 : i32
      %mul3A_303 = arith.muli %scan3A_268, %mul3A_302 : i32
      %add3A_304 = arith.constant 8192 : i32
      %add3A_305 = arith.addi %mul3A_303, %add3A_304 : i32
      %add3A_306 = arith.constant 0 : i32
      %add3A_307 = arith.addi %add3A_305, %add3A_306 : i32
      %get3A_308 = arith.index_cast %add3A_307 : i32 to index
      %get3A_309 = tpu.vector_load %arg11[%get3A_308] {strides = array<i32>} : memref<16384xf32, #tpu.memory_space<vmem>>, vector<16xf32>,
      %get3A_310 = vector.shape_cast %get3A_309 : vector<16xf32> to vector<16xf32>
      %mul3A_311 = arith.mulf %get3A_301, %get3A_310 : vector<16xf32>
      %add3A_312 = arith.addf %add3A_298, %mul3A_311 : vector<16xf32>
      %get3A_313 = arith.constant 96 : index
      %get3A_314 = tpu.vector_load %arg9[%get3A_313] {strides = array<i32>} : memref<128xf32, #tpu.memory_space<vmem>>, vector<16xf32>,
      %get3A_315 = vector.shape_cast %get3A_314 : vector<16xf32> to vector<16xf32>
      %mul3A_316 = arith.constant 32 : i32
      %mul3A_317 = arith.muli %scan3A_268, %mul3A_316 : i32
      %add3A_318 = arith.constant 12288 : i32
      %add3A_319 = arith.addi %mul3A_317, %add3A_318 : i32
      %add3A_320 = arith.constant 0 : i32
      %add3A_321 = arith.addi %add3A_319, %add3A_320 : i32
      %get3A_322 = arith.index_cast %add3A_321 : i32 to index
      %get3A_323 = tpu.vector_load %arg11[%get3A_322] {strides = array<i32>} : memref<16384xf32, #tpu.memory_space<vmem>>, vector<16xf32>,
      %get3A_324 = vector.shape_cast %get3A_323 : vector<16xf32> to vector<16xf32>
      %mul3A_325 = arith.mulf %get3A_315, %get3A_324 : vector<16xf32>
      %add3A_326 = arith.addf %add3A_312, %mul3A_325 : vector<16xf32>
      %swap3A_327 = arith.index_cast %scan3A_268 : i32 to index
      %swap3A_328 = arith.constant 0 : index
      %swap3A_329 = tpu.vector_load %arg12[%swap3A_327, %swap3A_328] {strides = array<i32>} : memref<128x32xf32, #tpu.memory_space<vmem>>, vector<1x16xf32>,
      %swap3A_330 = vector.shape_cast %swap3A_329 : vector<1x16xf32> to vector<16xf32>
      %swap3A_331 = vector.shape_cast %add3A_326 : vector<16xf32> to vector<1x16xf32>
      tpu.vector_store %arg12[%swap3A_327, %swap3A_328], %swap3A_331 {strides = array<i32>} : memref<128x32xf32, #tpu.memory_space<vmem>>, vector<1x16xf32>,
      %broadcast_in_dim3A_332 = arith.constant 0.000000e+00 : f32
      %broadcast_in_dim3A_333 = vector.broadcast %broadcast_in_dim3A_332 : f32 to vector<16xf32>
      %get3A_334 = arith.constant 16 : index
      %get3A_335 = tpu.vector_load %arg9[%get3A_334] {strides = array<i32>} : memref<128xf32, #tpu.memory_space<vmem>>, vector<16xf32>,
      %get3A_336 = vector.shape_cast %get3A_335 : vector<16xf32> to vector<16xf32>
      %mul3A_337 = arith.constant 32 : i32
      %mul3A_338 = arith.muli %scan3A_268, %mul3A_337 : i32
      %add3A_339 = arith.constant 0 : i32
      %add3A_340 = arith.addi %mul3A_338, %add3A_339 : i32
      %add3A_341 = arith.constant 16 : i32
      %add3A_342 = arith.addi %add3A_340, %add3A_341 : i32
      %get3A_343 = arith.index_cast %add3A_342 : i32 to index
      %get3A_344 = tpu.vector_load %arg11[%get3A_343] {strides = array<i32>} : memref<16384xf32, #tpu.memory_space<vmem>>, vector<16xf32>,
      %get3A_345 = vector.shape_cast %get3A_344 : vector<16xf32> to vector<16xf32>
      %mul3A_346 = arith.mulf %get3A_336, %get3A_345 : vector<16xf32>
      %add3A_347 = arith.addf %broadcast_in_dim3A_333, %mul3A_346 : vector<16xf32>
      %get3A_348 = arith.constant 48 : index
      %get3A_349 = tpu.vector_load %arg9[%get3A_348] {strides = array<i32>} : memref<128xf32, #tpu.memory_space<vmem>>, vector<16xf32>,
      %get3A_350 = vector.shape_cast %get3A_349 : vector<16xf32> to vector<16xf32>
      %mul3A_351 = arith.constant 32 : i32
      %mul3A_352 = arith.muli %scan3A_268, %mul3A_351 : i32
      %add3A_353 = arith.constant 4096 : i32
      %add3A_354 = arith.addi %mul3A_352, %add3A_353 : i32
      %add3A_355 = arith.constant 16 : i32
      %add3A_356 = arith.addi %add3A_354, %add3A_355 : i32
      %get3A_357 = arith.index_cast %add3A_356 : i32 to index
      %get3A_358 = tpu.vector_load %arg11[%get3A_357] {strides = array<i32>} : memref<16384xf32, #tpu.memory_space<vmem>>, vector<16xf32>,
      %get3A_359 = vector.shape_cast %get3A_358 : vector<16xf32> to vector<16xf32>
      %mul3A_360 = arith.mulf %get3A_350, %get3A_359 : vector<16xf32>
      %add3A_361 = arith.addf %add3A_347, %mul3A_360 : vector<16xf32>
      %get3A_362 = arith.constant 80 : index
      %get3A_363 = tpu.vector_load %arg9[%get3A_362] {strides = array<i32>} : memref<128xf32, #tpu.memory_space<vmem>>, vector<16xf32>,
      %get3A_364 = vector.shape_cast %get3A_363 : vector<16xf32> to vector<16xf32>
      %mul3A_365 = arith.constant 32 : i32
      %mul3A_366 = arith.muli %scan3A_268, %mul3A_365 : i32
      %add3A_367 = arith.constant 8192 : i32
      %add3A_368 = arith.addi %mul3A_366, %add3A_367 : i32
      %add3A_369 = arith.constant 16 : i32
      %add3A_370 = arith.addi %add3A_368, %add3A_369 : i32
      %get3A_371 = arith.index_cast %add3A_370 : i32 to index
      %get3A_372 = tpu.vector_load %arg11[%get3A_371] {strides = array<i32>} : memref<16384xf32, #tpu.memory_space<vmem>>, vector<16xf32>,
      %get3A_373 = vector.shape_cast %get3A_372 : vector<16xf32> to vector<16xf32>
      %mul3A_374 = arith.mulf %get3A_364, %get3A_373 : vector<16xf32>
      %add3A_375 = arith.addf %add3A_361, %mul3A_374 : vector<16xf32>
      %get3A_376 = arith.constant 112 : index
      %get3A_377 = tpu.vector_load %arg9[%get3A_376] {strides = array<i32>} : memref<128xf32, #tpu.memory_space<vmem>>, vector<16xf32>,
      %get3A_378 = vector.shape_cast %get3A_377 : vector<16xf32> to vector<16xf32>
      %mul3A_379 = arith.constant 32 : i32
      %mul3A_380 = arith.muli %scan3A_268, %mul3A_379 : i32
      %add3A_381 = arith.constant 12288 : i32
      %add3A_382 = arith.addi %mul3A_380, %add3A_381 : i32
      %add3A_383 = arith.constant 16 : i32
      %add3A_384 = arith.addi %add3A_382, %add3A_383 : i32
      %get3A_385 = arith.index_cast %add3A_384 : i32 to index
      %get3A_386 = tpu.vector_load %arg11[%get3A_385] {strides = array<i32>} : memref<16384xf32, #tpu.memory_space<vmem>>, vector<16xf32>,
      %get3A_387 = vector.shape_cast %get3A_386 : vector<16xf32> to vector<16xf32>
      %mul3A_388 = arith.mulf %get3A_378, %get3A_387 : vector<16xf32>
      %add3A_389 = arith.addf %add3A_375, %mul3A_388 : vector<16xf32>
      %swap3A_390 = arith.index_cast %scan3A_268 : i32 to index
      %swap3A_391 = arith.constant 16 : index
      %swap3A_392 = tpu.vector_load %arg12[%swap3A_390, %swap3A_391] {strides = array<i32>} : memref<128x32xf32, #tpu.memory_space<vmem>>, vector<1x16xf32>,
      %swap3A_393 = vector.shape_cast %swap3A_392 : vector<1x16xf32> to vector<16xf32>
      %swap3A_394 = vector.shape_cast %add3A_389 : vector<16xf32> to vector<1x16xf32>
      tpu.vector_store %arg12[%swap3A_390, %swap3A_391], %swap3A_394 {strides = array<i32>} : memref<128x32xf32, #tpu.memory_space<vmem>>, vector<1x16xf32>,
      %scan3A_395 = arith.constant 1 : i32
      %scan3A_396 = arith.addi %scan3A_268, %scan3A_395 : i32
      %broadcast_in_dim3A_397 = arith.constant 0.000000e+00 : f32
      %broadcast_in_dim3A_398 = vector.broadcast %broadcast_in_dim3A_397 : f32 to vector<16xf32>
      %get3A_399 = arith.constant 0 : index
      %get3A_400 = tpu.vector_load %arg9[%get3A_399] {strides = array<i32>} : memref<128xf32, #tpu.memory_space<vmem>>, vector<16xf32>,
      %get3A_401 = vector.shape_cast %get3A_400 : vector<16xf32> to vector<16xf32>
      %mul3A_402 = arith.constant 32 : i32
      %mul3A_403 = arith.muli %scan3A_396, %mul3A_402 : i32
      %add3A_404 = arith.constant 0 : i32
      %add3A_405 = arith.addi %mul3A_403, %add3A_404 : i32
      %add3A_406 = arith.constant 0 : i32
      %add3A_407 = arith.addi %add3A_405, %add3A_406 : i32
      %get3A_408 = arith.index_cast %add3A_407 : i32 to index
      %get3A_409 = tpu.vector_load %arg11[%get3A_408] {strides = array<i32>} : memref<16384xf32, #tpu.memory_space<vmem>>, vector<16xf32>,
      %get3A_410 = vector.shape_cast %get3A_409 : vector<16xf32> to vector<16xf32>
      %mul3A_411 = arith.mulf %get3A_401, %get3A_410 : vector<16xf32>
      %add3A_412 = arith.addf %broadcast_in_dim3A_398, %mul3A_411 : vector<16xf32>
      %get3A_413 = arith.constant 32 : index
      %get3A_414 = tpu.vector_load %arg9[%get3A_413] {strides = array<i32>} : memref<128xf32, #tpu.memory_space<vmem>>, vector<16xf32>,
      %get3A_415 = vector.shape_cast %get3A_414 : vector<16xf32> to vector<16xf32>
      %mul3A_416 = arith.constant 32 : i32
      %mul3A_417 = arith.muli %scan3A_396, %mul3A_416 : i32
      %add3A_418 = arith.constant 4096 : i32
      %add3A_419 = arith.addi %mul3A_417, %add3A_418 : i32
      %add3A_420 = arith.constant 0 : i32
      %add3A_421 = arith.addi %add3A_419, %add3A_420 : i32
      %get3A_422 = arith.index_cast %add3A_421 : i32 to index
      %get3A_423 = tpu.vector_load %arg11[%get3A_422] {strides = array<i32>} : memref<16384xf32, #tpu.memory_space<vmem>>, vector<16xf32>,
      %get3A_424 = vector.shape_cast %get3A_423 : vector<16xf32> to vector<16xf32>
      %mul3A_425 = arith.mulf %get3A_415, %get3A_424 : vector<16xf32>
      %add3A_426 = arith.addf %add3A_412, %mul3A_425 : vector<16xf32>
      %get3A_427 = arith.constant 64 : index
      %get3A_428 = tpu.vector_load %arg9[%get3A_427] {strides = array<i32>} : memref<128xf32, #tpu.memory_space<vmem>>, vector<16xf32>,
      %get3A_429 = vector.shape_cast %get3A_428 : vector<16xf32> to vector<16xf32>
      %mul3A_430 = arith.constant 32 : i32
      %mul3A_431 = arith.muli %scan3A_396, %mul3A_430 : i32
      %add3A_432 = arith.constant 8192 : i32
      %add3A_433 = arith.addi %mul3A_431, %add3A_432 : i32
      %add3A_434 = arith.constant 0 : i32
      %add3A_435 = arith.addi %add3A_433, %add3A_434 : i32
      %get3A_436 = arith.index_cast %add3A_435 : i32 to index
      %get3A_437 = tpu.vector_load %arg11[%get3A_436] {strides = array<i32>} : memref<16384xf32, #tpu.memory_space<vmem>>, vector<16xf32>,
      %get3A_438 = vector.shape_cast %get3A_437 : vector<16xf32> to vector<16xf32>
      %mul3A_439 = arith.mulf %get3A_429, %get3A_438 : vector<16xf32>
      %add3A_440 = arith.addf %add3A_426, %mul3A_439 : vector<16xf32>
      %get3A_441 = arith.constant 96 : index
      %get3A_442 = tpu.vector_load %arg9[%get3A_441] {strides = array<i32>} : memref<128xf32, #tpu.memory_space<vmem>>, vector<16xf32>,
      %get3A_443 = vector.shape_cast %get3A_442 : vector<16xf32> to vector<16xf32>
      %mul3A_444 = arith.constant 32 : i32
      %mul3A_445 = arith.muli %scan3A_396, %mul3A_444 : i32
      %add3A_446 = arith.constant 12288 : i32
      %add3A_447 = arith.addi %mul3A_445, %add3A_446 : i32
      %add3A_448 = arith.constant 0 : i32
      %add3A_449 = arith.addi %add3A_447, %add3A_448 : i32
      %get3A_450 = arith.index_cast %add3A_449 : i32 to index
      %get3A_451 = tpu.vector_load %arg11[%get3A_450] {strides = array<i32>} : memref<16384xf32, #tpu.memory_space<vmem>>, vector<16xf32>,
      %get3A_452 = vector.shape_cast %get3A_451 : vector<16xf32> to vector<16xf32>
      %mul3A_453 = arith.mulf %get3A_443, %get3A_452 : vector<16xf32>
      %add3A_454 = arith.addf %add3A_440, %mul3A_453 : vector<16xf32>
      %swap3A_455 = arith.index_cast %scan3A_396 : i32 to index
      %swap3A_456 = arith.constant 0 : index
      %swap3A_457 = tpu.vector_load %arg12[%swap3A_455, %swap3A_456] {strides = array<i32>} : memref<128x32xf32, #tpu.memory_space<vmem>>, vector<1x16xf32>,
      %swap3A_458 = vector.shape_cast %swap3A_457 : vector<1x16xf32> to vector<16xf32>
      %swap3A_459 = vector.shape_cast %add3A_454 : vector<16xf32> to vector<1x16xf32>
      tpu.vector_store %arg12[%swap3A_455, %swap3A_456], %swap3A_459 {strides = array<i32>} : memref<128x32xf32, #tpu.memory_space<vmem>>, vector<1x16xf32>,
      %broadcast_in_dim3A_460 = arith.constant 0.000000e+00 : f32
      %broadcast_in_dim3A_461 = vector.broadcast %broadcast_in_dim3A_460 : f32 to vector<16xf32>
      %get3A_462 = arith.constant 16 : index
      %get3A_463 = tpu.vector_load %arg9[%get3A_462] {strides = array<i32>} : memref<128xf32, #tpu.memory_space<vmem>>, vector<16xf32>,
      %get3A_464 = vector.shape_cast %get3A_463 : vector<16xf32> to vector<16xf32>
      %mul3A_465 = arith.constant 32 : i32
      %mul3A_466 = arith.muli %scan3A_396, %mul3A_465 : i32
      %add3A_467 = arith.constant 0 : i32
      %add3A_468 = arith.addi %mul3A_466, %add3A_467 : i32
      %add3A_469 = arith.constant 16 : i32
      %add3A_470 = arith.addi %add3A_468, %add3A_469 : i32
      %get3A_471 = arith.index_cast %add3A_470 : i32 to index
      %get3A_472 = tpu.vector_load %arg11[%get3A_471] {strides = array<i32>} : memref<16384xf32, #tpu.memory_space<vmem>>, vector<16xf32>,
      %get3A_473 = vector.shape_cast %get3A_472 : vector<16xf32> to vector<16xf32>
      %mul3A_474 = arith.mulf %get3A_464, %get3A_473 : vector<16xf32>
      %add3A_475 = arith.addf %broadcast_in_dim3A_461, %mul3A_474 : vector<16xf32>
      %get3A_476 = arith.constant 48 : index
      %get3A_477 = tpu.vector_load %arg9[%get3A_476] {strides = array<i32>} : memref<128xf32, #tpu.memory_space<vmem>>, vector<16xf32>,
      %get3A_478 = vector.shape_cast %get3A_477 : vector<16xf32> to vector<16xf32>
      %mul3A_479 = arith.constant 32 : i32
      %mul3A_480 = arith.muli %scan3A_396, %mul3A_479 : i32
      %add3A_481 = arith.constant 4096 : i32
      %add3A_482 = arith.addi %mul3A_480, %add3A_481 : i32
      %add3A_483 = arith.constant 16 : i32
      %add3A_484 = arith.addi %add3A_482, %add3A_483 : i32
      %get3A_485 = arith.index_cast %add3A_484 : i32 to index
      %get3A_486 = tpu.vector_load %arg11[%get3A_485] {strides = array<i32>} : memref<16384xf32, #tpu.memory_space<vmem>>, vector<16xf32>,
      %get3A_487 = vector.shape_cast %get3A_486 : vector<16xf32> to vector<16xf32>
      %mul3A_488 = arith.mulf %get3A_478, %get3A_487 : vector<16xf32>
      %add3A_489 = arith.addf %add3A_475, %mul3A_488 : vector<16xf32>
      %get3A_490 = arith.constant 80 : index
      %get3A_491 = tpu.vector_load %arg9[%get3A_490] {strides = array<i32>} : memref<128xf32, #tpu.memory_space<vmem>>, vector<16xf32>,
      %get3A_492 = vector.shape_cast %get3A_491 : vector<16xf32> to vector<16xf32>
      %mul3A_493 = arith.constant 32 : i32
      %mul3A_494 = arith.muli %scan3A_396, %mul3A_493 : i32
      %add3A_495 = arith.constant 8192 : i32
      %add3A_496 = arith.addi %mul3A_494, %add3A_495 : i32
      %add3A_497 = arith.constant 16 : i32
      %add3A_498 = arith.addi %add3A_496, %add3A_497 : i32
      %get3A_499 = arith.index_cast %add3A_498 : i32 to index
      %get3A_500 = tpu.vector_load %arg11[%get3A_499] {strides = array<i32>} : memref<16384xf32, #tpu.memory_space<vmem>>, vector<16xf32>,
      %get3A_501 = vector.shape_cast %get3A_500 : vector<16xf32> to vector<16xf32>
      %mul3A_502 = arith.mulf %get3A_492, %get3A_501 : vector<16xf32>
      %add3A_503 = arith.addf %add3A_489, %mul3A_502 : vector<16xf32>
      %get3A_504 = arith.constant 112 : index
      %get3A_505 = tpu.vector_load %arg9[%get3A_504] {strides = array<i32>} : memref<128xf32, #tpu.memory_space<vmem>>, vector<16xf32>,
      %get3A_506 = vector.shape_cast %get3A_505 : vector<16xf32> to vector<16xf32>
      %mul3A_507 = arith.constant 32 : i32
      %mul3A_508 = arith.muli %scan3A_396, %mul3A_507 : i32
      %add3A_509 = arith.constant 12288 : i32
      %add3A_510 = arith.addi %mul3A_508, %add3A_509 : i32
      %add3A_511 = arith.constant 16 : i32
      %add3A_512 = arith.addi %add3A_510, %add3A_511 : i32
      %get3A_513 = arith.index_cast %add3A_512 : i32 to index
      %get3A_514 = tpu.vector_load %arg11[%get3A_513] {strides = array<i32>} : memref<16384xf32, #tpu.memory_space<vmem>>, vector<16xf32>,
      %get3A_515 = vector.shape_cast %get3A_514 : vector<16xf32> to vector<16xf32>
      %mul3A_516 = arith.mulf %get3A_506, %get3A_515 : vector<16xf32>
      %add3A_517 = arith.addf %add3A_503, %mul3A_516 : vector<16xf32>
      %swap3A_518 = arith.index_cast %scan3A_396 : i32 to index
      %swap3A_519 = arith.constant 16 : index
      %swap3A_520 = tpu.vector_load %arg12[%swap3A_518, %swap3A_519] {strides = array<i32>} : memref<128x32xf32, #tpu.memory_space<vmem>>, vector<1x16xf32>,
      %swap3A_521 = vector.shape_cast %swap3A_520 : vector<1x16xf32> to vector<16xf32>
      %swap3A_522 = vector.shape_cast %add3A_517 : vector<16xf32> to vector<1x16xf32>
      tpu.vector_store %arg12[%swap3A_518, %swap3A_519], %swap3A_522 {strides = array<i32>} : memref<128x32xf32, #tpu.memory_space<vmem>>, vector<1x16xf32>,
    }
    %scan3A_267 = arith.constant 128 : i32
    "tpu.region"() ({
      %run_scoped3A = tpu.sem_alloc : memref<!tpu.dma_semaphore, #tpu.memory_space<semaphore_mem>>
      %dma_start3A_268 = arith.constant 0 : i32
      %dma_start3A_269 = arith.constant 0 : i32
      %dma_start3A_270 = tpu.memref_slice %arg5[%add3A, %dma_start3A_268, %dma_start3A_269] : memref<32x128x32xf32, #tpu.memory_space<hbm>> -> memref<1x128x32xf32, #tpu.memory_space<hbm>>
      %dma_start3A_271 = tpu.memref_squeeze %dma_start3A_270 : memref<1x128x32xf32, #tpu.memory_space<hbm>> -> memref<128x32xf32, #tpu.memory_space<hbm>>
      %dma_start3A_272 = arith.constant 0 : i32
      %dma_start3A_273 = arith.constant 0 : i32
      %dma_start3A_274 = tpu.memref_slice %arg5[%add3A, %dma_start3A_272, %dma_start3A_273] : memref<32x128x32xf32, #tpu.memory_space<hbm>> -> memref<1x128x32xf32, #tpu.memory_space<hbm>>
      %dma_start3A_275 = tpu.memref_squeeze %dma_start3A_274 : memref<1x128x32xf32, #tpu.memory_space<hbm>> -> memref<128x32xf32, #tpu.memory_space<hbm>>
      tpu.enqueue_dma source(%arg12 : memref<128x32xf32, #tpu.memory_space<vmem>>) target(%dma_start3A_275 : memref<128x32xf32, #tpu.memory_space<hbm>>) target_semaphore(%run_scoped3A : memref<!tpu.dma_semaphore, #tpu.memory_space<semaphore_mem>>)
      %dma_wait3A_276 = arith.constant 0 : i32
      %dma_wait3A_277 = arith.constant 0 : i32
      %dma_wait3A_278 = tpu.memref_slice %arg5[%add3A, %dma_wait3A_276, %dma_wait3A_277] : memref<32x128x32xf32, #tpu.memory_space<hbm>> -> memref<1x128x32xf32, #tpu.memory_space<hbm>>
      %dma_wait3A_279 = tpu.memref_squeeze %dma_wait3A_278 : memref<1x128x32xf32, #tpu.memory_space<hbm>> -> memref<128x32xf32, #tpu.memory_space<hbm>>
      %dma_wait3A_280 = arith.constant 0 : i32
      %dma_wait3A_281 = arith.constant 0 : i32
      %dma_wait3A_282 = tpu.memref_slice %arg5[%add3A, %dma_wait3A_280, %dma_wait3A_281] : memref<32x128x32xf32, #tpu.memory_space<hbm>> -> memref<1x128x32xf32, #tpu.memory_space<hbm>>
      %dma_wait3A_283 = tpu.memref_squeeze %dma_wait3A_282 : memref<1x128x32xf32, #tpu.memory_space<hbm>> -> memref<128x32xf32, #tpu.memory_space<hbm>>
      tpu.wait_dma2 semaphore(%run_scoped3A : memref<!tpu.dma_semaphore, #tpu.memory_space<semaphore_mem>>) src(%arg12 : memref<128x32xf32, #tpu.memory_space<vmem>>) dst(%dma_wait3A_283 : memref<128x32xf32, #tpu.memory_space<hbm>>)
      tpu.yield
    }) : () -> ()
    return
  }
}

#map = affine_map<(d0, d1) -> (0)>
#map1 = affine_map<(d0, d1) -> (0, 0, 0)>
module attributes {stable_mosaic.version = 14 : i64} {
  func.func @_sc_sample(%arg0: i32, %arg1: i32, %arg2: memref<16777216xf32, #tpu.memory_space<hbm>>, %arg3: memref<1024xi32, #tpu.memory_space<hbm>>, %arg4: memref<1024xi32, #tpu.memory_space<hbm>>, %arg5: memref<32x128x32xf32, #tpu.memory_space<hbm>>, %arg6: memref<32xi32, #tpu.memory_space<vmem>>, %arg7: memref<32xi32, #tpu.memory_space<vmem>>, %arg8: memref<128xi32, #tpu.memory_space<vmem>>, %arg9: memref<128xf32, #tpu.memory_space<vmem>>, %arg10: memref<16384xi32, #tpu.memory_space<vmem>>, %arg11: memref<16384xf32, #tpu.memory_space<vmem>>, %arg12: memref<128x32xf32, #tpu.memory_space<vmem>>, %arg13: memref<!tpu.dma_semaphore, #tpu.memory_space<semaphore_mem>>) attributes {dimension_semantics = [#tpu.dimension_semantics<core_parallel>, #tpu.dimension_semantics<subcore_parallel>], iteration_bounds = array<i64: 2, 16>, scalar_prefetch = 0 : i64, scratch_operands = 8 : i64, tpu.core_type = #tpu.core_type<sc_vector_subcore>, window_params = [{transform_indices = #map}, {transform_indices = #map}, {transform_indices = #map}, {transform_indices = #map1}]} {
    %mul3A = arith.constant 2 : i32
    %mul3A_0 = arith.muli %arg1, %mul3A : i32
    %add3A = arith.addi %mul3A_0, %arg0 : i32
    %mul3A_1 = arith.constant 32 : i32
    %mul3A_2 = arith.muli %add3A, %mul3A_1 : i32
    "tpu.region"() ({
      %run_scoped3A = tpu.sem_alloc : memref<!tpu.dma_semaphore, #tpu.memory_space<semaphore_mem>>
      %dma_start3A_268 = tpu.memref_slice %arg3[%mul3A_2] : memref<1024xi32, #tpu.memory_space<hbm>> -> memref<32xi32, #tpu.memory_space<hbm>>
      %dma_start3A_269 = tpu.memref_slice %arg3[%mul3A_2] : memref<1024xi32, #tpu.memory_space<hbm>> -> memref<32xi32, #tpu.memory_space<hbm>>
      tpu.enqueue_dma source(%dma_start3A_269 : memref<32xi32, #tpu.memory_space<hbm>>) target(%arg6 : memref<32xi32, #tpu.memory_space<vmem>>) target_semaphore(%run_scoped3A : memref<!tpu.dma_semaphore, #tpu.memory_space<semaphore_mem>>)
      %dma_wait3A_270 = tpu.memref_slice %arg3[%mul3A_2] : memref<1024xi32, #tpu.memory_space<hbm>> -> memref<32xi32, #tpu.memory_space<hbm>>
      %dma_wait3A_271 = tpu.memref_slice %arg3[%mul3A_2] : memref<1024xi32, #tpu.memory_space<hbm>> -> memref<32xi32, #tpu.memory_space<hbm>>
      tpu.wait_dma2 semaphore(%run_scoped3A : memref<!tpu.dma_semaphore, #tpu.memory_space<semaphore_mem>>) src(%dma_wait3A_271 : memref<32xi32, #tpu.memory_space<hbm>>) dst(%arg6 : memref<32xi32, #tpu.memory_space<vmem>>)
      tpu.yield
    }) : () -> ()
    "tpu.region"() ({
      %run_scoped3A = tpu.sem_alloc : memref<!tpu.dma_semaphore, #tpu.memory_space<semaphore_mem>>
      %dma_start3A_268 = tpu.memref_slice %arg4[%mul3A_2] : memref<1024xi32, #tpu.memory_space<hbm>> -> memref<32xi32, #tpu.memory_space<hbm>>
      %dma_start3A_269 = tpu.memref_slice %arg4[%mul3A_2] : memref<1024xi32, #tpu.memory_space<hbm>> -> memref<32xi32, #tpu.memory_space<hbm>>
      tpu.enqueue_dma source(%dma_start3A_269 : memref<32xi32, #tpu.memory_space<hbm>>) target(%arg7 : memref<32xi32, #tpu.memory_space<vmem>>) target_semaphore(%run_scoped3A : memref<!tpu.dma_semaphore, #tpu.memory_space<semaphore_mem>>)
      %dma_wait3A_270 = tpu.memref_slice %arg4[%mul3A_2] : memref<1024xi32, #tpu.memory_space<hbm>> -> memref<32xi32, #tpu.memory_space<hbm>>
      %dma_wait3A_271 = tpu.memref_slice %arg4[%mul3A_2] : memref<1024xi32, #tpu.memory_space<hbm>> -> memref<32xi32, #tpu.memory_space<hbm>>
      tpu.wait_dma2 semaphore(%run_scoped3A : memref<!tpu.dma_semaphore, #tpu.memory_space<semaphore_mem>>) src(%dma_wait3A_271 : memref<32xi32, #tpu.memory_space<hbm>>) dst(%arg7 : memref<32xi32, #tpu.memory_space<vmem>>)
      tpu.yield
    }) : () -> ()
    %get3A = arith.constant 0 : index
    %get3A_3 = tpu.vector_load %arg6[%get3A] {strides = array<i32>} : memref<32xi32, #tpu.memory_space<vmem>>, vector<16xi32>,
    %get3A_4 = vector.shape_cast %get3A_3 : vector<16xi32> to vector<16xi32>
    %get3A_5 = arith.constant 0 : index
    %get3A_6 = tpu.vector_load %arg7[%get3A_5] {strides = array<i32>} : memref<32xi32, #tpu.memory_space<vmem>>, vector<16xi32>,
    %get3A_7 = vector.shape_cast %get3A_6 : vector<16xi32> to vector<16xi32>
    %sub3A = arith.constant 1 : i32
    %sub3A_8 = vector.broadcast %sub3A : i32 to vector<16xi32>
    %sub3A_9 = arith.subi %get3A_4, %sub3A_8 : vector<16xi32>
    %sub3A_10 = arith.constant 1 : i32
    %sub3A_11 = vector.broadcast %sub3A_10 : i32 to vector<16xi32>
    %sub3A_12 = arith.subi %get3A_7, %sub3A_11 : vector<16xi32>
    %ge3A = arith.constant 0 : i32
    %ge3A_13 = vector.broadcast %ge3A : i32 to vector<16xi32>
    %ge3A_14 = arith.cmpi sge, %sub3A_9, %ge3A_13 : vector<16xi32>
    %ge3A_15 = arith.constant 0 : i32
    %ge3A_16 = vector.broadcast %ge3A_15 : i32 to vector<16xi32>
    %ge3A_17 = arith.cmpi sge, %sub3A_12, %ge3A_16 : vector<16xi32>
    %max3A = arith.constant 0 : i32
    %max3A_18 = vector.broadcast %max3A : i32 to vector<16xi32>
    %max3A_19 = arith.maxsi %sub3A_9, %max3A_18 : vector<16xi32>
    %max3A_20 = arith.constant 0 : i32
    %max3A_21 = vector.broadcast %max3A_20 : i32 to vector<16xi32>
    %max3A_22 = arith.maxsi %sub3A_12, %max3A_21 : vector<16xi32>
    %shift_right_arithmetic3A = arith.constant 7 : i32
    %shift_right_arithmetic3A_23 = vector.broadcast %shift_right_arithmetic3A : i32 to vector<16xi32>
    %shift_right_arithmetic3A_24 = arith.shrsi %max3A_19, %shift_right_arithmetic3A_23 : vector<16xi32>
    %mul3A_25 = arith.constant 2097152 : i32
    %mul3A_26 = vector.broadcast %mul3A_25 : i32 to vector<16xi32>
    %mul3A_27 = arith.muli %shift_right_arithmetic3A_24, %mul3A_26 : vector<16xi32>
    %and3A = arith.constant 127 : i32
    %and3A_28 = vector.broadcast %and3A : i32 to vector<16xi32>
    %and3A_29 = arith.andi %max3A_19, %and3A_28 : vector<16xi32>
    %mul3A_30 = arith.constant 128 : i32
    %mul3A_31 = vector.broadcast %mul3A_30 : i32 to vector<16xi32>
    %mul3A_32 = arith.muli %and3A_29, %mul3A_31 : vector<16xi32>
    %add3A_33 = arith.addi %mul3A_27, %mul3A_32 : vector<16xi32>
    %add3A_34 = arith.addi %add3A_33, %max3A_22 : vector<16xi32>
    %and3A_35 = arith.andi %ge3A_14, %ge3A_17 : vector<16xi1>
    %jit3A = arith.constant 2.500000e-01 : f32
    %jit3A_36 = arith.constant 0.000000e+00 : f32
    %broadcast_in_dim3A = vector.broadcast %jit3A : f32 to vector<16xf32>
    %broadcast_in_dim3A_37 = vector.broadcast %jit3A_36 : f32 to vector<16xf32>
    %select_n3A = arith.select %and3A_35, %broadcast_in_dim3A, %broadcast_in_dim3A_37 : vector<16xi1>, vector<16xf32>
    %shift_right_arithmetic3A_38 = arith.constant 7 : i32
    %shift_right_arithmetic3A_39 = vector.broadcast %shift_right_arithmetic3A_38 : i32 to vector<16xi32>
    %shift_right_arithmetic3A_40 = arith.shrsi %max3A_19, %shift_right_arithmetic3A_39 : vector<16xi32>
    %mul3A_41 = arith.constant 2097152 : i32
    %mul3A_42 = vector.broadcast %mul3A_41 : i32 to vector<16xi32>
    %mul3A_43 = arith.muli %shift_right_arithmetic3A_40, %mul3A_42 : vector<16xi32>
    %and3A_44 = arith.constant 127 : i32
    %and3A_45 = vector.broadcast %and3A_44 : i32 to vector<16xi32>
    %and3A_46 = arith.andi %max3A_19, %and3A_45 : vector<16xi32>
    %mul3A_47 = arith.constant 128 : i32
    %mul3A_48 = vector.broadcast %mul3A_47 : i32 to vector<16xi32>
    %mul3A_49 = arith.muli %and3A_46, %mul3A_48 : vector<16xi32>
    %add3A_50 = arith.addi %mul3A_43, %mul3A_49 : vector<16xi32>
    %add3A_51 = arith.addi %add3A_50, %get3A_7 : vector<16xi32>
    %jit3A_52 = arith.constant 2.500000e-01 : f32
    %jit3A_53 = arith.constant 0.000000e+00 : f32
    %broadcast_in_dim3A_54 = vector.broadcast %jit3A_52 : f32 to vector<16xf32>
    %broadcast_in_dim3A_55 = vector.broadcast %jit3A_53 : f32 to vector<16xf32>
    %select_n3A_56 = arith.select %ge3A_14, %broadcast_in_dim3A_54, %broadcast_in_dim3A_55 : vector<16xi1>, vector<16xf32>
    %shift_right_arithmetic3A_57 = arith.constant 7 : i32
    %shift_right_arithmetic3A_58 = vector.broadcast %shift_right_arithmetic3A_57 : i32 to vector<16xi32>
    %shift_right_arithmetic3A_59 = arith.shrsi %get3A_4, %shift_right_arithmetic3A_58 : vector<16xi32>
    %mul3A_60 = arith.constant 2097152 : i32
    %mul3A_61 = vector.broadcast %mul3A_60 : i32 to vector<16xi32>
    %mul3A_62 = arith.muli %shift_right_arithmetic3A_59, %mul3A_61 : vector<16xi32>
    %and3A_63 = arith.constant 127 : i32
    %and3A_64 = vector.broadcast %and3A_63 : i32 to vector<16xi32>
    %and3A_65 = arith.andi %get3A_4, %and3A_64 : vector<16xi32>
    %mul3A_66 = arith.constant 128 : i32
    %mul3A_67 = vector.broadcast %mul3A_66 : i32 to vector<16xi32>
    %mul3A_68 = arith.muli %and3A_65, %mul3A_67 : vector<16xi32>
    %add3A_69 = arith.addi %mul3A_62, %mul3A_68 : vector<16xi32>
    %add3A_70 = arith.addi %add3A_69, %max3A_22 : vector<16xi32>
    %jit3A_71 = arith.constant 2.500000e-01 : f32
    %jit3A_72 = arith.constant 0.000000e+00 : f32
    %broadcast_in_dim3A_73 = vector.broadcast %jit3A_71 : f32 to vector<16xf32>
    %broadcast_in_dim3A_74 = vector.broadcast %jit3A_72 : f32 to vector<16xf32>
    %select_n3A_75 = arith.select %ge3A_17, %broadcast_in_dim3A_73, %broadcast_in_dim3A_74 : vector<16xi1>, vector<16xf32>
    %shift_right_arithmetic3A_76 = arith.constant 7 : i32
    %shift_right_arithmetic3A_77 = vector.broadcast %shift_right_arithmetic3A_76 : i32 to vector<16xi32>
    %shift_right_arithmetic3A_78 = arith.shrsi %get3A_4, %shift_right_arithmetic3A_77 : vector<16xi32>
    %mul3A_79 = arith.constant 2097152 : i32
    %mul3A_80 = vector.broadcast %mul3A_79 : i32 to vector<16xi32>
    %mul3A_81 = arith.muli %shift_right_arithmetic3A_78, %mul3A_80 : vector<16xi32>
    %and3A_82 = arith.constant 127 : i32
    %and3A_83 = vector.broadcast %and3A_82 : i32 to vector<16xi32>
    %and3A_84 = arith.andi %get3A_4, %and3A_83 : vector<16xi32>
    %mul3A_85 = arith.constant 128 : i32
    %mul3A_86 = vector.broadcast %mul3A_85 : i32 to vector<16xi32>
    %mul3A_87 = arith.muli %and3A_84, %mul3A_86 : vector<16xi32>
    %add3A_88 = arith.addi %mul3A_81, %mul3A_87 : vector<16xi32>
    %add3A_89 = arith.addi %add3A_88, %get3A_7 : vector<16xi32>
    %broadcast_in_dim3A_90 = arith.constant 2.500000e-01 : f32
    %broadcast_in_dim3A_91 = vector.broadcast %broadcast_in_dim3A_90 : f32 to vector<16xf32>
    %swap3A = arith.constant 0 : index
    %swap3A_92 = tpu.vector_load %arg8[%swap3A] {strides = array<i32>} : memref<128xi32, #tpu.memory_space<vmem>>, vector<16xi32>,
    %swap3A_93 = vector.shape_cast %swap3A_92 : vector<16xi32> to vector<16xi32>
    %swap3A_94 = vector.shape_cast %add3A_34 : vector<16xi32> to vector<16xi32>
    tpu.vector_store %arg8[%swap3A], %swap3A_94 {strides = array<i32>} : memref<128xi32, #tpu.memory_space<vmem>>, vector<16xi32>,
    %swap3A_95 = arith.constant 0 : index
    %swap3A_96 = tpu.vector_load %arg9[%swap3A_95] {strides = array<i32>} : memref<128xf32, #tpu.memory_space<vmem>>, vector<16xf32>,
    %swap3A_97 = vector.shape_cast %swap3A_96 : vector<16xf32> to vector<16xf32>
    %swap3A_98 = vector.shape_cast %select_n3A : vector<16xf32> to vector<16xf32>
    tpu.vector_store %arg9[%swap3A_95], %swap3A_98 {strides = array<i32>} : memref<128xf32, #tpu.memory_space<vmem>>, vector<16xf32>,
    %swap3A_99 = arith.constant 32 : index
    %swap3A_100 = tpu.vector_load %arg8[%swap3A_99] {strides = array<i32>} : memref<128xi32, #tpu.memory_space<vmem>>, vector<16xi32>,
    %swap3A_101 = vector.shape_cast %swap3A_100 : vector<16xi32> to vector<16xi32>
    %swap3A_102 = vector.shape_cast %add3A_51 : vector<16xi32> to vector<16xi32>
    tpu.vector_store %arg8[%swap3A_99], %swap3A_102 {strides = array<i32>} : memref<128xi32, #tpu.memory_space<vmem>>, vector<16xi32>,
    %swap3A_103 = arith.constant 32 : index
    %swap3A_104 = tpu.vector_load %arg9[%swap3A_103] {strides = array<i32>} : memref<128xf32, #tpu.memory_space<vmem>>, vector<16xf32>,
    %swap3A_105 = vector.shape_cast %swap3A_104 : vector<16xf32> to vector<16xf32>
    %swap3A_106 = vector.shape_cast %select_n3A_56 : vector<16xf32> to vector<16xf32>
    tpu.vector_store %arg9[%swap3A_103], %swap3A_106 {strides = array<i32>} : memref<128xf32, #tpu.memory_space<vmem>>, vector<16xf32>,
    %swap3A_107 = arith.constant 64 : index
    %swap3A_108 = tpu.vector_load %arg8[%swap3A_107] {strides = array<i32>} : memref<128xi32, #tpu.memory_space<vmem>>, vector<16xi32>,
    %swap3A_109 = vector.shape_cast %swap3A_108 : vector<16xi32> to vector<16xi32>
    %swap3A_110 = vector.shape_cast %add3A_70 : vector<16xi32> to vector<16xi32>
    tpu.vector_store %arg8[%swap3A_107], %swap3A_110 {strides = array<i32>} : memref<128xi32, #tpu.memory_space<vmem>>, vector<16xi32>,
    %swap3A_111 = arith.constant 64 : index
    %swap3A_112 = tpu.vector_load %arg9[%swap3A_111] {strides = array<i32>} : memref<128xf32, #tpu.memory_space<vmem>>, vector<16xf32>,
    %swap3A_113 = vector.shape_cast %swap3A_112 : vector<16xf32> to vector<16xf32>
    %swap3A_114 = vector.shape_cast %select_n3A_75 : vector<16xf32> to vector<16xf32>
    tpu.vector_store %arg9[%swap3A_111], %swap3A_114 {strides = array<i32>} : memref<128xf32, #tpu.memory_space<vmem>>, vector<16xf32>,
    %swap3A_115 = arith.constant 96 : index
    %swap3A_116 = tpu.vector_load %arg8[%swap3A_115] {strides = array<i32>} : memref<128xi32, #tpu.memory_space<vmem>>, vector<16xi32>,
    %swap3A_117 = vector.shape_cast %swap3A_116 : vector<16xi32> to vector<16xi32>
    %swap3A_118 = vector.shape_cast %add3A_89 : vector<16xi32> to vector<16xi32>
    tpu.vector_store %arg8[%swap3A_115], %swap3A_118 {strides = array<i32>} : memref<128xi32, #tpu.memory_space<vmem>>, vector<16xi32>,
    %swap3A_119 = arith.constant 96 : index
    %swap3A_120 = tpu.vector_load %arg9[%swap3A_119] {strides = array<i32>} : memref<128xf32, #tpu.memory_space<vmem>>, vector<16xf32>,
    %swap3A_121 = vector.shape_cast %swap3A_120 : vector<16xf32> to vector<16xf32>
    %swap3A_122 = vector.shape_cast %broadcast_in_dim3A_91 : vector<16xf32> to vector<16xf32>
    tpu.vector_store %arg9[%swap3A_119], %swap3A_122 {strides = array<i32>} : memref<128xf32, #tpu.memory_space<vmem>>, vector<16xf32>,
    %get3A_123 = arith.constant 16 : index
    %get3A_124 = tpu.vector_load %arg6[%get3A_123] {strides = array<i32>} : memref<32xi32, #tpu.memory_space<vmem>>, vector<16xi32>,
    %get3A_125 = vector.shape_cast %get3A_124 : vector<16xi32> to vector<16xi32>
    %get3A_126 = arith.constant 16 : index
    %get3A_127 = tpu.vector_load %arg7[%get3A_126] {strides = array<i32>} : memref<32xi32, #tpu.memory_space<vmem>>, vector<16xi32>,
    %get3A_128 = vector.shape_cast %get3A_127 : vector<16xi32> to vector<16xi32>
    %sub3A_129 = arith.constant 1 : i32
    %sub3A_130 = vector.broadcast %sub3A_129 : i32 to vector<16xi32>
    %sub3A_131 = arith.subi %get3A_125, %sub3A_130 : vector<16xi32>
    %sub3A_132 = arith.constant 1 : i32
    %sub3A_133 = vector.broadcast %sub3A_132 : i32 to vector<16xi32>
    %sub3A_134 = arith.subi %get3A_128, %sub3A_133 : vector<16xi32>
    %ge3A_135 = arith.constant 0 : i32
    %ge3A_136 = vector.broadcast %ge3A_135 : i32 to vector<16xi32>
    %ge3A_137 = arith.cmpi sge, %sub3A_131, %ge3A_136 : vector<16xi32>
    %ge3A_138 = arith.constant 0 : i32
    %ge3A_139 = vector.broadcast %ge3A_138 : i32 to vector<16xi32>
    %ge3A_140 = arith.cmpi sge, %sub3A_134, %ge3A_139 : vector<16xi32>
    %max3A_141 = arith.constant 0 : i32
    %max3A_142 = vector.broadcast %max3A_141 : i32 to vector<16xi32>
    %max3A_143 = arith.maxsi %sub3A_131, %max3A_142 : vector<16xi32>
    %max3A_144 = arith.constant 0 : i32
    %max3A_145 = vector.broadcast %max3A_144 : i32 to vector<16xi32>
    %max3A_146 = arith.maxsi %sub3A_134, %max3A_145 : vector<16xi32>
    %shift_right_arithmetic3A_147 = arith.constant 7 : i32
    %shift_right_arithmetic3A_148 = vector.broadcast %shift_right_arithmetic3A_147 : i32 to vector<16xi32>
    %shift_right_arithmetic3A_149 = arith.shrsi %max3A_143, %shift_right_arithmetic3A_148 : vector<16xi32>
    %mul3A_150 = arith.constant 2097152 : i32
    %mul3A_151 = vector.broadcast %mul3A_150 : i32 to vector<16xi32>
    %mul3A_152 = arith.muli %shift_right_arithmetic3A_149, %mul3A_151 : vector<16xi32>
    %and3A_153 = arith.constant 127 : i32
    %and3A_154 = vector.broadcast %and3A_153 : i32 to vector<16xi32>
    %and3A_155 = arith.andi %max3A_143, %and3A_154 : vector<16xi32>
    %mul3A_156 = arith.constant 128 : i32
    %mul3A_157 = vector.broadcast %mul3A_156 : i32 to vector<16xi32>
    %mul3A_158 = arith.muli %and3A_155, %mul3A_157 : vector<16xi32>
    %add3A_159 = arith.addi %mul3A_152, %mul3A_158 : vector<16xi32>
    %add3A_160 = arith.addi %add3A_159, %max3A_146 : vector<16xi32>
    %and3A_161 = arith.andi %ge3A_137, %ge3A_140 : vector<16xi1>
    %jit3A_162 = arith.constant 2.500000e-01 : f32
    %jit3A_163 = arith.constant 0.000000e+00 : f32
    %broadcast_in_dim3A_164 = vector.broadcast %jit3A_162 : f32 to vector<16xf32>
    %broadcast_in_dim3A_165 = vector.broadcast %jit3A_163 : f32 to vector<16xf32>
    %select_n3A_166 = arith.select %and3A_161, %broadcast_in_dim3A_164, %broadcast_in_dim3A_165 : vector<16xi1>, vector<16xf32>
    %shift_right_arithmetic3A_167 = arith.constant 7 : i32
    %shift_right_arithmetic3A_168 = vector.broadcast %shift_right_arithmetic3A_167 : i32 to vector<16xi32>
    %shift_right_arithmetic3A_169 = arith.shrsi %max3A_143, %shift_right_arithmetic3A_168 : vector<16xi32>
    %mul3A_170 = arith.constant 2097152 : i32
    %mul3A_171 = vector.broadcast %mul3A_170 : i32 to vector<16xi32>
    %mul3A_172 = arith.muli %shift_right_arithmetic3A_169, %mul3A_171 : vector<16xi32>
    %and3A_173 = arith.constant 127 : i32
    %and3A_174 = vector.broadcast %and3A_173 : i32 to vector<16xi32>
    %and3A_175 = arith.andi %max3A_143, %and3A_174 : vector<16xi32>
    %mul3A_176 = arith.constant 128 : i32
    %mul3A_177 = vector.broadcast %mul3A_176 : i32 to vector<16xi32>
    %mul3A_178 = arith.muli %and3A_175, %mul3A_177 : vector<16xi32>
    %add3A_179 = arith.addi %mul3A_172, %mul3A_178 : vector<16xi32>
    %add3A_180 = arith.addi %add3A_179, %get3A_128 : vector<16xi32>
    %jit3A_181 = arith.constant 2.500000e-01 : f32
    %jit3A_182 = arith.constant 0.000000e+00 : f32
    %broadcast_in_dim3A_183 = vector.broadcast %jit3A_181 : f32 to vector<16xf32>
    %broadcast_in_dim3A_184 = vector.broadcast %jit3A_182 : f32 to vector<16xf32>
    %select_n3A_185 = arith.select %ge3A_137, %broadcast_in_dim3A_183, %broadcast_in_dim3A_184 : vector<16xi1>, vector<16xf32>
    %shift_right_arithmetic3A_186 = arith.constant 7 : i32
    %shift_right_arithmetic3A_187 = vector.broadcast %shift_right_arithmetic3A_186 : i32 to vector<16xi32>
    %shift_right_arithmetic3A_188 = arith.shrsi %get3A_125, %shift_right_arithmetic3A_187 : vector<16xi32>
    %mul3A_189 = arith.constant 2097152 : i32
    %mul3A_190 = vector.broadcast %mul3A_189 : i32 to vector<16xi32>
    %mul3A_191 = arith.muli %shift_right_arithmetic3A_188, %mul3A_190 : vector<16xi32>
    %and3A_192 = arith.constant 127 : i32
    %and3A_193 = vector.broadcast %and3A_192 : i32 to vector<16xi32>
    %and3A_194 = arith.andi %get3A_125, %and3A_193 : vector<16xi32>
    %mul3A_195 = arith.constant 128 : i32
    %mul3A_196 = vector.broadcast %mul3A_195 : i32 to vector<16xi32>
    %mul3A_197 = arith.muli %and3A_194, %mul3A_196 : vector<16xi32>
    %add3A_198 = arith.addi %mul3A_191, %mul3A_197 : vector<16xi32>
    %add3A_199 = arith.addi %add3A_198, %max3A_146 : vector<16xi32>
    %jit3A_200 = arith.constant 2.500000e-01 : f32
    %jit3A_201 = arith.constant 0.000000e+00 : f32
    %broadcast_in_dim3A_202 = vector.broadcast %jit3A_200 : f32 to vector<16xf32>
    %broadcast_in_dim3A_203 = vector.broadcast %jit3A_201 : f32 to vector<16xf32>
    %select_n3A_204 = arith.select %ge3A_140, %broadcast_in_dim3A_202, %broadcast_in_dim3A_203 : vector<16xi1>, vector<16xf32>
    %shift_right_arithmetic3A_205 = arith.constant 7 : i32
    %shift_right_arithmetic3A_206 = vector.broadcast %shift_right_arithmetic3A_205 : i32 to vector<16xi32>
    %shift_right_arithmetic3A_207 = arith.shrsi %get3A_125, %shift_right_arithmetic3A_206 : vector<16xi32>
    %mul3A_208 = arith.constant 2097152 : i32
    %mul3A_209 = vector.broadcast %mul3A_208 : i32 to vector<16xi32>
    %mul3A_210 = arith.muli %shift_right_arithmetic3A_207, %mul3A_209 : vector<16xi32>
    %and3A_211 = arith.constant 127 : i32
    %and3A_212 = vector.broadcast %and3A_211 : i32 to vector<16xi32>
    %and3A_213 = arith.andi %get3A_125, %and3A_212 : vector<16xi32>
    %mul3A_214 = arith.constant 128 : i32
    %mul3A_215 = vector.broadcast %mul3A_214 : i32 to vector<16xi32>
    %mul3A_216 = arith.muli %and3A_213, %mul3A_215 : vector<16xi32>
    %add3A_217 = arith.addi %mul3A_210, %mul3A_216 : vector<16xi32>
    %add3A_218 = arith.addi %add3A_217, %get3A_128 : vector<16xi32>
    %broadcast_in_dim3A_219 = arith.constant 2.500000e-01 : f32
    %broadcast_in_dim3A_220 = vector.broadcast %broadcast_in_dim3A_219 : f32 to vector<16xf32>
    %swap3A_221 = arith.constant 16 : index
    %swap3A_222 = tpu.vector_load %arg8[%swap3A_221] {strides = array<i32>} : memref<128xi32, #tpu.memory_space<vmem>>, vector<16xi32>,
    %swap3A_223 = vector.shape_cast %swap3A_222 : vector<16xi32> to vector<16xi32>
    %swap3A_224 = vector.shape_cast %add3A_160 : vector<16xi32> to vector<16xi32>
    tpu.vector_store %arg8[%swap3A_221], %swap3A_224 {strides = array<i32>} : memref<128xi32, #tpu.memory_space<vmem>>, vector<16xi32>,
    %swap3A_225 = arith.constant 16 : index
    %swap3A_226 = tpu.vector_load %arg9[%swap3A_225] {strides = array<i32>} : memref<128xf32, #tpu.memory_space<vmem>>, vector<16xf32>,
    %swap3A_227 = vector.shape_cast %swap3A_226 : vector<16xf32> to vector<16xf32>
    %swap3A_228 = vector.shape_cast %select_n3A_166 : vector<16xf32> to vector<16xf32>
    tpu.vector_store %arg9[%swap3A_225], %swap3A_228 {strides = array<i32>} : memref<128xf32, #tpu.memory_space<vmem>>, vector<16xf32>,
    %swap3A_229 = arith.constant 48 : index
    %swap3A_230 = tpu.vector_load %arg8[%swap3A_229] {strides = array<i32>} : memref<128xi32, #tpu.memory_space<vmem>>, vector<16xi32>,
    %swap3A_231 = vector.shape_cast %swap3A_230 : vector<16xi32> to vector<16xi32>
    %swap3A_232 = vector.shape_cast %add3A_180 : vector<16xi32> to vector<16xi32>
    tpu.vector_store %arg8[%swap3A_229], %swap3A_232 {strides = array<i32>} : memref<128xi32, #tpu.memory_space<vmem>>, vector<16xi32>,
    %swap3A_233 = arith.constant 48 : index
    %swap3A_234 = tpu.vector_load %arg9[%swap3A_233] {strides = array<i32>} : memref<128xf32, #tpu.memory_space<vmem>>, vector<16xf32>,
    %swap3A_235 = vector.shape_cast %swap3A_234 : vector<16xf32> to vector<16xf32>
    %swap3A_236 = vector.shape_cast %select_n3A_185 : vector<16xf32> to vector<16xf32>
    tpu.vector_store %arg9[%swap3A_233], %swap3A_236 {strides = array<i32>} : memref<128xf32, #tpu.memory_space<vmem>>, vector<16xf32>,
    %swap3A_237 = arith.constant 80 : index
    %swap3A_238 = tpu.vector_load %arg8[%swap3A_237] {strides = array<i32>} : memref<128xi32, #tpu.memory_space<vmem>>, vector<16xi32>,
    %swap3A_239 = vector.shape_cast %swap3A_238 : vector<16xi32> to vector<16xi32>
    %swap3A_240 = vector.shape_cast %add3A_199 : vector<16xi32> to vector<16xi32>
    tpu.vector_store %arg8[%swap3A_237], %swap3A_240 {strides = array<i32>} : memref<128xi32, #tpu.memory_space<vmem>>, vector<16xi32>,
    %swap3A_241 = arith.constant 80 : index
    %swap3A_242 = tpu.vector_load %arg9[%swap3A_241] {strides = array<i32>} : memref<128xf32, #tpu.memory_space<vmem>>, vector<16xf32>,
    %swap3A_243 = vector.shape_cast %swap3A_242 : vector<16xf32> to vector<16xf32>
    %swap3A_244 = vector.shape_cast %select_n3A_204 : vector<16xf32> to vector<16xf32>
    tpu.vector_store %arg9[%swap3A_241], %swap3A_244 {strides = array<i32>} : memref<128xf32, #tpu.memory_space<vmem>>, vector<16xf32>,
    %swap3A_245 = arith.constant 112 : index
    %swap3A_246 = tpu.vector_load %arg8[%swap3A_245] {strides = array<i32>} : memref<128xi32, #tpu.memory_space<vmem>>, vector<16xi32>,
    %swap3A_247 = vector.shape_cast %swap3A_246 : vector<16xi32> to vector<16xi32>
    %swap3A_248 = vector.shape_cast %add3A_218 : vector<16xi32> to vector<16xi32>
    tpu.vector_store %arg8[%swap3A_245], %swap3A_248 {strides = array<i32>} : memref<128xi32, #tpu.memory_space<vmem>>, vector<16xi32>,
    %swap3A_249 = arith.constant 112 : index
    %swap3A_250 = tpu.vector_load %arg9[%swap3A_249] {strides = array<i32>} : memref<128xf32, #tpu.memory_space<vmem>>, vector<16xf32>,
    %swap3A_251 = vector.shape_cast %swap3A_250 : vector<16xf32> to vector<16xf32>
    %swap3A_252 = vector.shape_cast %broadcast_in_dim3A_220 : vector<16xf32> to vector<16xf32>
    tpu.vector_store %arg9[%swap3A_249], %swap3A_252 {strides = array<i32>} : memref<128xf32, #tpu.memory_space<vmem>>, vector<16xf32>,
    %broadcast_in_dim3A_253 = arith.constant 0 : i32
    %broadcast_in_dim3A_254 = vector.broadcast %broadcast_in_dim3A_253 : i32 to vector<16xi32>
    %scan3A = arith.constant 0 : i32
    %scan3A_255 = arith.constant 128 : i32
    %scan3A_256 = arith.addi %scan3A, %scan3A_255 : i32
    %scan3A_257 = arith.constant 2 : i32
    %scan3A_258 = scf.for %scan3A_268 = %scan3A to %scan3A_256 step %scan3A_257 iter_args(%scan3A_269 = %broadcast_in_dim3A_254) -> (vector<16xi32>)  : i32 {
      %get3A_270 = arith.constant 0 : index
      %get3A_271 = tpu.vector_load %arg8[%get3A_270] {strides = array<i32>} : memref<128xi32, #tpu.memory_space<vmem>>, vector<16xi32>,
      %get3A_272 = vector.shape_cast %get3A_271 : vector<16xi32> to vector<16xi32>
      %add3A_273 = arith.addi %get3A_272, %scan3A_269 : vector<16xi32>
      %mul3A_274 = arith.constant 32 : i32
      %mul3A_275 = arith.muli %scan3A_268, %mul3A_274 : i32
      %add3A_276 = arith.constant 0 : i32
      %add3A_277 = arith.addi %mul3A_275, %add3A_276 : i32
      %add3A_278 = arith.constant 0 : i32
      %add3A_279 = arith.addi %add3A_277, %add3A_278 : i32
      %swap3A_280 = arith.index_cast %add3A_279 : i32 to index
      %swap3A_281 = tpu.vector_load %arg10[%swap3A_280] {strides = array<i32>} : memref<16384xi32, #tpu.memory_space<vmem>>, vector<16xi32>,
      %swap3A_282 = vector.shape_cast %swap3A_281 : vector<16xi32> to vector<16xi32>
      %swap3A_283 = vector.shape_cast %add3A_273 : vector<16xi32> to vector<16xi32>
      tpu.vector_store %arg10[%swap3A_280], %swap3A_283 {strides = array<i32>} : memref<16384xi32, #tpu.memory_space<vmem>>, vector<16xi32>,
      %get3A_284 = arith.constant 16 : index
      %get3A_285 = tpu.vector_load %arg8[%get3A_284] {strides = array<i32>} : memref<128xi32, #tpu.memory_space<vmem>>, vector<16xi32>,
      %get3A_286 = vector.shape_cast %get3A_285 : vector<16xi32> to vector<16xi32>
      %add3A_287 = arith.addi %get3A_286, %scan3A_269 : vector<16xi32>
      %mul3A_288 = arith.constant 32 : i32
      %mul3A_289 = arith.muli %scan3A_268, %mul3A_288 : i32
      %add3A_290 = arith.constant 0 : i32
      %add3A_291 = arith.addi %mul3A_289, %add3A_290 : i32
      %add3A_292 = arith.constant 16 : i32
      %add3A_293 = arith.addi %add3A_291, %add3A_292 : i32
      %swap3A_294 = arith.index_cast %add3A_293 : i32 to index
      %swap3A_295 = tpu.vector_load %arg10[%swap3A_294] {strides = array<i32>} : memref<16384xi32, #tpu.memory_space<vmem>>, vector<16xi32>,
      %swap3A_296 = vector.shape_cast %swap3A_295 : vector<16xi32> to vector<16xi32>
      %swap3A_297 = vector.shape_cast %add3A_287 : vector<16xi32> to vector<16xi32>
      tpu.vector_store %arg10[%swap3A_294], %swap3A_297 {strides = array<i32>} : memref<16384xi32, #tpu.memory_space<vmem>>, vector<16xi32>,
      %get3A_298 = arith.constant 32 : index
      %get3A_299 = tpu.vector_load %arg8[%get3A_298] {strides = array<i32>} : memref<128xi32, #tpu.memory_space<vmem>>, vector<16xi32>,
      %get3A_300 = vector.shape_cast %get3A_299 : vector<16xi32> to vector<16xi32>
      %add3A_301 = arith.addi %get3A_300, %scan3A_269 : vector<16xi32>
      %mul3A_302 = arith.constant 32 : i32
      %mul3A_303 = arith.muli %scan3A_268, %mul3A_302 : i32
      %add3A_304 = arith.constant 4096 : i32
      %add3A_305 = arith.addi %mul3A_303, %add3A_304 : i32
      %add3A_306 = arith.constant 0 : i32
      %add3A_307 = arith.addi %add3A_305, %add3A_306 : i32
      %swap3A_308 = arith.index_cast %add3A_307 : i32 to index
      %swap3A_309 = tpu.vector_load %arg10[%swap3A_308] {strides = array<i32>} : memref<16384xi32, #tpu.memory_space<vmem>>, vector<16xi32>,
      %swap3A_310 = vector.shape_cast %swap3A_309 : vector<16xi32> to vector<16xi32>
      %swap3A_311 = vector.shape_cast %add3A_301 : vector<16xi32> to vector<16xi32>
      tpu.vector_store %arg10[%swap3A_308], %swap3A_311 {strides = array<i32>} : memref<16384xi32, #tpu.memory_space<vmem>>, vector<16xi32>,
      %get3A_312 = arith.constant 48 : index
      %get3A_313 = tpu.vector_load %arg8[%get3A_312] {strides = array<i32>} : memref<128xi32, #tpu.memory_space<vmem>>, vector<16xi32>,
      %get3A_314 = vector.shape_cast %get3A_313 : vector<16xi32> to vector<16xi32>
      %add3A_315 = arith.addi %get3A_314, %scan3A_269 : vector<16xi32>
      %mul3A_316 = arith.constant 32 : i32
      %mul3A_317 = arith.muli %scan3A_268, %mul3A_316 : i32
      %add3A_318 = arith.constant 4096 : i32
      %add3A_319 = arith.addi %mul3A_317, %add3A_318 : i32
      %add3A_320 = arith.constant 16 : i32
      %add3A_321 = arith.addi %add3A_319, %add3A_320 : i32
      %swap3A_322 = arith.index_cast %add3A_321 : i32 to index
      %swap3A_323 = tpu.vector_load %arg10[%swap3A_322] {strides = array<i32>} : memref<16384xi32, #tpu.memory_space<vmem>>, vector<16xi32>,
      %swap3A_324 = vector.shape_cast %swap3A_323 : vector<16xi32> to vector<16xi32>
      %swap3A_325 = vector.shape_cast %add3A_315 : vector<16xi32> to vector<16xi32>
      tpu.vector_store %arg10[%swap3A_322], %swap3A_325 {strides = array<i32>} : memref<16384xi32, #tpu.memory_space<vmem>>, vector<16xi32>,
      %get3A_326 = arith.constant 64 : index
      %get3A_327 = tpu.vector_load %arg8[%get3A_326] {strides = array<i32>} : memref<128xi32, #tpu.memory_space<vmem>>, vector<16xi32>,
      %get3A_328 = vector.shape_cast %get3A_327 : vector<16xi32> to vector<16xi32>
      %add3A_329 = arith.addi %get3A_328, %scan3A_269 : vector<16xi32>
      %mul3A_330 = arith.constant 32 : i32
      %mul3A_331 = arith.muli %scan3A_268, %mul3A_330 : i32
      %add3A_332 = arith.constant 8192 : i32
      %add3A_333 = arith.addi %mul3A_331, %add3A_332 : i32
      %add3A_334 = arith.constant 0 : i32
      %add3A_335 = arith.addi %add3A_333, %add3A_334 : i32
      %swap3A_336 = arith.index_cast %add3A_335 : i32 to index
      %swap3A_337 = tpu.vector_load %arg10[%swap3A_336] {strides = array<i32>} : memref<16384xi32, #tpu.memory_space<vmem>>, vector<16xi32>,
      %swap3A_338 = vector.shape_cast %swap3A_337 : vector<16xi32> to vector<16xi32>
      %swap3A_339 = vector.shape_cast %add3A_329 : vector<16xi32> to vector<16xi32>
      tpu.vector_store %arg10[%swap3A_336], %swap3A_339 {strides = array<i32>} : memref<16384xi32, #tpu.memory_space<vmem>>, vector<16xi32>,
      %get3A_340 = arith.constant 80 : index
      %get3A_341 = tpu.vector_load %arg8[%get3A_340] {strides = array<i32>} : memref<128xi32, #tpu.memory_space<vmem>>, vector<16xi32>,
      %get3A_342 = vector.shape_cast %get3A_341 : vector<16xi32> to vector<16xi32>
      %add3A_343 = arith.addi %get3A_342, %scan3A_269 : vector<16xi32>
      %mul3A_344 = arith.constant 32 : i32
      %mul3A_345 = arith.muli %scan3A_268, %mul3A_344 : i32
      %add3A_346 = arith.constant 8192 : i32
      %add3A_347 = arith.addi %mul3A_345, %add3A_346 : i32
      %add3A_348 = arith.constant 16 : i32
      %add3A_349 = arith.addi %add3A_347, %add3A_348 : i32
      %swap3A_350 = arith.index_cast %add3A_349 : i32 to index
      %swap3A_351 = tpu.vector_load %arg10[%swap3A_350] {strides = array<i32>} : memref<16384xi32, #tpu.memory_space<vmem>>, vector<16xi32>,
      %swap3A_352 = vector.shape_cast %swap3A_351 : vector<16xi32> to vector<16xi32>
      %swap3A_353 = vector.shape_cast %add3A_343 : vector<16xi32> to vector<16xi32>
      tpu.vector_store %arg10[%swap3A_350], %swap3A_353 {strides = array<i32>} : memref<16384xi32, #tpu.memory_space<vmem>>, vector<16xi32>,
      %get3A_354 = arith.constant 96 : index
      %get3A_355 = tpu.vector_load %arg8[%get3A_354] {strides = array<i32>} : memref<128xi32, #tpu.memory_space<vmem>>, vector<16xi32>,
      %get3A_356 = vector.shape_cast %get3A_355 : vector<16xi32> to vector<16xi32>
      %add3A_357 = arith.addi %get3A_356, %scan3A_269 : vector<16xi32>
      %mul3A_358 = arith.constant 32 : i32
      %mul3A_359 = arith.muli %scan3A_268, %mul3A_358 : i32
      %add3A_360 = arith.constant 12288 : i32
      %add3A_361 = arith.addi %mul3A_359, %add3A_360 : i32
      %add3A_362 = arith.constant 0 : i32
      %add3A_363 = arith.addi %add3A_361, %add3A_362 : i32
      %swap3A_364 = arith.index_cast %add3A_363 : i32 to index
      %swap3A_365 = tpu.vector_load %arg10[%swap3A_364] {strides = array<i32>} : memref<16384xi32, #tpu.memory_space<vmem>>, vector<16xi32>,
      %swap3A_366 = vector.shape_cast %swap3A_365 : vector<16xi32> to vector<16xi32>
      %swap3A_367 = vector.shape_cast %add3A_357 : vector<16xi32> to vector<16xi32>
      tpu.vector_store %arg10[%swap3A_364], %swap3A_367 {strides = array<i32>} : memref<16384xi32, #tpu.memory_space<vmem>>, vector<16xi32>,
      %get3A_368 = arith.constant 112 : index
      %get3A_369 = tpu.vector_load %arg8[%get3A_368] {strides = array<i32>} : memref<128xi32, #tpu.memory_space<vmem>>, vector<16xi32>,
      %get3A_370 = vector.shape_cast %get3A_369 : vector<16xi32> to vector<16xi32>
      %add3A_371 = arith.addi %get3A_370, %scan3A_269 : vector<16xi32>
      %mul3A_372 = arith.constant 32 : i32
      %mul3A_373 = arith.muli %scan3A_268, %mul3A_372 : i32
      %add3A_374 = arith.constant 12288 : i32
      %add3A_375 = arith.addi %mul3A_373, %add3A_374 : i32
      %add3A_376 = arith.constant 16 : i32
      %add3A_377 = arith.addi %add3A_375, %add3A_376 : i32
      %swap3A_378 = arith.index_cast %add3A_377 : i32 to index
      %swap3A_379 = tpu.vector_load %arg10[%swap3A_378] {strides = array<i32>} : memref<16384xi32, #tpu.memory_space<vmem>>, vector<16xi32>,
      %swap3A_380 = vector.shape_cast %swap3A_379 : vector<16xi32> to vector<16xi32>
      %swap3A_381 = vector.shape_cast %add3A_371 : vector<16xi32> to vector<16xi32>
      tpu.vector_store %arg10[%swap3A_378], %swap3A_381 {strides = array<i32>} : memref<16384xi32, #tpu.memory_space<vmem>>, vector<16xi32>,
      %add3A_382 = arith.constant 16384 : i32
      %add3A_383 = vector.broadcast %add3A_382 : i32 to vector<16xi32>
      %add3A_384 = arith.addi %scan3A_269, %add3A_383 : vector<16xi32>
      %scan3A_385 = arith.constant 1 : i32
      %scan3A_386 = arith.addi %scan3A_268, %scan3A_385 : i32
      %get3A_387 = arith.constant 0 : index
      %get3A_388 = tpu.vector_load %arg8[%get3A_387] {strides = array<i32>} : memref<128xi32, #tpu.memory_space<vmem>>, vector<16xi32>,
      %get3A_389 = vector.shape_cast %get3A_388 : vector<16xi32> to vector<16xi32>
      %add3A_390 = arith.addi %get3A_389, %add3A_384 : vector<16xi32>
      %mul3A_391 = arith.constant 32 : i32
      %mul3A_392 = arith.muli %scan3A_386, %mul3A_391 : i32
      %add3A_393 = arith.constant 0 : i32
      %add3A_394 = arith.addi %mul3A_392, %add3A_393 : i32
      %add3A_395 = arith.constant 0 : i32
      %add3A_396 = arith.addi %add3A_394, %add3A_395 : i32
      %swap3A_397 = arith.index_cast %add3A_396 : i32 to index
      %swap3A_398 = tpu.vector_load %arg10[%swap3A_397] {strides = array<i32>} : memref<16384xi32, #tpu.memory_space<vmem>>, vector<16xi32>,
      %swap3A_399 = vector.shape_cast %swap3A_398 : vector<16xi32> to vector<16xi32>
      %swap3A_400 = vector.shape_cast %add3A_390 : vector<16xi32> to vector<16xi32>
      tpu.vector_store %arg10[%swap3A_397], %swap3A_400 {strides = array<i32>} : memref<16384xi32, #tpu.memory_space<vmem>>, vector<16xi32>,
      %get3A_401 = arith.constant 16 : index
      %get3A_402 = tpu.vector_load %arg8[%get3A_401] {strides = array<i32>} : memref<128xi32, #tpu.memory_space<vmem>>, vector<16xi32>,
      %get3A_403 = vector.shape_cast %get3A_402 : vector<16xi32> to vector<16xi32>
      %add3A_404 = arith.addi %get3A_403, %add3A_384 : vector<16xi32>
      %mul3A_405 = arith.constant 32 : i32
      %mul3A_406 = arith.muli %scan3A_386, %mul3A_405 : i32
      %add3A_407 = arith.constant 0 : i32
      %add3A_408 = arith.addi %mul3A_406, %add3A_407 : i32
      %add3A_409 = arith.constant 16 : i32
      %add3A_410 = arith.addi %add3A_408, %add3A_409 : i32
      %swap3A_411 = arith.index_cast %add3A_410 : i32 to index
      %swap3A_412 = tpu.vector_load %arg10[%swap3A_411] {strides = array<i32>} : memref<16384xi32, #tpu.memory_space<vmem>>, vector<16xi32>,
      %swap3A_413 = vector.shape_cast %swap3A_412 : vector<16xi32> to vector<16xi32>
      %swap3A_414 = vector.shape_cast %add3A_404 : vector<16xi32> to vector<16xi32>
      tpu.vector_store %arg10[%swap3A_411], %swap3A_414 {strides = array<i32>} : memref<16384xi32, #tpu.memory_space<vmem>>, vector<16xi32>,
      %get3A_415 = arith.constant 32 : index
      %get3A_416 = tpu.vector_load %arg8[%get3A_415] {strides = array<i32>} : memref<128xi32, #tpu.memory_space<vmem>>, vector<16xi32>,
      %get3A_417 = vector.shape_cast %get3A_416 : vector<16xi32> to vector<16xi32>
      %add3A_418 = arith.addi %get3A_417, %add3A_384 : vector<16xi32>
      %mul3A_419 = arith.constant 32 : i32
      %mul3A_420 = arith.muli %scan3A_386, %mul3A_419 : i32
      %add3A_421 = arith.constant 4096 : i32
      %add3A_422 = arith.addi %mul3A_420, %add3A_421 : i32
      %add3A_423 = arith.constant 0 : i32
      %add3A_424 = arith.addi %add3A_422, %add3A_423 : i32
      %swap3A_425 = arith.index_cast %add3A_424 : i32 to index
      %swap3A_426 = tpu.vector_load %arg10[%swap3A_425] {strides = array<i32>} : memref<16384xi32, #tpu.memory_space<vmem>>, vector<16xi32>,
      %swap3A_427 = vector.shape_cast %swap3A_426 : vector<16xi32> to vector<16xi32>
      %swap3A_428 = vector.shape_cast %add3A_418 : vector<16xi32> to vector<16xi32>
      tpu.vector_store %arg10[%swap3A_425], %swap3A_428 {strides = array<i32>} : memref<16384xi32, #tpu.memory_space<vmem>>, vector<16xi32>,
      %get3A_429 = arith.constant 48 : index
      %get3A_430 = tpu.vector_load %arg8[%get3A_429] {strides = array<i32>} : memref<128xi32, #tpu.memory_space<vmem>>, vector<16xi32>,
      %get3A_431 = vector.shape_cast %get3A_430 : vector<16xi32> to vector<16xi32>
      %add3A_432 = arith.addi %get3A_431, %add3A_384 : vector<16xi32>
      %mul3A_433 = arith.constant 32 : i32
      %mul3A_434 = arith.muli %scan3A_386, %mul3A_433 : i32
      %add3A_435 = arith.constant 4096 : i32
      %add3A_436 = arith.addi %mul3A_434, %add3A_435 : i32
      %add3A_437 = arith.constant 16 : i32
      %add3A_438 = arith.addi %add3A_436, %add3A_437 : i32
      %swap3A_439 = arith.index_cast %add3A_438 : i32 to index
      %swap3A_440 = tpu.vector_load %arg10[%swap3A_439] {strides = array<i32>} : memref<16384xi32, #tpu.memory_space<vmem>>, vector<16xi32>,
      %swap3A_441 = vector.shape_cast %swap3A_440 : vector<16xi32> to vector<16xi32>
      %swap3A_442 = vector.shape_cast %add3A_432 : vector<16xi32> to vector<16xi32>
      tpu.vector_store %arg10[%swap3A_439], %swap3A_442 {strides = array<i32>} : memref<16384xi32, #tpu.memory_space<vmem>>, vector<16xi32>,
      %get3A_443 = arith.constant 64 : index
      %get3A_444 = tpu.vector_load %arg8[%get3A_443] {strides = array<i32>} : memref<128xi32, #tpu.memory_space<vmem>>, vector<16xi32>,
      %get3A_445 = vector.shape_cast %get3A_444 : vector<16xi32> to vector<16xi32>
      %add3A_446 = arith.addi %get3A_445, %add3A_384 : vector<16xi32>
      %mul3A_447 = arith.constant 32 : i32
      %mul3A_448 = arith.muli %scan3A_386, %mul3A_447 : i32
      %add3A_449 = arith.constant 8192 : i32
      %add3A_450 = arith.addi %mul3A_448, %add3A_449 : i32
      %add3A_451 = arith.constant 0 : i32
      %add3A_452 = arith.addi %add3A_450, %add3A_451 : i32
      %swap3A_453 = arith.index_cast %add3A_452 : i32 to index
      %swap3A_454 = tpu.vector_load %arg10[%swap3A_453] {strides = array<i32>} : memref<16384xi32, #tpu.memory_space<vmem>>, vector<16xi32>,
      %swap3A_455 = vector.shape_cast %swap3A_454 : vector<16xi32> to vector<16xi32>
      %swap3A_456 = vector.shape_cast %add3A_446 : vector<16xi32> to vector<16xi32>
      tpu.vector_store %arg10[%swap3A_453], %swap3A_456 {strides = array<i32>} : memref<16384xi32, #tpu.memory_space<vmem>>, vector<16xi32>,
      %get3A_457 = arith.constant 80 : index
      %get3A_458 = tpu.vector_load %arg8[%get3A_457] {strides = array<i32>} : memref<128xi32, #tpu.memory_space<vmem>>, vector<16xi32>,
      %get3A_459 = vector.shape_cast %get3A_458 : vector<16xi32> to vector<16xi32>
      %add3A_460 = arith.addi %get3A_459, %add3A_384 : vector<16xi32>
      %mul3A_461 = arith.constant 32 : i32
      %mul3A_462 = arith.muli %scan3A_386, %mul3A_461 : i32
      %add3A_463 = arith.constant 8192 : i32
      %add3A_464 = arith.addi %mul3A_462, %add3A_463 : i32
      %add3A_465 = arith.constant 16 : i32
      %add3A_466 = arith.addi %add3A_464, %add3A_465 : i32
      %swap3A_467 = arith.index_cast %add3A_466 : i32 to index
      %swap3A_468 = tpu.vector_load %arg10[%swap3A_467] {strides = array<i32>} : memref<16384xi32, #tpu.memory_space<vmem>>, vector<16xi32>,
      %swap3A_469 = vector.shape_cast %swap3A_468 : vector<16xi32> to vector<16xi32>
      %swap3A_470 = vector.shape_cast %add3A_460 : vector<16xi32> to vector<16xi32>
      tpu.vector_store %arg10[%swap3A_467], %swap3A_470 {strides = array<i32>} : memref<16384xi32, #tpu.memory_space<vmem>>, vector<16xi32>,
      %get3A_471 = arith.constant 96 : index
      %get3A_472 = tpu.vector_load %arg8[%get3A_471] {strides = array<i32>} : memref<128xi32, #tpu.memory_space<vmem>>, vector<16xi32>,
      %get3A_473 = vector.shape_cast %get3A_472 : vector<16xi32> to vector<16xi32>
      %add3A_474 = arith.addi %get3A_473, %add3A_384 : vector<16xi32>
      %mul3A_475 = arith.constant 32 : i32
      %mul3A_476 = arith.muli %scan3A_386, %mul3A_475 : i32
      %add3A_477 = arith.constant 12288 : i32
      %add3A_478 = arith.addi %mul3A_476, %add3A_477 : i32
      %add3A_479 = arith.constant 0 : i32
      %add3A_480 = arith.addi %add3A_478, %add3A_479 : i32
      %swap3A_481 = arith.index_cast %add3A_480 : i32 to index
      %swap3A_482 = tpu.vector_load %arg10[%swap3A_481] {strides = array<i32>} : memref<16384xi32, #tpu.memory_space<vmem>>, vector<16xi32>,
      %swap3A_483 = vector.shape_cast %swap3A_482 : vector<16xi32> to vector<16xi32>
      %swap3A_484 = vector.shape_cast %add3A_474 : vector<16xi32> to vector<16xi32>
      tpu.vector_store %arg10[%swap3A_481], %swap3A_484 {strides = array<i32>} : memref<16384xi32, #tpu.memory_space<vmem>>, vector<16xi32>,
      %get3A_485 = arith.constant 112 : index
      %get3A_486 = tpu.vector_load %arg8[%get3A_485] {strides = array<i32>} : memref<128xi32, #tpu.memory_space<vmem>>, vector<16xi32>,
      %get3A_487 = vector.shape_cast %get3A_486 : vector<16xi32> to vector<16xi32>
      %add3A_488 = arith.addi %get3A_487, %add3A_384 : vector<16xi32>
      %mul3A_489 = arith.constant 32 : i32
      %mul3A_490 = arith.muli %scan3A_386, %mul3A_489 : i32
      %add3A_491 = arith.constant 12288 : i32
      %add3A_492 = arith.addi %mul3A_490, %add3A_491 : i32
      %add3A_493 = arith.constant 16 : i32
      %add3A_494 = arith.addi %add3A_492, %add3A_493 : i32
      %swap3A_495 = arith.index_cast %add3A_494 : i32 to index
      %swap3A_496 = tpu.vector_load %arg10[%swap3A_495] {strides = array<i32>} : memref<16384xi32, #tpu.memory_space<vmem>>, vector<16xi32>,
      %swap3A_497 = vector.shape_cast %swap3A_496 : vector<16xi32> to vector<16xi32>
      %swap3A_498 = vector.shape_cast %add3A_488 : vector<16xi32> to vector<16xi32>
      tpu.vector_store %arg10[%swap3A_495], %swap3A_498 {strides = array<i32>} : memref<16384xi32, #tpu.memory_space<vmem>>, vector<16xi32>,
      %add3A_499 = arith.constant 16384 : i32
      %add3A_500 = vector.broadcast %add3A_499 : i32 to vector<16xi32>
      %add3A_501 = arith.addi %add3A_384, %add3A_500 : vector<16xi32>
      scf.yield %add3A_501 : vector<16xi32>
    }
    %scan3A_259 = arith.constant 128 : i32
    %dma_start3A = arith.constant 0 : i32
    %dma_start3A_260 = tpu.memref_slice %arg2[%dma_start3A] : memref<16777216xf32, #tpu.memory_space<hbm>> -> memref<16777216xf32, #tpu.memory_space<hbm>>
    tpu.enqueue_indirect_dma source(%dma_start3A_260 : memref<16777216xf32, #tpu.memory_space<hbm>>) target(%arg11 : memref<16384xf32, #tpu.memory_space<vmem>>) offsets(%arg10 : memref<16384xi32, #tpu.memory_space<vmem>>) semaphore(%arg13 : memref<!tpu.dma_semaphore, #tpu.memory_space<semaphore_mem>>)
    %dma_wait3A = arith.constant 0 : i32
    %dma_wait3A_261 = tpu.memref_slice %arg2[%dma_wait3A] : memref<16777216xf32, #tpu.memory_space<hbm>> -> memref<16777216xf32, #tpu.memory_space<hbm>>
    tpu.wait_indirect_dma semaphore(%arg13 : memref<!tpu.dma_semaphore, #tpu.memory_space<semaphore_mem>>) src(%dma_wait3A_261 : memref<16777216xf32, #tpu.memory_space<hbm>>) dst(%arg11 : memref<16384xf32, #tpu.memory_space<vmem>>)
    %scan3A_262 = arith.constant 0 : i32
    %scan3A_263 = arith.constant 0 : i32
    %scan3A_264 = arith.constant 128 : i32
    %scan3A_265 = arith.addi %scan3A_263, %scan3A_264 : i32
    %scan3A_266 = arith.constant 2 : i32
    scf.for %scan3A_268 = %scan3A_263 to %scan3A_265 step %scan3A_266  : i32 {
      %broadcast_in_dim3A_269 = arith.constant 0.000000e+00 : f32
      %broadcast_in_dim3A_270 = vector.broadcast %broadcast_in_dim3A_269 : f32 to vector<16xf32>
      %get3A_271 = arith.constant 0 : index
      %get3A_272 = tpu.vector_load %arg9[%get3A_271] {strides = array<i32>} : memref<128xf32, #tpu.memory_space<vmem>>, vector<16xf32>,
      %get3A_273 = vector.shape_cast %get3A_272 : vector<16xf32> to vector<16xf32>
      %mul3A_274 = arith.constant 32 : i32
      %mul3A_275 = arith.muli %scan3A_268, %mul3A_274 : i32
      %add3A_276 = arith.constant 0 : i32
      %add3A_277 = arith.addi %mul3A_275, %add3A_276 : i32
      %add3A_278 = arith.constant 0 : i32
      %add3A_279 = arith.addi %add3A_277, %add3A_278 : i32
      %get3A_280 = arith.index_cast %add3A_279 : i32 to index
      %get3A_281 = tpu.vector_load %arg11[%get3A_280] {strides = array<i32>} : memref<16384xf32, #tpu.memory_space<vmem>>, vector<16xf32>,
      %get3A_282 = vector.shape_cast %get3A_281 : vector<16xf32> to vector<16xf32>
      %mul3A_283 = arith.mulf %get3A_273, %get3A_282 : vector<16xf32>
      %add3A_284 = arith.addf %broadcast_in_dim3A_270, %mul3A_283 : vector<16xf32>
      %get3A_285 = arith.constant 32 : index
      %get3A_286 = tpu.vector_load %arg9[%get3A_285] {strides = array<i32>} : memref<128xf32, #tpu.memory_space<vmem>>, vector<16xf32>,
      %get3A_287 = vector.shape_cast %get3A_286 : vector<16xf32> to vector<16xf32>
      %mul3A_288 = arith.constant 32 : i32
      %mul3A_289 = arith.muli %scan3A_268, %mul3A_288 : i32
      %add3A_290 = arith.constant 4096 : i32
      %add3A_291 = arith.addi %mul3A_289, %add3A_290 : i32
      %add3A_292 = arith.constant 0 : i32
      %add3A_293 = arith.addi %add3A_291, %add3A_292 : i32
      %get3A_294 = arith.index_cast %add3A_293 : i32 to index
      %get3A_295 = tpu.vector_load %arg11[%get3A_294] {strides = array<i32>} : memref<16384xf32, #tpu.memory_space<vmem>>, vector<16xf32>,
      %get3A_296 = vector.shape_cast %get3A_295 : vector<16xf32> to vector<16xf32>
      %mul3A_297 = arith.mulf %get3A_287, %get3A_296 : vector<16xf32>
      %add3A_298 = arith.addf %add3A_284, %mul3A_297 : vector<16xf32>
      %get3A_299 = arith.constant 64 : index
      %get3A_300 = tpu.vector_load %arg9[%get3A_299] {strides = array<i32>} : memref<128xf32, #tpu.memory_space<vmem>>, vector<16xf32>,
      %get3A_301 = vector.shape_cast %get3A_300 : vector<16xf32> to vector<16xf32>
      %mul3A_302 = arith.constant 32 : i32
      %mul3A_303 = arith.muli %scan3A_268, %mul3A_302 : i32
      %add3A_304 = arith.constant 8192 : i32
      %add3A_305 = arith.addi %mul3A_303, %add3A_304 : i32
      %add3A_306 = arith.constant 0 : i32
      %add3A_307 = arith.addi %add3A_305, %add3A_306 : i32
      %get3A_308 = arith.index_cast %add3A_307 : i32 to index
      %get3A_309 = tpu.vector_load %arg11[%get3A_308] {strides = array<i32>} : memref<16384xf32, #tpu.memory_space<vmem>>, vector<16xf32>,
      %get3A_310 = vector.shape_cast %get3A_309 : vector<16xf32> to vector<16xf32>
      %mul3A_311 = arith.mulf %get3A_301, %get3A_310 : vector<16xf32>
      %add3A_312 = arith.addf %add3A_298, %mul3A_311 : vector<16xf32>
      %get3A_313 = arith.constant 96 : index
      %get3A_314 = tpu.vector_load %arg9[%get3A_313] {strides = array<i32>} : memref<128xf32, #tpu.memory_space<vmem>>, vector<16xf32>,
      %get3A_315 = vector.shape_cast %get3A_314 : vector<16xf32> to vector<16xf32>
      %mul3A_316 = arith.constant 32 : i32
      %mul3A_317 = arith.muli %scan3A_268, %mul3A_316 : i32
      %add3A_318 = arith.constant 12288 : i32
      %add3A_319 = arith.addi %mul3A_317, %add3A_318 : i32
      %add3A_320 = arith.constant 0 : i32
      %add3A_321 = arith.addi %add3A_319, %add3A_320 : i32
      %get3A_322 = arith.index_cast %add3A_321 : i32 to index
      %get3A_323 = tpu.vector_load %arg11[%get3A_322] {strides = array<i32>} : memref<16384xf32, #tpu.memory_space<vmem>>, vector<16xf32>,
      %get3A_324 = vector.shape_cast %get3A_323 : vector<16xf32> to vector<16xf32>
      %mul3A_325 = arith.mulf %get3A_315, %get3A_324 : vector<16xf32>
      %add3A_326 = arith.addf %add3A_312, %mul3A_325 : vector<16xf32>
      %swap3A_327 = arith.index_cast %scan3A_268 : i32 to index
      %swap3A_328 = arith.constant 0 : index
      %swap3A_329 = tpu.vector_load %arg12[%swap3A_327, %swap3A_328] {strides = array<i32>} : memref<128x32xf32, #tpu.memory_space<vmem>>, vector<1x16xf32>,
      %swap3A_330 = vector.shape_cast %swap3A_329 : vector<1x16xf32> to vector<16xf32>
      %swap3A_331 = vector.shape_cast %add3A_326 : vector<16xf32> to vector<1x16xf32>
      tpu.vector_store %arg12[%swap3A_327, %swap3A_328], %swap3A_331 {strides = array<i32>} : memref<128x32xf32, #tpu.memory_space<vmem>>, vector<1x16xf32>,
      %broadcast_in_dim3A_332 = arith.constant 0.000000e+00 : f32
      %broadcast_in_dim3A_333 = vector.broadcast %broadcast_in_dim3A_332 : f32 to vector<16xf32>
      %get3A_334 = arith.constant 16 : index
      %get3A_335 = tpu.vector_load %arg9[%get3A_334] {strides = array<i32>} : memref<128xf32, #tpu.memory_space<vmem>>, vector<16xf32>,
      %get3A_336 = vector.shape_cast %get3A_335 : vector<16xf32> to vector<16xf32>
      %mul3A_337 = arith.constant 32 : i32
      %mul3A_338 = arith.muli %scan3A_268, %mul3A_337 : i32
      %add3A_339 = arith.constant 0 : i32
      %add3A_340 = arith.addi %mul3A_338, %add3A_339 : i32
      %add3A_341 = arith.constant 16 : i32
      %add3A_342 = arith.addi %add3A_340, %add3A_341 : i32
      %get3A_343 = arith.index_cast %add3A_342 : i32 to index
      %get3A_344 = tpu.vector_load %arg11[%get3A_343] {strides = array<i32>} : memref<16384xf32, #tpu.memory_space<vmem>>, vector<16xf32>,
      %get3A_345 = vector.shape_cast %get3A_344 : vector<16xf32> to vector<16xf32>
      %mul3A_346 = arith.mulf %get3A_336, %get3A_345 : vector<16xf32>
      %add3A_347 = arith.addf %broadcast_in_dim3A_333, %mul3A_346 : vector<16xf32>
      %get3A_348 = arith.constant 48 : index
      %get3A_349 = tpu.vector_load %arg9[%get3A_348] {strides = array<i32>} : memref<128xf32, #tpu.memory_space<vmem>>, vector<16xf32>,
      %get3A_350 = vector.shape_cast %get3A_349 : vector<16xf32> to vector<16xf32>
      %mul3A_351 = arith.constant 32 : i32
      %mul3A_352 = arith.muli %scan3A_268, %mul3A_351 : i32
      %add3A_353 = arith.constant 4096 : i32
      %add3A_354 = arith.addi %mul3A_352, %add3A_353 : i32
      %add3A_355 = arith.constant 16 : i32
      %add3A_356 = arith.addi %add3A_354, %add3A_355 : i32
      %get3A_357 = arith.index_cast %add3A_356 : i32 to index
      %get3A_358 = tpu.vector_load %arg11[%get3A_357] {strides = array<i32>} : memref<16384xf32, #tpu.memory_space<vmem>>, vector<16xf32>,
      %get3A_359 = vector.shape_cast %get3A_358 : vector<16xf32> to vector<16xf32>
      %mul3A_360 = arith.mulf %get3A_350, %get3A_359 : vector<16xf32>
      %add3A_361 = arith.addf %add3A_347, %mul3A_360 : vector<16xf32>
      %get3A_362 = arith.constant 80 : index
      %get3A_363 = tpu.vector_load %arg9[%get3A_362] {strides = array<i32>} : memref<128xf32, #tpu.memory_space<vmem>>, vector<16xf32>,
      %get3A_364 = vector.shape_cast %get3A_363 : vector<16xf32> to vector<16xf32>
      %mul3A_365 = arith.constant 32 : i32
      %mul3A_366 = arith.muli %scan3A_268, %mul3A_365 : i32
      %add3A_367 = arith.constant 8192 : i32
      %add3A_368 = arith.addi %mul3A_366, %add3A_367 : i32
      %add3A_369 = arith.constant 16 : i32
      %add3A_370 = arith.addi %add3A_368, %add3A_369 : i32
      %get3A_371 = arith.index_cast %add3A_370 : i32 to index
      %get3A_372 = tpu.vector_load %arg11[%get3A_371] {strides = array<i32>} : memref<16384xf32, #tpu.memory_space<vmem>>, vector<16xf32>,
      %get3A_373 = vector.shape_cast %get3A_372 : vector<16xf32> to vector<16xf32>
      %mul3A_374 = arith.mulf %get3A_364, %get3A_373 : vector<16xf32>
      %add3A_375 = arith.addf %add3A_361, %mul3A_374 : vector<16xf32>
      %get3A_376 = arith.constant 112 : index
      %get3A_377 = tpu.vector_load %arg9[%get3A_376] {strides = array<i32>} : memref<128xf32, #tpu.memory_space<vmem>>, vector<16xf32>,
      %get3A_378 = vector.shape_cast %get3A_377 : vector<16xf32> to vector<16xf32>
      %mul3A_379 = arith.constant 32 : i32
      %mul3A_380 = arith.muli %scan3A_268, %mul3A_379 : i32
      %add3A_381 = arith.constant 12288 : i32
      %add3A_382 = arith.addi %mul3A_380, %add3A_381 : i32
      %add3A_383 = arith.constant 16 : i32
      %add3A_384 = arith.addi %add3A_382, %add3A_383 : i32
      %get3A_385 = arith.index_cast %add3A_384 : i32 to index
      %get3A_386 = tpu.vector_load %arg11[%get3A_385] {strides = array<i32>} : memref<16384xf32, #tpu.memory_space<vmem>>, vector<16xf32>,
      %get3A_387 = vector.shape_cast %get3A_386 : vector<16xf32> to vector<16xf32>
      %mul3A_388 = arith.mulf %get3A_378, %get3A_387 : vector<16xf32>
      %add3A_389 = arith.addf %add3A_375, %mul3A_388 : vector<16xf32>
      %swap3A_390 = arith.index_cast %scan3A_268 : i32 to index
      %swap3A_391 = arith.constant 16 : index
      %swap3A_392 = tpu.vector_load %arg12[%swap3A_390, %swap3A_391] {strides = array<i32>} : memref<128x32xf32, #tpu.memory_space<vmem>>, vector<1x16xf32>,
      %swap3A_393 = vector.shape_cast %swap3A_392 : vector<1x16xf32> to vector<16xf32>
      %swap3A_394 = vector.shape_cast %add3A_389 : vector<16xf32> to vector<1x16xf32>
      tpu.vector_store %arg12[%swap3A_390, %swap3A_391], %swap3A_394 {strides = array<i32>} : memref<128x32xf32, #tpu.memory_space<vmem>>, vector<1x16xf32>,
      %scan3A_395 = arith.constant 1 : i32
      %scan3A_396 = arith.addi %scan3A_268, %scan3A_395 : i32
      %broadcast_in_dim3A_397 = arith.constant 0.000000e+00 : f32
      %broadcast_in_dim3A_398 = vector.broadcast %broadcast_in_dim3A_397 : f32 to vector<16xf32>
      %get3A_399 = arith.constant 0 : index
      %get3A_400 = tpu.vector_load %arg9[%get3A_399] {strides = array<i32>} : memref<128xf32, #tpu.memory_space<vmem>>, vector<16xf32>,
      %get3A_401 = vector.shape_cast %get3A_400 : vector<16xf32> to vector<16xf32>
      %mul3A_402 = arith.constant 32 : i32
      %mul3A_403 = arith.muli %scan3A_396, %mul3A_402 : i32
      %add3A_404 = arith.constant 0 : i32
      %add3A_405 = arith.addi %mul3A_403, %add3A_404 : i32
      %add3A_406 = arith.constant 0 : i32
      %add3A_407 = arith.addi %add3A_405, %add3A_406 : i32
      %get3A_408 = arith.index_cast %add3A_407 : i32 to index
      %get3A_409 = tpu.vector_load %arg11[%get3A_408] {strides = array<i32>} : memref<16384xf32, #tpu.memory_space<vmem>>, vector<16xf32>,
      %get3A_410 = vector.shape_cast %get3A_409 : vector<16xf32> to vector<16xf32>
      %mul3A_411 = arith.mulf %get3A_401, %get3A_410 : vector<16xf32>
      %add3A_412 = arith.addf %broadcast_in_dim3A_398, %mul3A_411 : vector<16xf32>
      %get3A_413 = arith.constant 32 : index
      %get3A_414 = tpu.vector_load %arg9[%get3A_413] {strides = array<i32>} : memref<128xf32, #tpu.memory_space<vmem>>, vector<16xf32>,
      %get3A_415 = vector.shape_cast %get3A_414 : vector<16xf32> to vector<16xf32>
      %mul3A_416 = arith.constant 32 : i32
      %mul3A_417 = arith.muli %scan3A_396, %mul3A_416 : i32
      %add3A_418 = arith.constant 4096 : i32
      %add3A_419 = arith.addi %mul3A_417, %add3A_418 : i32
      %add3A_420 = arith.constant 0 : i32
      %add3A_421 = arith.addi %add3A_419, %add3A_420 : i32
      %get3A_422 = arith.index_cast %add3A_421 : i32 to index
      %get3A_423 = tpu.vector_load %arg11[%get3A_422] {strides = array<i32>} : memref<16384xf32, #tpu.memory_space<vmem>>, vector<16xf32>,
      %get3A_424 = vector.shape_cast %get3A_423 : vector<16xf32> to vector<16xf32>
      %mul3A_425 = arith.mulf %get3A_415, %get3A_424 : vector<16xf32>
      %add3A_426 = arith.addf %add3A_412, %mul3A_425 : vector<16xf32>
      %get3A_427 = arith.constant 64 : index
      %get3A_428 = tpu.vector_load %arg9[%get3A_427] {strides = array<i32>} : memref<128xf32, #tpu.memory_space<vmem>>, vector<16xf32>,
      %get3A_429 = vector.shape_cast %get3A_428 : vector<16xf32> to vector<16xf32>
      %mul3A_430 = arith.constant 32 : i32
      %mul3A_431 = arith.muli %scan3A_396, %mul3A_430 : i32
      %add3A_432 = arith.constant 8192 : i32
      %add3A_433 = arith.addi %mul3A_431, %add3A_432 : i32
      %add3A_434 = arith.constant 0 : i32
      %add3A_435 = arith.addi %add3A_433, %add3A_434 : i32
      %get3A_436 = arith.index_cast %add3A_435 : i32 to index
      %get3A_437 = tpu.vector_load %arg11[%get3A_436] {strides = array<i32>} : memref<16384xf32, #tpu.memory_space<vmem>>, vector<16xf32>,
      %get3A_438 = vector.shape_cast %get3A_437 : vector<16xf32> to vector<16xf32>
      %mul3A_439 = arith.mulf %get3A_429, %get3A_438 : vector<16xf32>
      %add3A_440 = arith.addf %add3A_426, %mul3A_439 : vector<16xf32>
      %get3A_441 = arith.constant 96 : index
      %get3A_442 = tpu.vector_load %arg9[%get3A_441] {strides = array<i32>} : memref<128xf32, #tpu.memory_space<vmem>>, vector<16xf32>,
      %get3A_443 = vector.shape_cast %get3A_442 : vector<16xf32> to vector<16xf32>
      %mul3A_444 = arith.constant 32 : i32
      %mul3A_445 = arith.muli %scan3A_396, %mul3A_444 : i32
      %add3A_446 = arith.constant 12288 : i32
      %add3A_447 = arith.addi %mul3A_445, %add3A_446 : i32
      %add3A_448 = arith.constant 0 : i32
      %add3A_449 = arith.addi %add3A_447, %add3A_448 : i32
      %get3A_450 = arith.index_cast %add3A_449 : i32 to index
      %get3A_451 = tpu.vector_load %arg11[%get3A_450] {strides = array<i32>} : memref<16384xf32, #tpu.memory_space<vmem>>, vector<16xf32>,
      %get3A_452 = vector.shape_cast %get3A_451 : vector<16xf32> to vector<16xf32>
      %mul3A_453 = arith.mulf %get3A_443, %get3A_452 : vector<16xf32>
      %add3A_454 = arith.addf %add3A_440, %mul3A_453 : vector<16xf32>
      %swap3A_455 = arith.index_cast %scan3A_396 : i32 to index
      %swap3A_456 = arith.constant 0 : index
      %swap3A_457 = tpu.vector_load %arg12[%swap3A_455, %swap3A_456] {strides = array<i32>} : memref<128x32xf32, #tpu.memory_space<vmem>>, vector<1x16xf32>,
      %swap3A_458 = vector.shape_cast %swap3A_457 : vector<1x16xf32> to vector<16xf32>
      %swap3A_459 = vector.shape_cast %add3A_454 : vector<16xf32> to vector<1x16xf32>
      tpu.vector_store %arg12[%swap3A_455, %swap3A_456], %swap3A_459 {strides = array<i32>} : memref<128x32xf32, #tpu.memory_space<vmem>>, vector<1x16xf32>,
      %broadcast_in_dim3A_460 = arith.constant 0.000000e+00 : f32
      %broadcast_in_dim3A_461 = vector.broadcast %broadcast_in_dim3A_460 : f32 to vector<16xf32>
      %get3A_462 = arith.constant 16 : index
      %get3A_463 = tpu.vector_load %arg9[%get3A_462] {strides = array<i32>} : memref<128xf32, #tpu.memory_space<vmem>>, vector<16xf32>,
      %get3A_464 = vector.shape_cast %get3A_463 : vector<16xf32> to vector<16xf32>
      %mul3A_465 = arith.constant 32 : i32
      %mul3A_466 = arith.muli %scan3A_396, %mul3A_465 : i32
      %add3A_467 = arith.constant 0 : i32
      %add3A_468 = arith.addi %mul3A_466, %add3A_467 : i32
      %add3A_469 = arith.constant 16 : i32
      %add3A_470 = arith.addi %add3A_468, %add3A_469 : i32
      %get3A_471 = arith.index_cast %add3A_470 : i32 to index
      %get3A_472 = tpu.vector_load %arg11[%get3A_471] {strides = array<i32>} : memref<16384xf32, #tpu.memory_space<vmem>>, vector<16xf32>,
      %get3A_473 = vector.shape_cast %get3A_472 : vector<16xf32> to vector<16xf32>
      %mul3A_474 = arith.mulf %get3A_464, %get3A_473 : vector<16xf32>
      %add3A_475 = arith.addf %broadcast_in_dim3A_461, %mul3A_474 : vector<16xf32>
      %get3A_476 = arith.constant 48 : index
      %get3A_477 = tpu.vector_load %arg9[%get3A_476] {strides = array<i32>} : memref<128xf32, #tpu.memory_space<vmem>>, vector<16xf32>,
      %get3A_478 = vector.shape_cast %get3A_477 : vector<16xf32> to vector<16xf32>
      %mul3A_479 = arith.constant 32 : i32
      %mul3A_480 = arith.muli %scan3A_396, %mul3A_479 : i32
      %add3A_481 = arith.constant 4096 : i32
      %add3A_482 = arith.addi %mul3A_480, %add3A_481 : i32
      %add3A_483 = arith.constant 16 : i32
      %add3A_484 = arith.addi %add3A_482, %add3A_483 : i32
      %get3A_485 = arith.index_cast %add3A_484 : i32 to index
      %get3A_486 = tpu.vector_load %arg11[%get3A_485] {strides = array<i32>} : memref<16384xf32, #tpu.memory_space<vmem>>, vector<16xf32>,
      %get3A_487 = vector.shape_cast %get3A_486 : vector<16xf32> to vector<16xf32>
      %mul3A_488 = arith.mulf %get3A_478, %get3A_487 : vector<16xf32>
      %add3A_489 = arith.addf %add3A_475, %mul3A_488 : vector<16xf32>
      %get3A_490 = arith.constant 80 : index
      %get3A_491 = tpu.vector_load %arg9[%get3A_490] {strides = array<i32>} : memref<128xf32, #tpu.memory_space<vmem>>, vector<16xf32>,
      %get3A_492 = vector.shape_cast %get3A_491 : vector<16xf32> to vector<16xf32>
      %mul3A_493 = arith.constant 32 : i32
      %mul3A_494 = arith.muli %scan3A_396, %mul3A_493 : i32
      %add3A_495 = arith.constant 8192 : i32
      %add3A_496 = arith.addi %mul3A_494, %add3A_495 : i32
      %add3A_497 = arith.constant 16 : i32
      %add3A_498 = arith.addi %add3A_496, %add3A_497 : i32
      %get3A_499 = arith.index_cast %add3A_498 : i32 to index
      %get3A_500 = tpu.vector_load %arg11[%get3A_499] {strides = array<i32>} : memref<16384xf32, #tpu.memory_space<vmem>>, vector<16xf32>,
      %get3A_501 = vector.shape_cast %get3A_500 : vector<16xf32> to vector<16xf32>
      %mul3A_502 = arith.mulf %get3A_492, %get3A_501 : vector<16xf32>
      %add3A_503 = arith.addf %add3A_489, %mul3A_502 : vector<16xf32>
      %get3A_504 = arith.constant 112 : index
      %get3A_505 = tpu.vector_load %arg9[%get3A_504] {strides = array<i32>} : memref<128xf32, #tpu.memory_space<vmem>>, vector<16xf32>,
      %get3A_506 = vector.shape_cast %get3A_505 : vector<16xf32> to vector<16xf32>
      %mul3A_507 = arith.constant 32 : i32
      %mul3A_508 = arith.muli %scan3A_396, %mul3A_507 : i32
      %add3A_509 = arith.constant 12288 : i32
      %add3A_510 = arith.addi %mul3A_508, %add3A_509 : i32
      %add3A_511 = arith.constant 16 : i32
      %add3A_512 = arith.addi %add3A_510, %add3A_511 : i32
      %get3A_513 = arith.index_cast %add3A_512 : i32 to index
      %get3A_514 = tpu.vector_load %arg11[%get3A_513] {strides = array<i32>} : memref<16384xf32, #tpu.memory_space<vmem>>, vector<16xf32>,
      %get3A_515 = vector.shape_cast %get3A_514 : vector<16xf32> to vector<16xf32>
      %mul3A_516 = arith.mulf %get3A_506, %get3A_515 : vector<16xf32>
      %add3A_517 = arith.addf %add3A_503, %mul3A_516 : vector<16xf32>
      %swap3A_518 = arith.index_cast %scan3A_396 : i32 to index
      %swap3A_519 = arith.constant 16 : index
      %swap3A_520 = tpu.vector_load %arg12[%swap3A_518, %swap3A_519] {strides = array<i32>} : memref<128x32xf32, #tpu.memory_space<vmem>>, vector<1x16xf32>,
      %swap3A_521 = vector.shape_cast %swap3A_520 : vector<1x16xf32> to vector<16xf32>
      %swap3A_522 = vector.shape_cast %add3A_517 : vector<16xf32> to vector<1x16xf32>
      tpu.vector_store %arg12[%swap3A_518, %swap3A_519], %swap3A_522 {strides = array<i32>} : memref<128x32xf32, #tpu.memory_space<vmem>>, vector<1x16xf32>,
    }
    %scan3A_267 = arith.constant 128 : i32
    "tpu.region"() ({
      %run_scoped3A = tpu.sem_alloc : memref<!tpu.dma_semaphore, #tpu.memory_space<semaphore_mem>>
      %dma_start3A_268 = arith.constant 0 : i32
      %dma_start3A_269 = arith.constant 0 : i32
      %dma_start3A_270 = tpu.memref_slice %arg5[%add3A, %dma_start3A_268, %dma_start3A_269] : memref<32x128x32xf32, #tpu.memory_space<hbm>> -> memref<1x128x32xf32, #tpu.memory_space<hbm>>
      %dma_start3A_271 = tpu.memref_squeeze %dma_start3A_270 : memref<1x128x32xf32, #tpu.memory_space<hbm>> -> memref<128x32xf32, #tpu.memory_space<hbm>>
      %dma_start3A_272 = arith.constant 0 : i32
      %dma_start3A_273 = arith.constant 0 : i32
      %dma_start3A_274 = tpu.memref_slice %arg5[%add3A, %dma_start3A_272, %dma_start3A_273] : memref<32x128x32xf32, #tpu.memory_space<hbm>> -> memref<1x128x32xf32, #tpu.memory_space<hbm>>
      %dma_start3A_275 = tpu.memref_squeeze %dma_start3A_274 : memref<1x128x32xf32, #tpu.memory_space<hbm>> -> memref<128x32xf32, #tpu.memory_space<hbm>>
      tpu.enqueue_dma source(%arg12 : memref<128x32xf32, #tpu.memory_space<vmem>>) target(%dma_start3A_275 : memref<128x32xf32, #tpu.memory_space<hbm>>) target_semaphore(%run_scoped3A : memref<!tpu.dma_semaphore, #tpu.memory_space<semaphore_mem>>)
      %dma_wait3A_276 = arith.constant 0 : i32
      %dma_wait3A_277 = arith.constant 0 : i32
      %dma_wait3A_278 = tpu.memref_slice %arg5[%add3A, %dma_wait3A_276, %dma_wait3A_277] : memref<32x128x32xf32, #tpu.memory_space<hbm>> -> memref<1x128x32xf32, #tpu.memory_space<hbm>>
      %dma_wait3A_279 = tpu.memref_squeeze %dma_wait3A_278 : memref<1x128x32xf32, #tpu.memory_space<hbm>> -> memref<128x32xf32, #tpu.memory_space<hbm>>
      %dma_wait3A_280 = arith.constant 0 : i32
      %dma_wait3A_281 = arith.constant 0 : i32
      %dma_wait3A_282 = tpu.memref_slice %arg5[%add3A, %dma_wait3A_280, %dma_wait3A_281] : memref<32x128x32xf32, #tpu.memory_space<hbm>> -> memref<1x128x32xf32, #tpu.memory_space<hbm>>
      %dma_wait3A_283 = tpu.memref_squeeze %dma_wait3A_282 : memref<1x128x32xf32, #tpu.memory_space<hbm>> -> memref<128x32xf32, #tpu.memory_space<hbm>>
      tpu.wait_dma2 semaphore(%run_scoped3A : memref<!tpu.dma_semaphore, #tpu.memory_space<semaphore_mem>>) src(%arg12 : memref<128x32xf32, #tpu.memory_space<vmem>>) dst(%dma_wait3A_283 : memref<128x32xf32, #tpu.memory_space<hbm>>)
      tpu.yield
    }) : () -> ()
    return
  }
}

module attributes {stable_mosaic.version = 14 : i64} {
  func.func @_bc_body_first(%arg0: i32, %arg1: memref<1x128x32xf32, #tpu.memory_space<vmem>>, %arg2: memref<32x128x128xf32, #tpu.memory_space<vmem>>) attributes {dimension_semantics = [#tpu.dimension_semantics<arbitrary>], iteration_bounds = array<i64: 32>, scalar_prefetch = 0 : i64, scratch_operands = 0 : i64, tpu.core_type = #tpu.core_type<tc>, window_params = [{transform_indices = @transform_0, window_bounds = array<i64: 1, 128, 32>}, {transform_indices = @transform_1, window_bounds = array<i64: 32, 128, 128>}]} {
    %get3A = arith.constant 0 : index
    %get3A_0 = arith.constant 0 : index
    %get3A_1 = arith.constant 0 : index
    %get3A_2 = vector.load %arg1[%get3A, %get3A_0, %get3A_1] : memref<1x128x32xf32, #tpu.memory_space<vmem>>, vector<1x128x32xf32>
    %get3A_3 = vector.shape_cast %get3A_2 : vector<1x128x32xf32> to vector<128x32xf32>
    %slice3A = vector.extract_strided_slice %get3A_3 {offsets = [0, 0], sizes = [128, 1], strides = [1, 1]} : vector<128x32xf32> to vector<128x1xf32>
    %broadcast_in_dim3A = vector.shape_cast %slice3A : vector<128x1xf32> to vector<128x1xf32>
    %broadcast_in_dim3A_4 = vector.broadcast %broadcast_in_dim3A : vector<128x1xf32> to vector<128x128xf32>
    %swap3A = arith.constant 0 : index
    %swap3A_5 = arith.constant 0 : index
    %swap3A_6 = arith.constant 0 : index
    %swap3A_7 = vector.load %arg2[%swap3A, %swap3A_5, %swap3A_6] : memref<32x128x128xf32, #tpu.memory_space<vmem>>, vector<1x128x128xf32>
    %swap3A_8 = vector.shape_cast %swap3A_7 : vector<1x128x128xf32> to vector<128x128xf32>
    %swap3A_9 = vector.shape_cast %broadcast_in_dim3A_4 : vector<128x128xf32> to vector<1x128x128xf32>
    tpu.vector_store %arg2[%swap3A, %swap3A_5, %swap3A_6], %swap3A_9 {strides = array<i32>} : memref<32x128x128xf32, #tpu.memory_space<vmem>>, vector<1x128x128xf32>,
    %slice3A_10 = vector.extract_strided_slice %get3A_3 {offsets = [0, 1], sizes = [128, 1], strides = [1, 1]} : vector<128x32xf32> to vector<128x1xf32>
    %broadcast_in_dim3A_11 = vector.shape_cast %slice3A_10 : vector<128x1xf32> to vector<128x1xf32>
    %broadcast_in_dim3A_12 = vector.broadcast %broadcast_in_dim3A_11 : vector<128x1xf32> to vector<128x128xf32>
    %swap3A_13 = arith.constant 1 : index
    %swap3A_14 = arith.constant 0 : index
    %swap3A_15 = arith.constant 0 : index
    %swap3A_16 = vector.load %arg2[%swap3A_13, %swap3A_14, %swap3A_15] : memref<32x128x128xf32, #tpu.memory_space<vmem>>, vector<1x128x128xf32>
    %swap3A_17 = vector.shape_cast %swap3A_16 : vector<1x128x128xf32> to vector<128x128xf32>
    %swap3A_18 = vector.shape_cast %broadcast_in_dim3A_12 : vector<128x128xf32> to vector<1x128x128xf32>
    tpu.vector_store %arg2[%swap3A_13, %swap3A_14, %swap3A_15], %swap3A_18 {strides = array<i32>} : memref<32x128x128xf32, #tpu.memory_space<vmem>>, vector<1x128x128xf32>,
    %slice3A_19 = vector.extract_strided_slice %get3A_3 {offsets = [0, 2], sizes = [128, 1], strides = [1, 1]} : vector<128x32xf32> to vector<128x1xf32>
    %broadcast_in_dim3A_20 = vector.shape_cast %slice3A_19 : vector<128x1xf32> to vector<128x1xf32>
    %broadcast_in_dim3A_21 = vector.broadcast %broadcast_in_dim3A_20 : vector<128x1xf32> to vector<128x128xf32>
    %swap3A_22 = arith.constant 2 : index
    %swap3A_23 = arith.constant 0 : index
    %swap3A_24 = arith.constant 0 : index
    %swap3A_25 = vector.load %arg2[%swap3A_22, %swap3A_23, %swap3A_24] : memref<32x128x128xf32, #tpu.memory_space<vmem>>, vector<1x128x128xf32>
    %swap3A_26 = vector.shape_cast %swap3A_25 : vector<1x128x128xf32> to vector<128x128xf32>
    %swap3A_27 = vector.shape_cast %broadcast_in_dim3A_21 : vector<128x128xf32> to vector<1x128x128xf32>
    tpu.vector_store %arg2[%swap3A_22, %swap3A_23, %swap3A_24], %swap3A_27 {strides = array<i32>} : memref<32x128x128xf32, #tpu.memory_space<vmem>>, vector<1x128x128xf32>,
    %slice3A_28 = vector.extract_strided_slice %get3A_3 {offsets = [0, 3], sizes = [128, 1], strides = [1, 1]} : vector<128x32xf32> to vector<128x1xf32>
    %broadcast_in_dim3A_29 = vector.shape_cast %slice3A_28 : vector<128x1xf32> to vector<128x1xf32>
    %broadcast_in_dim3A_30 = vector.broadcast %broadcast_in_dim3A_29 : vector<128x1xf32> to vector<128x128xf32>
    %swap3A_31 = arith.constant 3 : index
    %swap3A_32 = arith.constant 0 : index
    %swap3A_33 = arith.constant 0 : index
    %swap3A_34 = vector.load %arg2[%swap3A_31, %swap3A_32, %swap3A_33] : memref<32x128x128xf32, #tpu.memory_space<vmem>>, vector<1x128x128xf32>
    %swap3A_35 = vector.shape_cast %swap3A_34 : vector<1x128x128xf32> to vector<128x128xf32>
    %swap3A_36 = vector.shape_cast %broadcast_in_dim3A_30 : vector<128x128xf32> to vector<1x128x128xf32>
    tpu.vector_store %arg2[%swap3A_31, %swap3A_32, %swap3A_33], %swap3A_36 {strides = array<i32>} : memref<32x128x128xf32, #tpu.memory_space<vmem>>, vector<1x128x128xf32>,
    %slice3A_37 = vector.extract_strided_slice %get3A_3 {offsets = [0, 4], sizes = [128, 1], strides = [1, 1]} : vector<128x32xf32> to vector<128x1xf32>
    %broadcast_in_dim3A_38 = vector.shape_cast %slice3A_37 : vector<128x1xf32> to vector<128x1xf32>
    %broadcast_in_dim3A_39 = vector.broadcast %broadcast_in_dim3A_38 : vector<128x1xf32> to vector<128x128xf32>
    %swap3A_40 = arith.constant 4 : index
    %swap3A_41 = arith.constant 0 : index
    %swap3A_42 = arith.constant 0 : index
    %swap3A_43 = vector.load %arg2[%swap3A_40, %swap3A_41, %swap3A_42] : memref<32x128x128xf32, #tpu.memory_space<vmem>>, vector<1x128x128xf32>
    %swap3A_44 = vector.shape_cast %swap3A_43 : vector<1x128x128xf32> to vector<128x128xf32>
    %swap3A_45 = vector.shape_cast %broadcast_in_dim3A_39 : vector<128x128xf32> to vector<1x128x128xf32>
    tpu.vector_store %arg2[%swap3A_40, %swap3A_41, %swap3A_42], %swap3A_45 {strides = array<i32>} : memref<32x128x128xf32, #tpu.memory_space<vmem>>, vector<1x128x128xf32>,
    %slice3A_46 = vector.extract_strided_slice %get3A_3 {offsets = [0, 5], sizes = [128, 1], strides = [1, 1]} : vector<128x32xf32> to vector<128x1xf32>
    %broadcast_in_dim3A_47 = vector.shape_cast %slice3A_46 : vector<128x1xf32> to vector<128x1xf32>
    %broadcast_in_dim3A_48 = vector.broadcast %broadcast_in_dim3A_47 : vector<128x1xf32> to vector<128x128xf32>
    %swap3A_49 = arith.constant 5 : index
    %swap3A_50 = arith.constant 0 : index
    %swap3A_51 = arith.constant 0 : index
    %swap3A_52 = vector.load %arg2[%swap3A_49, %swap3A_50, %swap3A_51] : memref<32x128x128xf32, #tpu.memory_space<vmem>>, vector<1x128x128xf32>
    %swap3A_53 = vector.shape_cast %swap3A_52 : vector<1x128x128xf32> to vector<128x128xf32>
    %swap3A_54 = vector.shape_cast %broadcast_in_dim3A_48 : vector<128x128xf32> to vector<1x128x128xf32>
    tpu.vector_store %arg2[%swap3A_49, %swap3A_50, %swap3A_51], %swap3A_54 {strides = array<i32>} : memref<32x128x128xf32, #tpu.memory_space<vmem>>, vector<1x128x128xf32>,
    %slice3A_55 = vector.extract_strided_slice %get3A_3 {offsets = [0, 6], sizes = [128, 1], strides = [1, 1]} : vector<128x32xf32> to vector<128x1xf32>
    %broadcast_in_dim3A_56 = vector.shape_cast %slice3A_55 : vector<128x1xf32> to vector<128x1xf32>
    %broadcast_in_dim3A_57 = vector.broadcast %broadcast_in_dim3A_56 : vector<128x1xf32> to vector<128x128xf32>
    %swap3A_58 = arith.constant 6 : index
    %swap3A_59 = arith.constant 0 : index
    %swap3A_60 = arith.constant 0 : index
    %swap3A_61 = vector.load %arg2[%swap3A_58, %swap3A_59, %swap3A_60] : memref<32x128x128xf32, #tpu.memory_space<vmem>>, vector<1x128x128xf32>
    %swap3A_62 = vector.shape_cast %swap3A_61 : vector<1x128x128xf32> to vector<128x128xf32>
    %swap3A_63 = vector.shape_cast %broadcast_in_dim3A_57 : vector<128x128xf32> to vector<1x128x128xf32>
    tpu.vector_store %arg2[%swap3A_58, %swap3A_59, %swap3A_60], %swap3A_63 {strides = array<i32>} : memref<32x128x128xf32, #tpu.memory_space<vmem>>, vector<1x128x128xf32>,
    %slice3A_64 = vector.extract_strided_slice %get3A_3 {offsets = [0, 7], sizes = [128, 1], strides = [1, 1]} : vector<128x32xf32> to vector<128x1xf32>
    %broadcast_in_dim3A_65 = vector.shape_cast %slice3A_64 : vector<128x1xf32> to vector<128x1xf32>
    %broadcast_in_dim3A_66 = vector.broadcast %broadcast_in_dim3A_65 : vector<128x1xf32> to vector<128x128xf32>
    %swap3A_67 = arith.constant 7 : index
    %swap3A_68 = arith.constant 0 : index
    %swap3A_69 = arith.constant 0 : index
    %swap3A_70 = vector.load %arg2[%swap3A_67, %swap3A_68, %swap3A_69] : memref<32x128x128xf32, #tpu.memory_space<vmem>>, vector<1x128x128xf32>
    %swap3A_71 = vector.shape_cast %swap3A_70 : vector<1x128x128xf32> to vector<128x128xf32>
    %swap3A_72 = vector.shape_cast %broadcast_in_dim3A_66 : vector<128x128xf32> to vector<1x128x128xf32>
    tpu.vector_store %arg2[%swap3A_67, %swap3A_68, %swap3A_69], %swap3A_72 {strides = array<i32>} : memref<32x128x128xf32, #tpu.memory_space<vmem>>, vector<1x128x128xf32>,
    %slice3A_73 = vector.extract_strided_slice %get3A_3 {offsets = [0, 8], sizes = [128, 1], strides = [1, 1]} : vector<128x32xf32> to vector<128x1xf32>
    %broadcast_in_dim3A_74 = vector.shape_cast %slice3A_73 : vector<128x1xf32> to vector<128x1xf32>
    %broadcast_in_dim3A_75 = vector.broadcast %broadcast_in_dim3A_74 : vector<128x1xf32> to vector<128x128xf32>
    %swap3A_76 = arith.constant 8 : index
    %swap3A_77 = arith.constant 0 : index
    %swap3A_78 = arith.constant 0 : index
    %swap3A_79 = vector.load %arg2[%swap3A_76, %swap3A_77, %swap3A_78] : memref<32x128x128xf32, #tpu.memory_space<vmem>>, vector<1x128x128xf32>
    %swap3A_80 = vector.shape_cast %swap3A_79 : vector<1x128x128xf32> to vector<128x128xf32>
    %swap3A_81 = vector.shape_cast %broadcast_in_dim3A_75 : vector<128x128xf32> to vector<1x128x128xf32>
    tpu.vector_store %arg2[%swap3A_76, %swap3A_77, %swap3A_78], %swap3A_81 {strides = array<i32>} : memref<32x128x128xf32, #tpu.memory_space<vmem>>, vector<1x128x128xf32>,
    %slice3A_82 = vector.extract_strided_slice %get3A_3 {offsets = [0, 9], sizes = [128, 1], strides = [1, 1]} : vector<128x32xf32> to vector<128x1xf32>
    %broadcast_in_dim3A_83 = vector.shape_cast %slice3A_82 : vector<128x1xf32> to vector<128x1xf32>
    %broadcast_in_dim3A_84 = vector.broadcast %broadcast_in_dim3A_83 : vector<128x1xf32> to vector<128x128xf32>
    %swap3A_85 = arith.constant 9 : index
    %swap3A_86 = arith.constant 0 : index
    %swap3A_87 = arith.constant 0 : index
    %swap3A_88 = vector.load %arg2[%swap3A_85, %swap3A_86, %swap3A_87] : memref<32x128x128xf32, #tpu.memory_space<vmem>>, vector<1x128x128xf32>
    %swap3A_89 = vector.shape_cast %swap3A_88 : vector<1x128x128xf32> to vector<128x128xf32>
    %swap3A_90 = vector.shape_cast %broadcast_in_dim3A_84 : vector<128x128xf32> to vector<1x128x128xf32>
    tpu.vector_store %arg2[%swap3A_85, %swap3A_86, %swap3A_87], %swap3A_90 {strides = array<i32>} : memref<32x128x128xf32, #tpu.memory_space<vmem>>, vector<1x128x128xf32>,
    %slice3A_91 = vector.extract_strided_slice %get3A_3 {offsets = [0, 10], sizes = [128, 1], strides = [1, 1]} : vector<128x32xf32> to vector<128x1xf32>
    %broadcast_in_dim3A_92 = vector.shape_cast %slice3A_91 : vector<128x1xf32> to vector<128x1xf32>
    %broadcast_in_dim3A_93 = vector.broadcast %broadcast_in_dim3A_92 : vector<128x1xf32> to vector<128x128xf32>
    %swap3A_94 = arith.constant 10 : index
    %swap3A_95 = arith.constant 0 : index
    %swap3A_96 = arith.constant 0 : index
    %swap3A_97 = vector.load %arg2[%swap3A_94, %swap3A_95, %swap3A_96] : memref<32x128x128xf32, #tpu.memory_space<vmem>>, vector<1x128x128xf32>
    %swap3A_98 = vector.shape_cast %swap3A_97 : vector<1x128x128xf32> to vector<128x128xf32>
    %swap3A_99 = vector.shape_cast %broadcast_in_dim3A_93 : vector<128x128xf32> to vector<1x128x128xf32>
    tpu.vector_store %arg2[%swap3A_94, %swap3A_95, %swap3A_96], %swap3A_99 {strides = array<i32>} : memref<32x128x128xf32, #tpu.memory_space<vmem>>, vector<1x128x128xf32>,
    %slice3A_100 = vector.extract_strided_slice %get3A_3 {offsets = [0, 11], sizes = [128, 1], strides = [1, 1]} : vector<128x32xf32> to vector<128x1xf32>
    %broadcast_in_dim3A_101 = vector.shape_cast %slice3A_100 : vector<128x1xf32> to vector<128x1xf32>
    %broadcast_in_dim3A_102 = vector.broadcast %broadcast_in_dim3A_101 : vector<128x1xf32> to vector<128x128xf32>
    %swap3A_103 = arith.constant 11 : index
    %swap3A_104 = arith.constant 0 : index
    %swap3A_105 = arith.constant 0 : index
    %swap3A_106 = vector.load %arg2[%swap3A_103, %swap3A_104, %swap3A_105] : memref<32x128x128xf32, #tpu.memory_space<vmem>>, vector<1x128x128xf32>
    %swap3A_107 = vector.shape_cast %swap3A_106 : vector<1x128x128xf32> to vector<128x128xf32>
    %swap3A_108 = vector.shape_cast %broadcast_in_dim3A_102 : vector<128x128xf32> to vector<1x128x128xf32>
    tpu.vector_store %arg2[%swap3A_103, %swap3A_104, %swap3A_105], %swap3A_108 {strides = array<i32>} : memref<32x128x128xf32, #tpu.memory_space<vmem>>, vector<1x128x128xf32>,
    %slice3A_109 = vector.extract_strided_slice %get3A_3 {offsets = [0, 12], sizes = [128, 1], strides = [1, 1]} : vector<128x32xf32> to vector<128x1xf32>
    %broadcast_in_dim3A_110 = vector.shape_cast %slice3A_109 : vector<128x1xf32> to vector<128x1xf32>
    %broadcast_in_dim3A_111 = vector.broadcast %broadcast_in_dim3A_110 : vector<128x1xf32> to vector<128x128xf32>
    %swap3A_112 = arith.constant 12 : index
    %swap3A_113 = arith.constant 0 : index
    %swap3A_114 = arith.constant 0 : index
    %swap3A_115 = vector.load %arg2[%swap3A_112, %swap3A_113, %swap3A_114] : memref<32x128x128xf32, #tpu.memory_space<vmem>>, vector<1x128x128xf32>
    %swap3A_116 = vector.shape_cast %swap3A_115 : vector<1x128x128xf32> to vector<128x128xf32>
    %swap3A_117 = vector.shape_cast %broadcast_in_dim3A_111 : vector<128x128xf32> to vector<1x128x128xf32>
    tpu.vector_store %arg2[%swap3A_112, %swap3A_113, %swap3A_114], %swap3A_117 {strides = array<i32>} : memref<32x128x128xf32, #tpu.memory_space<vmem>>, vector<1x128x128xf32>,
    %slice3A_118 = vector.extract_strided_slice %get3A_3 {offsets = [0, 13], sizes = [128, 1], strides = [1, 1]} : vector<128x32xf32> to vector<128x1xf32>
    %broadcast_in_dim3A_119 = vector.shape_cast %slice3A_118 : vector<128x1xf32> to vector<128x1xf32>
    %broadcast_in_dim3A_120 = vector.broadcast %broadcast_in_dim3A_119 : vector<128x1xf32> to vector<128x128xf32>
    %swap3A_121 = arith.constant 13 : index
    %swap3A_122 = arith.constant 0 : index
    %swap3A_123 = arith.constant 0 : index
    %swap3A_124 = vector.load %arg2[%swap3A_121, %swap3A_122, %swap3A_123] : memref<32x128x128xf32, #tpu.memory_space<vmem>>, vector<1x128x128xf32>
    %swap3A_125 = vector.shape_cast %swap3A_124 : vector<1x128x128xf32> to vector<128x128xf32>
    %swap3A_126 = vector.shape_cast %broadcast_in_dim3A_120 : vector<128x128xf32> to vector<1x128x128xf32>
    tpu.vector_store %arg2[%swap3A_121, %swap3A_122, %swap3A_123], %swap3A_126 {strides = array<i32>} : memref<32x128x128xf32, #tpu.memory_space<vmem>>, vector<1x128x128xf32>,
    %slice3A_127 = vector.extract_strided_slice %get3A_3 {offsets = [0, 14], sizes = [128, 1], strides = [1, 1]} : vector<128x32xf32> to vector<128x1xf32>
    %broadcast_in_dim3A_128 = vector.shape_cast %slice3A_127 : vector<128x1xf32> to vector<128x1xf32>
    %broadcast_in_dim3A_129 = vector.broadcast %broadcast_in_dim3A_128 : vector<128x1xf32> to vector<128x128xf32>
    %swap3A_130 = arith.constant 14 : index
    %swap3A_131 = arith.constant 0 : index
    %swap3A_132 = arith.constant 0 : index
    %swap3A_133 = vector.load %arg2[%swap3A_130, %swap3A_131, %swap3A_132] : memref<32x128x128xf32, #tpu.memory_space<vmem>>, vector<1x128x128xf32>
    %swap3A_134 = vector.shape_cast %swap3A_133 : vector<1x128x128xf32> to vector<128x128xf32>
    %swap3A_135 = vector.shape_cast %broadcast_in_dim3A_129 : vector<128x128xf32> to vector<1x128x128xf32>
    tpu.vector_store %arg2[%swap3A_130, %swap3A_131, %swap3A_132], %swap3A_135 {strides = array<i32>} : memref<32x128x128xf32, #tpu.memory_space<vmem>>, vector<1x128x128xf32>,
    %slice3A_136 = vector.extract_strided_slice %get3A_3 {offsets = [0, 15], sizes = [128, 1], strides = [1, 1]} : vector<128x32xf32> to vector<128x1xf32>
    %broadcast_in_dim3A_137 = vector.shape_cast %slice3A_136 : vector<128x1xf32> to vector<128x1xf32>
    %broadcast_in_dim3A_138 = vector.broadcast %broadcast_in_dim3A_137 : vector<128x1xf32> to vector<128x128xf32>
    %swap3A_139 = arith.constant 15 : index
    %swap3A_140 = arith.constant 0 : index
    %swap3A_141 = arith.constant 0 : index
    %swap3A_142 = vector.load %arg2[%swap3A_139, %swap3A_140, %swap3A_141] : memref<32x128x128xf32, #tpu.memory_space<vmem>>, vector<1x128x128xf32>
    %swap3A_143 = vector.shape_cast %swap3A_142 : vector<1x128x128xf32> to vector<128x128xf32>
    %swap3A_144 = vector.shape_cast %broadcast_in_dim3A_138 : vector<128x128xf32> to vector<1x128x128xf32>
    tpu.vector_store %arg2[%swap3A_139, %swap3A_140, %swap3A_141], %swap3A_144 {strides = array<i32>} : memref<32x128x128xf32, #tpu.memory_space<vmem>>, vector<1x128x128xf32>,
    %slice3A_145 = vector.extract_strided_slice %get3A_3 {offsets = [0, 16], sizes = [128, 1], strides = [1, 1]} : vector<128x32xf32> to vector<128x1xf32>
    %broadcast_in_dim3A_146 = vector.shape_cast %slice3A_145 : vector<128x1xf32> to vector<128x1xf32>
    %broadcast_in_dim3A_147 = vector.broadcast %broadcast_in_dim3A_146 : vector<128x1xf32> to vector<128x128xf32>
    %swap3A_148 = arith.constant 16 : index
    %swap3A_149 = arith.constant 0 : index
    %swap3A_150 = arith.constant 0 : index
    %swap3A_151 = vector.load %arg2[%swap3A_148, %swap3A_149, %swap3A_150] : memref<32x128x128xf32, #tpu.memory_space<vmem>>, vector<1x128x128xf32>
    %swap3A_152 = vector.shape_cast %swap3A_151 : vector<1x128x128xf32> to vector<128x128xf32>
    %swap3A_153 = vector.shape_cast %broadcast_in_dim3A_147 : vector<128x128xf32> to vector<1x128x128xf32>
    tpu.vector_store %arg2[%swap3A_148, %swap3A_149, %swap3A_150], %swap3A_153 {strides = array<i32>} : memref<32x128x128xf32, #tpu.memory_space<vmem>>, vector<1x128x128xf32>,
    %slice3A_154 = vector.extract_strided_slice %get3A_3 {offsets = [0, 17], sizes = [128, 1], strides = [1, 1]} : vector<128x32xf32> to vector<128x1xf32>
    %broadcast_in_dim3A_155 = vector.shape_cast %slice3A_154 : vector<128x1xf32> to vector<128x1xf32>
    %broadcast_in_dim3A_156 = vector.broadcast %broadcast_in_dim3A_155 : vector<128x1xf32> to vector<128x128xf32>
    %swap3A_157 = arith.constant 17 : index
    %swap3A_158 = arith.constant 0 : index
    %swap3A_159 = arith.constant 0 : index
    %swap3A_160 = vector.load %arg2[%swap3A_157, %swap3A_158, %swap3A_159] : memref<32x128x128xf32, #tpu.memory_space<vmem>>, vector<1x128x128xf32>
    %swap3A_161 = vector.shape_cast %swap3A_160 : vector<1x128x128xf32> to vector<128x128xf32>
    %swap3A_162 = vector.shape_cast %broadcast_in_dim3A_156 : vector<128x128xf32> to vector<1x128x128xf32>
    tpu.vector_store %arg2[%swap3A_157, %swap3A_158, %swap3A_159], %swap3A_162 {strides = array<i32>} : memref<32x128x128xf32, #tpu.memory_space<vmem>>, vector<1x128x128xf32>,
    %slice3A_163 = vector.extract_strided_slice %get3A_3 {offsets = [0, 18], sizes = [128, 1], strides = [1, 1]} : vector<128x32xf32> to vector<128x1xf32>
    %broadcast_in_dim3A_164 = vector.shape_cast %slice3A_163 : vector<128x1xf32> to vector<128x1xf32>
    %broadcast_in_dim3A_165 = vector.broadcast %broadcast_in_dim3A_164 : vector<128x1xf32> to vector<128x128xf32>
    %swap3A_166 = arith.constant 18 : index
    %swap3A_167 = arith.constant 0 : index
    %swap3A_168 = arith.constant 0 : index
    %swap3A_169 = vector.load %arg2[%swap3A_166, %swap3A_167, %swap3A_168] : memref<32x128x128xf32, #tpu.memory_space<vmem>>, vector<1x128x128xf32>
    %swap3A_170 = vector.shape_cast %swap3A_169 : vector<1x128x128xf32> to vector<128x128xf32>
    %swap3A_171 = vector.shape_cast %broadcast_in_dim3A_165 : vector<128x128xf32> to vector<1x128x128xf32>
    tpu.vector_store %arg2[%swap3A_166, %swap3A_167, %swap3A_168], %swap3A_171 {strides = array<i32>} : memref<32x128x128xf32, #tpu.memory_space<vmem>>, vector<1x128x128xf32>,
    %slice3A_172 = vector.extract_strided_slice %get3A_3 {offsets = [0, 19], sizes = [128, 1], strides = [1, 1]} : vector<128x32xf32> to vector<128x1xf32>
    %broadcast_in_dim3A_173 = vector.shape_cast %slice3A_172 : vector<128x1xf32> to vector<128x1xf32>
    %broadcast_in_dim3A_174 = vector.broadcast %broadcast_in_dim3A_173 : vector<128x1xf32> to vector<128x128xf32>
    %swap3A_175 = arith.constant 19 : index
    %swap3A_176 = arith.constant 0 : index
    %swap3A_177 = arith.constant 0 : index
    %swap3A_178 = vector.load %arg2[%swap3A_175, %swap3A_176, %swap3A_177] : memref<32x128x128xf32, #tpu.memory_space<vmem>>, vector<1x128x128xf32>
    %swap3A_179 = vector.shape_cast %swap3A_178 : vector<1x128x128xf32> to vector<128x128xf32>
    %swap3A_180 = vector.shape_cast %broadcast_in_dim3A_174 : vector<128x128xf32> to vector<1x128x128xf32>
    tpu.vector_store %arg2[%swap3A_175, %swap3A_176, %swap3A_177], %swap3A_180 {strides = array<i32>} : memref<32x128x128xf32, #tpu.memory_space<vmem>>, vector<1x128x128xf32>,
    %slice3A_181 = vector.extract_strided_slice %get3A_3 {offsets = [0, 20], sizes = [128, 1], strides = [1, 1]} : vector<128x32xf32> to vector<128x1xf32>
    %broadcast_in_dim3A_182 = vector.shape_cast %slice3A_181 : vector<128x1xf32> to vector<128x1xf32>
    %broadcast_in_dim3A_183 = vector.broadcast %broadcast_in_dim3A_182 : vector<128x1xf32> to vector<128x128xf32>
    %swap3A_184 = arith.constant 20 : index
    %swap3A_185 = arith.constant 0 : index
    %swap3A_186 = arith.constant 0 : index
    %swap3A_187 = vector.load %arg2[%swap3A_184, %swap3A_185, %swap3A_186] : memref<32x128x128xf32, #tpu.memory_space<vmem>>, vector<1x128x128xf32>
    %swap3A_188 = vector.shape_cast %swap3A_187 : vector<1x128x128xf32> to vector<128x128xf32>
    %swap3A_189 = vector.shape_cast %broadcast_in_dim3A_183 : vector<128x128xf32> to vector<1x128x128xf32>
    tpu.vector_store %arg2[%swap3A_184, %swap3A_185, %swap3A_186], %swap3A_189 {strides = array<i32>} : memref<32x128x128xf32, #tpu.memory_space<vmem>>, vector<1x128x128xf32>,
    %slice3A_190 = vector.extract_strided_slice %get3A_3 {offsets = [0, 21], sizes = [128, 1], strides = [1, 1]} : vector<128x32xf32> to vector<128x1xf32>
    %broadcast_in_dim3A_191 = vector.shape_cast %slice3A_190 : vector<128x1xf32> to vector<128x1xf32>
    %broadcast_in_dim3A_192 = vector.broadcast %broadcast_in_dim3A_191 : vector<128x1xf32> to vector<128x128xf32>
    %swap3A_193 = arith.constant 21 : index
    %swap3A_194 = arith.constant 0 : index
    %swap3A_195 = arith.constant 0 : index
    %swap3A_196 = vector.load %arg2[%swap3A_193, %swap3A_194, %swap3A_195] : memref<32x128x128xf32, #tpu.memory_space<vmem>>, vector<1x128x128xf32>
    %swap3A_197 = vector.shape_cast %swap3A_196 : vector<1x128x128xf32> to vector<128x128xf32>
    %swap3A_198 = vector.shape_cast %broadcast_in_dim3A_192 : vector<128x128xf32> to vector<1x128x128xf32>
    tpu.vector_store %arg2[%swap3A_193, %swap3A_194, %swap3A_195], %swap3A_198 {strides = array<i32>} : memref<32x128x128xf32, #tpu.memory_space<vmem>>, vector<1x128x128xf32>,
    %slice3A_199 = vector.extract_strided_slice %get3A_3 {offsets = [0, 22], sizes = [128, 1], strides = [1, 1]} : vector<128x32xf32> to vector<128x1xf32>
    %broadcast_in_dim3A_200 = vector.shape_cast %slice3A_199 : vector<128x1xf32> to vector<128x1xf32>
    %broadcast_in_dim3A_201 = vector.broadcast %broadcast_in_dim3A_200 : vector<128x1xf32> to vector<128x128xf32>
    %swap3A_202 = arith.constant 22 : index
    %swap3A_203 = arith.constant 0 : index
    %swap3A_204 = arith.constant 0 : index
    %swap3A_205 = vector.load %arg2[%swap3A_202, %swap3A_203, %swap3A_204] : memref<32x128x128xf32, #tpu.memory_space<vmem>>, vector<1x128x128xf32>
    %swap3A_206 = vector.shape_cast %swap3A_205 : vector<1x128x128xf32> to vector<128x128xf32>
    %swap3A_207 = vector.shape_cast %broadcast_in_dim3A_201 : vector<128x128xf32> to vector<1x128x128xf32>
    tpu.vector_store %arg2[%swap3A_202, %swap3A_203, %swap3A_204], %swap3A_207 {strides = array<i32>} : memref<32x128x128xf32, #tpu.memory_space<vmem>>, vector<1x128x128xf32>,
    %slice3A_208 = vector.extract_strided_slice %get3A_3 {offsets = [0, 23], sizes = [128, 1], strides = [1, 1]} : vector<128x32xf32> to vector<128x1xf32>
    %broadcast_in_dim3A_209 = vector.shape_cast %slice3A_208 : vector<128x1xf32> to vector<128x1xf32>
    %broadcast_in_dim3A_210 = vector.broadcast %broadcast_in_dim3A_209 : vector<128x1xf32> to vector<128x128xf32>
    %swap3A_211 = arith.constant 23 : index
    %swap3A_212 = arith.constant 0 : index
    %swap3A_213 = arith.constant 0 : index
    %swap3A_214 = vector.load %arg2[%swap3A_211, %swap3A_212, %swap3A_213] : memref<32x128x128xf32, #tpu.memory_space<vmem>>, vector<1x128x128xf32>
    %swap3A_215 = vector.shape_cast %swap3A_214 : vector<1x128x128xf32> to vector<128x128xf32>
    %swap3A_216 = vector.shape_cast %broadcast_in_dim3A_210 : vector<128x128xf32> to vector<1x128x128xf32>
    tpu.vector_store %arg2[%swap3A_211, %swap3A_212, %swap3A_213], %swap3A_216 {strides = array<i32>} : memref<32x128x128xf32, #tpu.memory_space<vmem>>, vector<1x128x128xf32>,
    %slice3A_217 = vector.extract_strided_slice %get3A_3 {offsets = [0, 24], sizes = [128, 1], strides = [1, 1]} : vector<128x32xf32> to vector<128x1xf32>
    %broadcast_in_dim3A_218 = vector.shape_cast %slice3A_217 : vector<128x1xf32> to vector<128x1xf32>
    %broadcast_in_dim3A_219 = vector.broadcast %broadcast_in_dim3A_218 : vector<128x1xf32> to vector<128x128xf32>
    %swap3A_220 = arith.constant 24 : index
    %swap3A_221 = arith.constant 0 : index
    %swap3A_222 = arith.constant 0 : index
    %swap3A_223 = vector.load %arg2[%swap3A_220, %swap3A_221, %swap3A_222] : memref<32x128x128xf32, #tpu.memory_space<vmem>>, vector<1x128x128xf32>
    %swap3A_224 = vector.shape_cast %swap3A_223 : vector<1x128x128xf32> to vector<128x128xf32>
    %swap3A_225 = vector.shape_cast %broadcast_in_dim3A_219 : vector<128x128xf32> to vector<1x128x128xf32>
    tpu.vector_store %arg2[%swap3A_220, %swap3A_221, %swap3A_222], %swap3A_225 {strides = array<i32>} : memref<32x128x128xf32, #tpu.memory_space<vmem>>, vector<1x128x128xf32>,
    %slice3A_226 = vector.extract_strided_slice %get3A_3 {offsets = [0, 25], sizes = [128, 1], strides = [1, 1]} : vector<128x32xf32> to vector<128x1xf32>
    %broadcast_in_dim3A_227 = vector.shape_cast %slice3A_226 : vector<128x1xf32> to vector<128x1xf32>
    %broadcast_in_dim3A_228 = vector.broadcast %broadcast_in_dim3A_227 : vector<128x1xf32> to vector<128x128xf32>
    %swap3A_229 = arith.constant 25 : index
    %swap3A_230 = arith.constant 0 : index
    %swap3A_231 = arith.constant 0 : index
    %swap3A_232 = vector.load %arg2[%swap3A_229, %swap3A_230, %swap3A_231] : memref<32x128x128xf32, #tpu.memory_space<vmem>>, vector<1x128x128xf32>
    %swap3A_233 = vector.shape_cast %swap3A_232 : vector<1x128x128xf32> to vector<128x128xf32>
    %swap3A_234 = vector.shape_cast %broadcast_in_dim3A_228 : vector<128x128xf32> to vector<1x128x128xf32>
    tpu.vector_store %arg2[%swap3A_229, %swap3A_230, %swap3A_231], %swap3A_234 {strides = array<i32>} : memref<32x128x128xf32, #tpu.memory_space<vmem>>, vector<1x128x128xf32>,
    %slice3A_235 = vector.extract_strided_slice %get3A_3 {offsets = [0, 26], sizes = [128, 1], strides = [1, 1]} : vector<128x32xf32> to vector<128x1xf32>
    %broadcast_in_dim3A_236 = vector.shape_cast %slice3A_235 : vector<128x1xf32> to vector<128x1xf32>
    %broadcast_in_dim3A_237 = vector.broadcast %broadcast_in_dim3A_236 : vector<128x1xf32> to vector<128x128xf32>
    %swap3A_238 = arith.constant 26 : index
    %swap3A_239 = arith.constant 0 : index
    %swap3A_240 = arith.constant 0 : index
    %swap3A_241 = vector.load %arg2[%swap3A_238, %swap3A_239, %swap3A_240] : memref<32x128x128xf32, #tpu.memory_space<vmem>>, vector<1x128x128xf32>
    %swap3A_242 = vector.shape_cast %swap3A_241 : vector<1x128x128xf32> to vector<128x128xf32>
    %swap3A_243 = vector.shape_cast %broadcast_in_dim3A_237 : vector<128x128xf32> to vector<1x128x128xf32>
    tpu.vector_store %arg2[%swap3A_238, %swap3A_239, %swap3A_240], %swap3A_243 {strides = array<i32>} : memref<32x128x128xf32, #tpu.memory_space<vmem>>, vector<1x128x128xf32>,
    %slice3A_244 = vector.extract_strided_slice %get3A_3 {offsets = [0, 27], sizes = [128, 1], strides = [1, 1]} : vector<128x32xf32> to vector<128x1xf32>
    %broadcast_in_dim3A_245 = vector.shape_cast %slice3A_244 : vector<128x1xf32> to vector<128x1xf32>
    %broadcast_in_dim3A_246 = vector.broadcast %broadcast_in_dim3A_245 : vector<128x1xf32> to vector<128x128xf32>
    %swap3A_247 = arith.constant 27 : index
    %swap3A_248 = arith.constant 0 : index
    %swap3A_249 = arith.constant 0 : index
    %swap3A_250 = vector.load %arg2[%swap3A_247, %swap3A_248, %swap3A_249] : memref<32x128x128xf32, #tpu.memory_space<vmem>>, vector<1x128x128xf32>
    %swap3A_251 = vector.shape_cast %swap3A_250 : vector<1x128x128xf32> to vector<128x128xf32>
    %swap3A_252 = vector.shape_cast %broadcast_in_dim3A_246 : vector<128x128xf32> to vector<1x128x128xf32>
    tpu.vector_store %arg2[%swap3A_247, %swap3A_248, %swap3A_249], %swap3A_252 {strides = array<i32>} : memref<32x128x128xf32, #tpu.memory_space<vmem>>, vector<1x128x128xf32>,
    %slice3A_253 = vector.extract_strided_slice %get3A_3 {offsets = [0, 28], sizes = [128, 1], strides = [1, 1]} : vector<128x32xf32> to vector<128x1xf32>
    %broadcast_in_dim3A_254 = vector.shape_cast %slice3A_253 : vector<128x1xf32> to vector<128x1xf32>
    %broadcast_in_dim3A_255 = vector.broadcast %broadcast_in_dim3A_254 : vector<128x1xf32> to vector<128x128xf32>
    %swap3A_256 = arith.constant 28 : index
    %swap3A_257 = arith.constant 0 : index
    %swap3A_258 = arith.constant 0 : index
    %swap3A_259 = vector.load %arg2[%swap3A_256, %swap3A_257, %swap3A_258] : memref<32x128x128xf32, #tpu.memory_space<vmem>>, vector<1x128x128xf32>
    %swap3A_260 = vector.shape_cast %swap3A_259 : vector<1x128x128xf32> to vector<128x128xf32>
    %swap3A_261 = vector.shape_cast %broadcast_in_dim3A_255 : vector<128x128xf32> to vector<1x128x128xf32>
    tpu.vector_store %arg2[%swap3A_256, %swap3A_257, %swap3A_258], %swap3A_261 {strides = array<i32>} : memref<32x128x128xf32, #tpu.memory_space<vmem>>, vector<1x128x128xf32>,
    %slice3A_262 = vector.extract_strided_slice %get3A_3 {offsets = [0, 29], sizes = [128, 1], strides = [1, 1]} : vector<128x32xf32> to vector<128x1xf32>
    %broadcast_in_dim3A_263 = vector.shape_cast %slice3A_262 : vector<128x1xf32> to vector<128x1xf32>
    %broadcast_in_dim3A_264 = vector.broadcast %broadcast_in_dim3A_263 : vector<128x1xf32> to vector<128x128xf32>
    %swap3A_265 = arith.constant 29 : index
    %swap3A_266 = arith.constant 0 : index
    %swap3A_267 = arith.constant 0 : index
    %swap3A_268 = vector.load %arg2[%swap3A_265, %swap3A_266, %swap3A_267] : memref<32x128x128xf32, #tpu.memory_space<vmem>>, vector<1x128x128xf32>
    %swap3A_269 = vector.shape_cast %swap3A_268 : vector<1x128x128xf32> to vector<128x128xf32>
    %swap3A_270 = vector.shape_cast %broadcast_in_dim3A_264 : vector<128x128xf32> to vector<1x128x128xf32>
    tpu.vector_store %arg2[%swap3A_265, %swap3A_266, %swap3A_267], %swap3A_270 {strides = array<i32>} : memref<32x128x128xf32, #tpu.memory_space<vmem>>, vector<1x128x128xf32>,
    %slice3A_271 = vector.extract_strided_slice %get3A_3 {offsets = [0, 30], sizes = [128, 1], strides = [1, 1]} : vector<128x32xf32> to vector<128x1xf32>
    %broadcast_in_dim3A_272 = vector.shape_cast %slice3A_271 : vector<128x1xf32> to vector<128x1xf32>
    %broadcast_in_dim3A_273 = vector.broadcast %broadcast_in_dim3A_272 : vector<128x1xf32> to vector<128x128xf32>
    %swap3A_274 = arith.constant 30 : index
    %swap3A_275 = arith.constant 0 : index
    %swap3A_276 = arith.constant 0 : index
    %swap3A_277 = vector.load %arg2[%swap3A_274, %swap3A_275, %swap3A_276] : memref<32x128x128xf32, #tpu.memory_space<vmem>>, vector<1x128x128xf32>
    %swap3A_278 = vector.shape_cast %swap3A_277 : vector<1x128x128xf32> to vector<128x128xf32>
    %swap3A_279 = vector.shape_cast %broadcast_in_dim3A_273 : vector<128x128xf32> to vector<1x128x128xf32>
    tpu.vector_store %arg2[%swap3A_274, %swap3A_275, %swap3A_276], %swap3A_279 {strides = array<i32>} : memref<32x128x128xf32, #tpu.memory_space<vmem>>, vector<1x128x128xf32>,
    %slice3A_280 = vector.extract_strided_slice %get3A_3 {offsets = [0, 31], sizes = [128, 1], strides = [1, 1]} : vector<128x32xf32> to vector<128x1xf32>
    %broadcast_in_dim3A_281 = vector.shape_cast %slice3A_280 : vector<128x1xf32> to vector<128x1xf32>
    %broadcast_in_dim3A_282 = vector.broadcast %broadcast_in_dim3A_281 : vector<128x1xf32> to vector<128x128xf32>
    %swap3A_283 = arith.constant 31 : index
    %swap3A_284 = arith.constant 0 : index
    %swap3A_285 = arith.constant 0 : index
    %swap3A_286 = vector.load %arg2[%swap3A_283, %swap3A_284, %swap3A_285] : memref<32x128x128xf32, #tpu.memory_space<vmem>>, vector<1x128x128xf32>
    %swap3A_287 = vector.shape_cast %swap3A_286 : vector<1x128x128xf32> to vector<128x128xf32>
    %swap3A_288 = vector.shape_cast %broadcast_in_dim3A_282 : vector<128x128xf32> to vector<1x128x128xf32>
    tpu.vector_store %arg2[%swap3A_283, %swap3A_284, %swap3A_285], %swap3A_288 {strides = array<i32>} : memref<32x128x128xf32, #tpu.memory_space<vmem>>, vector<1x128x128xf32>,
    return
  }
  func.func @transform_0(%arg0: i32) -> (i32, i32, i32) {
    %c0_i32 = arith.constant 0 : i32
    %c0_i32_0 = arith.constant 0 : i32
    %c0_i32_1 = arith.constant 0 : i32
    return %arg0, %c0_i32, %c0_i32_0 : i32, i32, i32
  }
  func.func @transform_1(%arg0: i32) -> (i32, i32, i32) {
    %add3A = arith.constant 0 : i32
    %add3A_0 = arith.addi %add3A, %arg0 : i32
    %c0_i32 = arith.constant 0 : i32
    %c0_i32_1 = arith.constant 0 : i32
    %c0_i32_2 = arith.constant 0 : i32
    return %add3A_0, %c0_i32, %c0_i32_1 : i32, i32, i32
  }
}

module attributes {stable_mosaic.version = 14 : i64} {
  func.func @_bc_body_next(%arg0: i32, %arg1: memref<1x128x32xf32, #tpu.memory_space<vmem>>, %arg2: memref<2048x128x128xf32, #tpu.memory_space<any>>, %arg3: memref<32x128x128xf32, #tpu.memory_space<vmem>>) attributes {dimension_semantics = [#tpu.dimension_semantics<arbitrary>], iteration_bounds = array<i64: 32>, scalar_prefetch = 0 : i64, scratch_operands = 0 : i64, tpu.core_type = #tpu.core_type<tc>, window_params = [{transform_indices = @transform_0, window_bounds = array<i64: 1, 128, 32>}, {}, {transform_indices = @transform_2, window_bounds = array<i64: 32, 128, 128>}]} {
    %get3A = arith.constant 0 : index
    %get3A_0 = arith.constant 0 : index
    %get3A_1 = arith.constant 0 : index
    %get3A_2 = vector.load %arg1[%get3A, %get3A_0, %get3A_1] : memref<1x128x32xf32, #tpu.memory_space<vmem>>, vector<1x128x32xf32>
    %get3A_3 = vector.shape_cast %get3A_2 : vector<1x128x32xf32> to vector<128x32xf32>
    %slice3A = vector.extract_strided_slice %get3A_3 {offsets = [0, 0], sizes = [128, 1], strides = [1, 1]} : vector<128x32xf32> to vector<128x1xf32>
    %broadcast_in_dim3A = vector.shape_cast %slice3A : vector<128x1xf32> to vector<128x1xf32>
    %broadcast_in_dim3A_4 = vector.broadcast %broadcast_in_dim3A : vector<128x1xf32> to vector<128x128xf32>
    %swap3A = arith.constant 0 : index
    %swap3A_5 = arith.constant 0 : index
    %swap3A_6 = arith.constant 0 : index
    %swap3A_7 = vector.load %arg3[%swap3A, %swap3A_5, %swap3A_6] : memref<32x128x128xf32, #tpu.memory_space<vmem>>, vector<1x128x128xf32>
    %swap3A_8 = vector.shape_cast %swap3A_7 : vector<1x128x128xf32> to vector<128x128xf32>
    %swap3A_9 = vector.shape_cast %broadcast_in_dim3A_4 : vector<128x128xf32> to vector<1x128x128xf32>
    tpu.vector_store %arg3[%swap3A, %swap3A_5, %swap3A_6], %swap3A_9 {strides = array<i32>} : memref<32x128x128xf32, #tpu.memory_space<vmem>>, vector<1x128x128xf32>,
    %slice3A_10 = vector.extract_strided_slice %get3A_3 {offsets = [0, 1], sizes = [128, 1], strides = [1, 1]} : vector<128x32xf32> to vector<128x1xf32>
    %broadcast_in_dim3A_11 = vector.shape_cast %slice3A_10 : vector<128x1xf32> to vector<128x1xf32>
    %broadcast_in_dim3A_12 = vector.broadcast %broadcast_in_dim3A_11 : vector<128x1xf32> to vector<128x128xf32>
    %swap3A_13 = arith.constant 1 : index
    %swap3A_14 = arith.constant 0 : index
    %swap3A_15 = arith.constant 0 : index
    %swap3A_16 = vector.load %arg3[%swap3A_13, %swap3A_14, %swap3A_15] : memref<32x128x128xf32, #tpu.memory_space<vmem>>, vector<1x128x128xf32>
    %swap3A_17 = vector.shape_cast %swap3A_16 : vector<1x128x128xf32> to vector<128x128xf32>
    %swap3A_18 = vector.shape_cast %broadcast_in_dim3A_12 : vector<128x128xf32> to vector<1x128x128xf32>
    tpu.vector_store %arg3[%swap3A_13, %swap3A_14, %swap3A_15], %swap3A_18 {strides = array<i32>} : memref<32x128x128xf32, #tpu.memory_space<vmem>>, vector<1x128x128xf32>,
    %slice3A_19 = vector.extract_strided_slice %get3A_3 {offsets = [0, 2], sizes = [128, 1], strides = [1, 1]} : vector<128x32xf32> to vector<128x1xf32>
    %broadcast_in_dim3A_20 = vector.shape_cast %slice3A_19 : vector<128x1xf32> to vector<128x1xf32>
    %broadcast_in_dim3A_21 = vector.broadcast %broadcast_in_dim3A_20 : vector<128x1xf32> to vector<128x128xf32>
    %swap3A_22 = arith.constant 2 : index
    %swap3A_23 = arith.constant 0 : index
    %swap3A_24 = arith.constant 0 : index
    %swap3A_25 = vector.load %arg3[%swap3A_22, %swap3A_23, %swap3A_24] : memref<32x128x128xf32, #tpu.memory_space<vmem>>, vector<1x128x128xf32>
    %swap3A_26 = vector.shape_cast %swap3A_25 : vector<1x128x128xf32> to vector<128x128xf32>
    %swap3A_27 = vector.shape_cast %broadcast_in_dim3A_21 : vector<128x128xf32> to vector<1x128x128xf32>
    tpu.vector_store %arg3[%swap3A_22, %swap3A_23, %swap3A_24], %swap3A_27 {strides = array<i32>} : memref<32x128x128xf32, #tpu.memory_space<vmem>>, vector<1x128x128xf32>,
    %slice3A_28 = vector.extract_strided_slice %get3A_3 {offsets = [0, 3], sizes = [128, 1], strides = [1, 1]} : vector<128x32xf32> to vector<128x1xf32>
    %broadcast_in_dim3A_29 = vector.shape_cast %slice3A_28 : vector<128x1xf32> to vector<128x1xf32>
    %broadcast_in_dim3A_30 = vector.broadcast %broadcast_in_dim3A_29 : vector<128x1xf32> to vector<128x128xf32>
    %swap3A_31 = arith.constant 3 : index
    %swap3A_32 = arith.constant 0 : index
    %swap3A_33 = arith.constant 0 : index
    %swap3A_34 = vector.load %arg3[%swap3A_31, %swap3A_32, %swap3A_33] : memref<32x128x128xf32, #tpu.memory_space<vmem>>, vector<1x128x128xf32>
    %swap3A_35 = vector.shape_cast %swap3A_34 : vector<1x128x128xf32> to vector<128x128xf32>
    %swap3A_36 = vector.shape_cast %broadcast_in_dim3A_30 : vector<128x128xf32> to vector<1x128x128xf32>
    tpu.vector_store %arg3[%swap3A_31, %swap3A_32, %swap3A_33], %swap3A_36 {strides = array<i32>} : memref<32x128x128xf32, #tpu.memory_space<vmem>>, vector<1x128x128xf32>,
    %slice3A_37 = vector.extract_strided_slice %get3A_3 {offsets = [0, 4], sizes = [128, 1], strides = [1, 1]} : vector<128x32xf32> to vector<128x1xf32>
    %broadcast_in_dim3A_38 = vector.shape_cast %slice3A_37 : vector<128x1xf32> to vector<128x1xf32>
    %broadcast_in_dim3A_39 = vector.broadcast %broadcast_in_dim3A_38 : vector<128x1xf32> to vector<128x128xf32>
    %swap3A_40 = arith.constant 4 : index
    %swap3A_41 = arith.constant 0 : index
    %swap3A_42 = arith.constant 0 : index
    %swap3A_43 = vector.load %arg3[%swap3A_40, %swap3A_41, %swap3A_42] : memref<32x128x128xf32, #tpu.memory_space<vmem>>, vector<1x128x128xf32>
    %swap3A_44 = vector.shape_cast %swap3A_43 : vector<1x128x128xf32> to vector<128x128xf32>
    %swap3A_45 = vector.shape_cast %broadcast_in_dim3A_39 : vector<128x128xf32> to vector<1x128x128xf32>
    tpu.vector_store %arg3[%swap3A_40, %swap3A_41, %swap3A_42], %swap3A_45 {strides = array<i32>} : memref<32x128x128xf32, #tpu.memory_space<vmem>>, vector<1x128x128xf32>,
    %slice3A_46 = vector.extract_strided_slice %get3A_3 {offsets = [0, 5], sizes = [128, 1], strides = [1, 1]} : vector<128x32xf32> to vector<128x1xf32>
    %broadcast_in_dim3A_47 = vector.shape_cast %slice3A_46 : vector<128x1xf32> to vector<128x1xf32>
    %broadcast_in_dim3A_48 = vector.broadcast %broadcast_in_dim3A_47 : vector<128x1xf32> to vector<128x128xf32>
    %swap3A_49 = arith.constant 5 : index
    %swap3A_50 = arith.constant 0 : index
    %swap3A_51 = arith.constant 0 : index
    %swap3A_52 = vector.load %arg3[%swap3A_49, %swap3A_50, %swap3A_51] : memref<32x128x128xf32, #tpu.memory_space<vmem>>, vector<1x128x128xf32>
    %swap3A_53 = vector.shape_cast %swap3A_52 : vector<1x128x128xf32> to vector<128x128xf32>
    %swap3A_54 = vector.shape_cast %broadcast_in_dim3A_48 : vector<128x128xf32> to vector<1x128x128xf32>
    tpu.vector_store %arg3[%swap3A_49, %swap3A_50, %swap3A_51], %swap3A_54 {strides = array<i32>} : memref<32x128x128xf32, #tpu.memory_space<vmem>>, vector<1x128x128xf32>,
    %slice3A_55 = vector.extract_strided_slice %get3A_3 {offsets = [0, 6], sizes = [128, 1], strides = [1, 1]} : vector<128x32xf32> to vector<128x1xf32>
    %broadcast_in_dim3A_56 = vector.shape_cast %slice3A_55 : vector<128x1xf32> to vector<128x1xf32>
    %broadcast_in_dim3A_57 = vector.broadcast %broadcast_in_dim3A_56 : vector<128x1xf32> to vector<128x128xf32>
    %swap3A_58 = arith.constant 6 : index
    %swap3A_59 = arith.constant 0 : index
    %swap3A_60 = arith.constant 0 : index
    %swap3A_61 = vector.load %arg3[%swap3A_58, %swap3A_59, %swap3A_60] : memref<32x128x128xf32, #tpu.memory_space<vmem>>, vector<1x128x128xf32>
    %swap3A_62 = vector.shape_cast %swap3A_61 : vector<1x128x128xf32> to vector<128x128xf32>
    %swap3A_63 = vector.shape_cast %broadcast_in_dim3A_57 : vector<128x128xf32> to vector<1x128x128xf32>
    tpu.vector_store %arg3[%swap3A_58, %swap3A_59, %swap3A_60], %swap3A_63 {strides = array<i32>} : memref<32x128x128xf32, #tpu.memory_space<vmem>>, vector<1x128x128xf32>,
    %slice3A_64 = vector.extract_strided_slice %get3A_3 {offsets = [0, 7], sizes = [128, 1], strides = [1, 1]} : vector<128x32xf32> to vector<128x1xf32>
    %broadcast_in_dim3A_65 = vector.shape_cast %slice3A_64 : vector<128x1xf32> to vector<128x1xf32>
    %broadcast_in_dim3A_66 = vector.broadcast %broadcast_in_dim3A_65 : vector<128x1xf32> to vector<128x128xf32>
    %swap3A_67 = arith.constant 7 : index
    %swap3A_68 = arith.constant 0 : index
    %swap3A_69 = arith.constant 0 : index
    %swap3A_70 = vector.load %arg3[%swap3A_67, %swap3A_68, %swap3A_69] : memref<32x128x128xf32, #tpu.memory_space<vmem>>, vector<1x128x128xf32>
    %swap3A_71 = vector.shape_cast %swap3A_70 : vector<1x128x128xf32> to vector<128x128xf32>
    %swap3A_72 = vector.shape_cast %broadcast_in_dim3A_66 : vector<128x128xf32> to vector<1x128x128xf32>
    tpu.vector_store %arg3[%swap3A_67, %swap3A_68, %swap3A_69], %swap3A_72 {strides = array<i32>} : memref<32x128x128xf32, #tpu.memory_space<vmem>>, vector<1x128x128xf32>,
    %slice3A_73 = vector.extract_strided_slice %get3A_3 {offsets = [0, 8], sizes = [128, 1], strides = [1, 1]} : vector<128x32xf32> to vector<128x1xf32>
    %broadcast_in_dim3A_74 = vector.shape_cast %slice3A_73 : vector<128x1xf32> to vector<128x1xf32>
    %broadcast_in_dim3A_75 = vector.broadcast %broadcast_in_dim3A_74 : vector<128x1xf32> to vector<128x128xf32>
    %swap3A_76 = arith.constant 8 : index
    %swap3A_77 = arith.constant 0 : index
    %swap3A_78 = arith.constant 0 : index
    %swap3A_79 = vector.load %arg3[%swap3A_76, %swap3A_77, %swap3A_78] : memref<32x128x128xf32, #tpu.memory_space<vmem>>, vector<1x128x128xf32>
    %swap3A_80 = vector.shape_cast %swap3A_79 : vector<1x128x128xf32> to vector<128x128xf32>
    %swap3A_81 = vector.shape_cast %broadcast_in_dim3A_75 : vector<128x128xf32> to vector<1x128x128xf32>
    tpu.vector_store %arg3[%swap3A_76, %swap3A_77, %swap3A_78], %swap3A_81 {strides = array<i32>} : memref<32x128x128xf32, #tpu.memory_space<vmem>>, vector<1x128x128xf32>,
    %slice3A_82 = vector.extract_strided_slice %get3A_3 {offsets = [0, 9], sizes = [128, 1], strides = [1, 1]} : vector<128x32xf32> to vector<128x1xf32>
    %broadcast_in_dim3A_83 = vector.shape_cast %slice3A_82 : vector<128x1xf32> to vector<128x1xf32>
    %broadcast_in_dim3A_84 = vector.broadcast %broadcast_in_dim3A_83 : vector<128x1xf32> to vector<128x128xf32>
    %swap3A_85 = arith.constant 9 : index
    %swap3A_86 = arith.constant 0 : index
    %swap3A_87 = arith.constant 0 : index
    %swap3A_88 = vector.load %arg3[%swap3A_85, %swap3A_86, %swap3A_87] : memref<32x128x128xf32, #tpu.memory_space<vmem>>, vector<1x128x128xf32>
    %swap3A_89 = vector.shape_cast %swap3A_88 : vector<1x128x128xf32> to vector<128x128xf32>
    %swap3A_90 = vector.shape_cast %broadcast_in_dim3A_84 : vector<128x128xf32> to vector<1x128x128xf32>
    tpu.vector_store %arg3[%swap3A_85, %swap3A_86, %swap3A_87], %swap3A_90 {strides = array<i32>} : memref<32x128x128xf32, #tpu.memory_space<vmem>>, vector<1x128x128xf32>,
    %slice3A_91 = vector.extract_strided_slice %get3A_3 {offsets = [0, 10], sizes = [128, 1], strides = [1, 1]} : vector<128x32xf32> to vector<128x1xf32>
    %broadcast_in_dim3A_92 = vector.shape_cast %slice3A_91 : vector<128x1xf32> to vector<128x1xf32>
    %broadcast_in_dim3A_93 = vector.broadcast %broadcast_in_dim3A_92 : vector<128x1xf32> to vector<128x128xf32>
    %swap3A_94 = arith.constant 10 : index
    %swap3A_95 = arith.constant 0 : index
    %swap3A_96 = arith.constant 0 : index
    %swap3A_97 = vector.load %arg3[%swap3A_94, %swap3A_95, %swap3A_96] : memref<32x128x128xf32, #tpu.memory_space<vmem>>, vector<1x128x128xf32>
    %swap3A_98 = vector.shape_cast %swap3A_97 : vector<1x128x128xf32> to vector<128x128xf32>
    %swap3A_99 = vector.shape_cast %broadcast_in_dim3A_93 : vector<128x128xf32> to vector<1x128x128xf32>
    tpu.vector_store %arg3[%swap3A_94, %swap3A_95, %swap3A_96], %swap3A_99 {strides = array<i32>} : memref<32x128x128xf32, #tpu.memory_space<vmem>>, vector<1x128x128xf32>,
    %slice3A_100 = vector.extract_strided_slice %get3A_3 {offsets = [0, 11], sizes = [128, 1], strides = [1, 1]} : vector<128x32xf32> to vector<128x1xf32>
    %broadcast_in_dim3A_101 = vector.shape_cast %slice3A_100 : vector<128x1xf32> to vector<128x1xf32>
    %broadcast_in_dim3A_102 = vector.broadcast %broadcast_in_dim3A_101 : vector<128x1xf32> to vector<128x128xf32>
    %swap3A_103 = arith.constant 11 : index
    %swap3A_104 = arith.constant 0 : index
    %swap3A_105 = arith.constant 0 : index
    %swap3A_106 = vector.load %arg3[%swap3A_103, %swap3A_104, %swap3A_105] : memref<32x128x128xf32, #tpu.memory_space<vmem>>, vector<1x128x128xf32>
    %swap3A_107 = vector.shape_cast %swap3A_106 : vector<1x128x128xf32> to vector<128x128xf32>
    %swap3A_108 = vector.shape_cast %broadcast_in_dim3A_102 : vector<128x128xf32> to vector<1x128x128xf32>
    tpu.vector_store %arg3[%swap3A_103, %swap3A_104, %swap3A_105], %swap3A_108 {strides = array<i32>} : memref<32x128x128xf32, #tpu.memory_space<vmem>>, vector<1x128x128xf32>,
    %slice3A_109 = vector.extract_strided_slice %get3A_3 {offsets = [0, 12], sizes = [128, 1], strides = [1, 1]} : vector<128x32xf32> to vector<128x1xf32>
    %broadcast_in_dim3A_110 = vector.shape_cast %slice3A_109 : vector<128x1xf32> to vector<128x1xf32>
    %broadcast_in_dim3A_111 = vector.broadcast %broadcast_in_dim3A_110 : vector<128x1xf32> to vector<128x128xf32>
    %swap3A_112 = arith.constant 12 : index
    %swap3A_113 = arith.constant 0 : index
    %swap3A_114 = arith.constant 0 : index
    %swap3A_115 = vector.load %arg3[%swap3A_112, %swap3A_113, %swap3A_114] : memref<32x128x128xf32, #tpu.memory_space<vmem>>, vector<1x128x128xf32>
    %swap3A_116 = vector.shape_cast %swap3A_115 : vector<1x128x128xf32> to vector<128x128xf32>
    %swap3A_117 = vector.shape_cast %broadcast_in_dim3A_111 : vector<128x128xf32> to vector<1x128x128xf32>
    tpu.vector_store %arg3[%swap3A_112, %swap3A_113, %swap3A_114], %swap3A_117 {strides = array<i32>} : memref<32x128x128xf32, #tpu.memory_space<vmem>>, vector<1x128x128xf32>,
    %slice3A_118 = vector.extract_strided_slice %get3A_3 {offsets = [0, 13], sizes = [128, 1], strides = [1, 1]} : vector<128x32xf32> to vector<128x1xf32>
    %broadcast_in_dim3A_119 = vector.shape_cast %slice3A_118 : vector<128x1xf32> to vector<128x1xf32>
    %broadcast_in_dim3A_120 = vector.broadcast %broadcast_in_dim3A_119 : vector<128x1xf32> to vector<128x128xf32>
    %swap3A_121 = arith.constant 13 : index
    %swap3A_122 = arith.constant 0 : index
    %swap3A_123 = arith.constant 0 : index
    %swap3A_124 = vector.load %arg3[%swap3A_121, %swap3A_122, %swap3A_123] : memref<32x128x128xf32, #tpu.memory_space<vmem>>, vector<1x128x128xf32>
    %swap3A_125 = vector.shape_cast %swap3A_124 : vector<1x128x128xf32> to vector<128x128xf32>
    %swap3A_126 = vector.shape_cast %broadcast_in_dim3A_120 : vector<128x128xf32> to vector<1x128x128xf32>
    tpu.vector_store %arg3[%swap3A_121, %swap3A_122, %swap3A_123], %swap3A_126 {strides = array<i32>} : memref<32x128x128xf32, #tpu.memory_space<vmem>>, vector<1x128x128xf32>,
    %slice3A_127 = vector.extract_strided_slice %get3A_3 {offsets = [0, 14], sizes = [128, 1], strides = [1, 1]} : vector<128x32xf32> to vector<128x1xf32>
    %broadcast_in_dim3A_128 = vector.shape_cast %slice3A_127 : vector<128x1xf32> to vector<128x1xf32>
    %broadcast_in_dim3A_129 = vector.broadcast %broadcast_in_dim3A_128 : vector<128x1xf32> to vector<128x128xf32>
    %swap3A_130 = arith.constant 14 : index
    %swap3A_131 = arith.constant 0 : index
    %swap3A_132 = arith.constant 0 : index
    %swap3A_133 = vector.load %arg3[%swap3A_130, %swap3A_131, %swap3A_132] : memref<32x128x128xf32, #tpu.memory_space<vmem>>, vector<1x128x128xf32>
    %swap3A_134 = vector.shape_cast %swap3A_133 : vector<1x128x128xf32> to vector<128x128xf32>
    %swap3A_135 = vector.shape_cast %broadcast_in_dim3A_129 : vector<128x128xf32> to vector<1x128x128xf32>
    tpu.vector_store %arg3[%swap3A_130, %swap3A_131, %swap3A_132], %swap3A_135 {strides = array<i32>} : memref<32x128x128xf32, #tpu.memory_space<vmem>>, vector<1x128x128xf32>,
    %slice3A_136 = vector.extract_strided_slice %get3A_3 {offsets = [0, 15], sizes = [128, 1], strides = [1, 1]} : vector<128x32xf32> to vector<128x1xf32>
    %broadcast_in_dim3A_137 = vector.shape_cast %slice3A_136 : vector<128x1xf32> to vector<128x1xf32>
    %broadcast_in_dim3A_138 = vector.broadcast %broadcast_in_dim3A_137 : vector<128x1xf32> to vector<128x128xf32>
    %swap3A_139 = arith.constant 15 : index
    %swap3A_140 = arith.constant 0 : index
    %swap3A_141 = arith.constant 0 : index
    %swap3A_142 = vector.load %arg3[%swap3A_139, %swap3A_140, %swap3A_141] : memref<32x128x128xf32, #tpu.memory_space<vmem>>, vector<1x128x128xf32>
    %swap3A_143 = vector.shape_cast %swap3A_142 : vector<1x128x128xf32> to vector<128x128xf32>
    %swap3A_144 = vector.shape_cast %broadcast_in_dim3A_138 : vector<128x128xf32> to vector<1x128x128xf32>
    tpu.vector_store %arg3[%swap3A_139, %swap3A_140, %swap3A_141], %swap3A_144 {strides = array<i32>} : memref<32x128x128xf32, #tpu.memory_space<vmem>>, vector<1x128x128xf32>,
    %slice3A_145 = vector.extract_strided_slice %get3A_3 {offsets = [0, 16], sizes = [128, 1], strides = [1, 1]} : vector<128x32xf32> to vector<128x1xf32>
    %broadcast_in_dim3A_146 = vector.shape_cast %slice3A_145 : vector<128x1xf32> to vector<128x1xf32>
    %broadcast_in_dim3A_147 = vector.broadcast %broadcast_in_dim3A_146 : vector<128x1xf32> to vector<128x128xf32>
    %swap3A_148 = arith.constant 16 : index
    %swap3A_149 = arith.constant 0 : index
    %swap3A_150 = arith.constant 0 : index
    %swap3A_151 = vector.load %arg3[%swap3A_148, %swap3A_149, %swap3A_150] : memref<32x128x128xf32, #tpu.memory_space<vmem>>, vector<1x128x128xf32>
    %swap3A_152 = vector.shape_cast %swap3A_151 : vector<1x128x128xf32> to vector<128x128xf32>
    %swap3A_153 = vector.shape_cast %broadcast_in_dim3A_147 : vector<128x128xf32> to vector<1x128x128xf32>
    tpu.vector_store %arg3[%swap3A_148, %swap3A_149, %swap3A_150], %swap3A_153 {strides = array<i32>} : memref<32x128x128xf32, #tpu.memory_space<vmem>>, vector<1x128x128xf32>,
    %slice3A_154 = vector.extract_strided_slice %get3A_3 {offsets = [0, 17], sizes = [128, 1], strides = [1, 1]} : vector<128x32xf32> to vector<128x1xf32>
    %broadcast_in_dim3A_155 = vector.shape_cast %slice3A_154 : vector<128x1xf32> to vector<128x1xf32>
    %broadcast_in_dim3A_156 = vector.broadcast %broadcast_in_dim3A_155 : vector<128x1xf32> to vector<128x128xf32>
    %swap3A_157 = arith.constant 17 : index
    %swap3A_158 = arith.constant 0 : index
    %swap3A_159 = arith.constant 0 : index
    %swap3A_160 = vector.load %arg3[%swap3A_157, %swap3A_158, %swap3A_159] : memref<32x128x128xf32, #tpu.memory_space<vmem>>, vector<1x128x128xf32>
    %swap3A_161 = vector.shape_cast %swap3A_160 : vector<1x128x128xf32> to vector<128x128xf32>
    %swap3A_162 = vector.shape_cast %broadcast_in_dim3A_156 : vector<128x128xf32> to vector<1x128x128xf32>
    tpu.vector_store %arg3[%swap3A_157, %swap3A_158, %swap3A_159], %swap3A_162 {strides = array<i32>} : memref<32x128x128xf32, #tpu.memory_space<vmem>>, vector<1x128x128xf32>,
    %slice3A_163 = vector.extract_strided_slice %get3A_3 {offsets = [0, 18], sizes = [128, 1], strides = [1, 1]} : vector<128x32xf32> to vector<128x1xf32>
    %broadcast_in_dim3A_164 = vector.shape_cast %slice3A_163 : vector<128x1xf32> to vector<128x1xf32>
    %broadcast_in_dim3A_165 = vector.broadcast %broadcast_in_dim3A_164 : vector<128x1xf32> to vector<128x128xf32>
    %swap3A_166 = arith.constant 18 : index
    %swap3A_167 = arith.constant 0 : index
    %swap3A_168 = arith.constant 0 : index
    %swap3A_169 = vector.load %arg3[%swap3A_166, %swap3A_167, %swap3A_168] : memref<32x128x128xf32, #tpu.memory_space<vmem>>, vector<1x128x128xf32>
    %swap3A_170 = vector.shape_cast %swap3A_169 : vector<1x128x128xf32> to vector<128x128xf32>
    %swap3A_171 = vector.shape_cast %broadcast_in_dim3A_165 : vector<128x128xf32> to vector<1x128x128xf32>
    tpu.vector_store %arg3[%swap3A_166, %swap3A_167, %swap3A_168], %swap3A_171 {strides = array<i32>} : memref<32x128x128xf32, #tpu.memory_space<vmem>>, vector<1x128x128xf32>,
    %slice3A_172 = vector.extract_strided_slice %get3A_3 {offsets = [0, 19], sizes = [128, 1], strides = [1, 1]} : vector<128x32xf32> to vector<128x1xf32>
    %broadcast_in_dim3A_173 = vector.shape_cast %slice3A_172 : vector<128x1xf32> to vector<128x1xf32>
    %broadcast_in_dim3A_174 = vector.broadcast %broadcast_in_dim3A_173 : vector<128x1xf32> to vector<128x128xf32>
    %swap3A_175 = arith.constant 19 : index
    %swap3A_176 = arith.constant 0 : index
    %swap3A_177 = arith.constant 0 : index
    %swap3A_178 = vector.load %arg3[%swap3A_175, %swap3A_176, %swap3A_177] : memref<32x128x128xf32, #tpu.memory_space<vmem>>, vector<1x128x128xf32>
    %swap3A_179 = vector.shape_cast %swap3A_178 : vector<1x128x128xf32> to vector<128x128xf32>
    %swap3A_180 = vector.shape_cast %broadcast_in_dim3A_174 : vector<128x128xf32> to vector<1x128x128xf32>
    tpu.vector_store %arg3[%swap3A_175, %swap3A_176, %swap3A_177], %swap3A_180 {strides = array<i32>} : memref<32x128x128xf32, #tpu.memory_space<vmem>>, vector<1x128x128xf32>,
    %slice3A_181 = vector.extract_strided_slice %get3A_3 {offsets = [0, 20], sizes = [128, 1], strides = [1, 1]} : vector<128x32xf32> to vector<128x1xf32>
    %broadcast_in_dim3A_182 = vector.shape_cast %slice3A_181 : vector<128x1xf32> to vector<128x1xf32>
    %broadcast_in_dim3A_183 = vector.broadcast %broadcast_in_dim3A_182 : vector<128x1xf32> to vector<128x128xf32>
    %swap3A_184 = arith.constant 20 : index
    %swap3A_185 = arith.constant 0 : index
    %swap3A_186 = arith.constant 0 : index
    %swap3A_187 = vector.load %arg3[%swap3A_184, %swap3A_185, %swap3A_186] : memref<32x128x128xf32, #tpu.memory_space<vmem>>, vector<1x128x128xf32>
    %swap3A_188 = vector.shape_cast %swap3A_187 : vector<1x128x128xf32> to vector<128x128xf32>
    %swap3A_189 = vector.shape_cast %broadcast_in_dim3A_183 : vector<128x128xf32> to vector<1x128x128xf32>
    tpu.vector_store %arg3[%swap3A_184, %swap3A_185, %swap3A_186], %swap3A_189 {strides = array<i32>} : memref<32x128x128xf32, #tpu.memory_space<vmem>>, vector<1x128x128xf32>,
    %slice3A_190 = vector.extract_strided_slice %get3A_3 {offsets = [0, 21], sizes = [128, 1], strides = [1, 1]} : vector<128x32xf32> to vector<128x1xf32>
    %broadcast_in_dim3A_191 = vector.shape_cast %slice3A_190 : vector<128x1xf32> to vector<128x1xf32>
    %broadcast_in_dim3A_192 = vector.broadcast %broadcast_in_dim3A_191 : vector<128x1xf32> to vector<128x128xf32>
    %swap3A_193 = arith.constant 21 : index
    %swap3A_194 = arith.constant 0 : index
    %swap3A_195 = arith.constant 0 : index
    %swap3A_196 = vector.load %arg3[%swap3A_193, %swap3A_194, %swap3A_195] : memref<32x128x128xf32, #tpu.memory_space<vmem>>, vector<1x128x128xf32>
    %swap3A_197 = vector.shape_cast %swap3A_196 : vector<1x128x128xf32> to vector<128x128xf32>
    %swap3A_198 = vector.shape_cast %broadcast_in_dim3A_192 : vector<128x128xf32> to vector<1x128x128xf32>
    tpu.vector_store %arg3[%swap3A_193, %swap3A_194, %swap3A_195], %swap3A_198 {strides = array<i32>} : memref<32x128x128xf32, #tpu.memory_space<vmem>>, vector<1x128x128xf32>,
    %slice3A_199 = vector.extract_strided_slice %get3A_3 {offsets = [0, 22], sizes = [128, 1], strides = [1, 1]} : vector<128x32xf32> to vector<128x1xf32>
    %broadcast_in_dim3A_200 = vector.shape_cast %slice3A_199 : vector<128x1xf32> to vector<128x1xf32>
    %broadcast_in_dim3A_201 = vector.broadcast %broadcast_in_dim3A_200 : vector<128x1xf32> to vector<128x128xf32>
    %swap3A_202 = arith.constant 22 : index
    %swap3A_203 = arith.constant 0 : index
    %swap3A_204 = arith.constant 0 : index
    %swap3A_205 = vector.load %arg3[%swap3A_202, %swap3A_203, %swap3A_204] : memref<32x128x128xf32, #tpu.memory_space<vmem>>, vector<1x128x128xf32>
    %swap3A_206 = vector.shape_cast %swap3A_205 : vector<1x128x128xf32> to vector<128x128xf32>
    %swap3A_207 = vector.shape_cast %broadcast_in_dim3A_201 : vector<128x128xf32> to vector<1x128x128xf32>
    tpu.vector_store %arg3[%swap3A_202, %swap3A_203, %swap3A_204], %swap3A_207 {strides = array<i32>} : memref<32x128x128xf32, #tpu.memory_space<vmem>>, vector<1x128x128xf32>,
    %slice3A_208 = vector.extract_strided_slice %get3A_3 {offsets = [0, 23], sizes = [128, 1], strides = [1, 1]} : vector<128x32xf32> to vector<128x1xf32>
    %broadcast_in_dim3A_209 = vector.shape_cast %slice3A_208 : vector<128x1xf32> to vector<128x1xf32>
    %broadcast_in_dim3A_210 = vector.broadcast %broadcast_in_dim3A_209 : vector<128x1xf32> to vector<128x128xf32>
    %swap3A_211 = arith.constant 23 : index
    %swap3A_212 = arith.constant 0 : index
    %swap3A_213 = arith.constant 0 : index
    %swap3A_214 = vector.load %arg3[%swap3A_211, %swap3A_212, %swap3A_213] : memref<32x128x128xf32, #tpu.memory_space<vmem>>, vector<1x128x128xf32>
    %swap3A_215 = vector.shape_cast %swap3A_214 : vector<1x128x128xf32> to vector<128x128xf32>
    %swap3A_216 = vector.shape_cast %broadcast_in_dim3A_210 : vector<128x128xf32> to vector<1x128x128xf32>
    tpu.vector_store %arg3[%swap3A_211, %swap3A_212, %swap3A_213], %swap3A_216 {strides = array<i32>} : memref<32x128x128xf32, #tpu.memory_space<vmem>>, vector<1x128x128xf32>,
    %slice3A_217 = vector.extract_strided_slice %get3A_3 {offsets = [0, 24], sizes = [128, 1], strides = [1, 1]} : vector<128x32xf32> to vector<128x1xf32>
    %broadcast_in_dim3A_218 = vector.shape_cast %slice3A_217 : vector<128x1xf32> to vector<128x1xf32>
    %broadcast_in_dim3A_219 = vector.broadcast %broadcast_in_dim3A_218 : vector<128x1xf32> to vector<128x128xf32>
    %swap3A_220 = arith.constant 24 : index
    %swap3A_221 = arith.constant 0 : index
    %swap3A_222 = arith.constant 0 : index
    %swap3A_223 = vector.load %arg3[%swap3A_220, %swap3A_221, %swap3A_222] : memref<32x128x128xf32, #tpu.memory_space<vmem>>, vector<1x128x128xf32>
    %swap3A_224 = vector.shape_cast %swap3A_223 : vector<1x128x128xf32> to vector<128x128xf32>
    %swap3A_225 = vector.shape_cast %broadcast_in_dim3A_219 : vector<128x128xf32> to vector<1x128x128xf32>
    tpu.vector_store %arg3[%swap3A_220, %swap3A_221, %swap3A_222], %swap3A_225 {strides = array<i32>} : memref<32x128x128xf32, #tpu.memory_space<vmem>>, vector<1x128x128xf32>,
    %slice3A_226 = vector.extract_strided_slice %get3A_3 {offsets = [0, 25], sizes = [128, 1], strides = [1, 1]} : vector<128x32xf32> to vector<128x1xf32>
    %broadcast_in_dim3A_227 = vector.shape_cast %slice3A_226 : vector<128x1xf32> to vector<128x1xf32>
    %broadcast_in_dim3A_228 = vector.broadcast %broadcast_in_dim3A_227 : vector<128x1xf32> to vector<128x128xf32>
    %swap3A_229 = arith.constant 25 : index
    %swap3A_230 = arith.constant 0 : index
    %swap3A_231 = arith.constant 0 : index
    %swap3A_232 = vector.load %arg3[%swap3A_229, %swap3A_230, %swap3A_231] : memref<32x128x128xf32, #tpu.memory_space<vmem>>, vector<1x128x128xf32>
    %swap3A_233 = vector.shape_cast %swap3A_232 : vector<1x128x128xf32> to vector<128x128xf32>
    %swap3A_234 = vector.shape_cast %broadcast_in_dim3A_228 : vector<128x128xf32> to vector<1x128x128xf32>
    tpu.vector_store %arg3[%swap3A_229, %swap3A_230, %swap3A_231], %swap3A_234 {strides = array<i32>} : memref<32x128x128xf32, #tpu.memory_space<vmem>>, vector<1x128x128xf32>,
    %slice3A_235 = vector.extract_strided_slice %get3A_3 {offsets = [0, 26], sizes = [128, 1], strides = [1, 1]} : vector<128x32xf32> to vector<128x1xf32>
    %broadcast_in_dim3A_236 = vector.shape_cast %slice3A_235 : vector<128x1xf32> to vector<128x1xf32>
    %broadcast_in_dim3A_237 = vector.broadcast %broadcast_in_dim3A_236 : vector<128x1xf32> to vector<128x128xf32>
    %swap3A_238 = arith.constant 26 : index
    %swap3A_239 = arith.constant 0 : index
    %swap3A_240 = arith.constant 0 : index
    %swap3A_241 = vector.load %arg3[%swap3A_238, %swap3A_239, %swap3A_240] : memref<32x128x128xf32, #tpu.memory_space<vmem>>, vector<1x128x128xf32>
    %swap3A_242 = vector.shape_cast %swap3A_241 : vector<1x128x128xf32> to vector<128x128xf32>
    %swap3A_243 = vector.shape_cast %broadcast_in_dim3A_237 : vector<128x128xf32> to vector<1x128x128xf32>
    tpu.vector_store %arg3[%swap3A_238, %swap3A_239, %swap3A_240], %swap3A_243 {strides = array<i32>} : memref<32x128x128xf32, #tpu.memory_space<vmem>>, vector<1x128x128xf32>,
    %slice3A_244 = vector.extract_strided_slice %get3A_3 {offsets = [0, 27], sizes = [128, 1], strides = [1, 1]} : vector<128x32xf32> to vector<128x1xf32>
    %broadcast_in_dim3A_245 = vector.shape_cast %slice3A_244 : vector<128x1xf32> to vector<128x1xf32>
    %broadcast_in_dim3A_246 = vector.broadcast %broadcast_in_dim3A_245 : vector<128x1xf32> to vector<128x128xf32>
    %swap3A_247 = arith.constant 27 : index
    %swap3A_248 = arith.constant 0 : index
    %swap3A_249 = arith.constant 0 : index
    %swap3A_250 = vector.load %arg3[%swap3A_247, %swap3A_248, %swap3A_249] : memref<32x128x128xf32, #tpu.memory_space<vmem>>, vector<1x128x128xf32>
    %swap3A_251 = vector.shape_cast %swap3A_250 : vector<1x128x128xf32> to vector<128x128xf32>
    %swap3A_252 = vector.shape_cast %broadcast_in_dim3A_246 : vector<128x128xf32> to vector<1x128x128xf32>
    tpu.vector_store %arg3[%swap3A_247, %swap3A_248, %swap3A_249], %swap3A_252 {strides = array<i32>} : memref<32x128x128xf32, #tpu.memory_space<vmem>>, vector<1x128x128xf32>,
    %slice3A_253 = vector.extract_strided_slice %get3A_3 {offsets = [0, 28], sizes = [128, 1], strides = [1, 1]} : vector<128x32xf32> to vector<128x1xf32>
    %broadcast_in_dim3A_254 = vector.shape_cast %slice3A_253 : vector<128x1xf32> to vector<128x1xf32>
    %broadcast_in_dim3A_255 = vector.broadcast %broadcast_in_dim3A_254 : vector<128x1xf32> to vector<128x128xf32>
    %swap3A_256 = arith.constant 28 : index
    %swap3A_257 = arith.constant 0 : index
    %swap3A_258 = arith.constant 0 : index
    %swap3A_259 = vector.load %arg3[%swap3A_256, %swap3A_257, %swap3A_258] : memref<32x128x128xf32, #tpu.memory_space<vmem>>, vector<1x128x128xf32>
    %swap3A_260 = vector.shape_cast %swap3A_259 : vector<1x128x128xf32> to vector<128x128xf32>
    %swap3A_261 = vector.shape_cast %broadcast_in_dim3A_255 : vector<128x128xf32> to vector<1x128x128xf32>
    tpu.vector_store %arg3[%swap3A_256, %swap3A_257, %swap3A_258], %swap3A_261 {strides = array<i32>} : memref<32x128x128xf32, #tpu.memory_space<vmem>>, vector<1x128x128xf32>,
    %slice3A_262 = vector.extract_strided_slice %get3A_3 {offsets = [0, 29], sizes = [128, 1], strides = [1, 1]} : vector<128x32xf32> to vector<128x1xf32>
    %broadcast_in_dim3A_263 = vector.shape_cast %slice3A_262 : vector<128x1xf32> to vector<128x1xf32>
    %broadcast_in_dim3A_264 = vector.broadcast %broadcast_in_dim3A_263 : vector<128x1xf32> to vector<128x128xf32>
    %swap3A_265 = arith.constant 29 : index
    %swap3A_266 = arith.constant 0 : index
    %swap3A_267 = arith.constant 0 : index
    %swap3A_268 = vector.load %arg3[%swap3A_265, %swap3A_266, %swap3A_267] : memref<32x128x128xf32, #tpu.memory_space<vmem>>, vector<1x128x128xf32>
    %swap3A_269 = vector.shape_cast %swap3A_268 : vector<1x128x128xf32> to vector<128x128xf32>
    %swap3A_270 = vector.shape_cast %broadcast_in_dim3A_264 : vector<128x128xf32> to vector<1x128x128xf32>
    tpu.vector_store %arg3[%swap3A_265, %swap3A_266, %swap3A_267], %swap3A_270 {strides = array<i32>} : memref<32x128x128xf32, #tpu.memory_space<vmem>>, vector<1x128x128xf32>,
    %slice3A_271 = vector.extract_strided_slice %get3A_3 {offsets = [0, 30], sizes = [128, 1], strides = [1, 1]} : vector<128x32xf32> to vector<128x1xf32>
    %broadcast_in_dim3A_272 = vector.shape_cast %slice3A_271 : vector<128x1xf32> to vector<128x1xf32>
    %broadcast_in_dim3A_273 = vector.broadcast %broadcast_in_dim3A_272 : vector<128x1xf32> to vector<128x128xf32>
    %swap3A_274 = arith.constant 30 : index
    %swap3A_275 = arith.constant 0 : index
    %swap3A_276 = arith.constant 0 : index
    %swap3A_277 = vector.load %arg3[%swap3A_274, %swap3A_275, %swap3A_276] : memref<32x128x128xf32, #tpu.memory_space<vmem>>, vector<1x128x128xf32>
    %swap3A_278 = vector.shape_cast %swap3A_277 : vector<1x128x128xf32> to vector<128x128xf32>
    %swap3A_279 = vector.shape_cast %broadcast_in_dim3A_273 : vector<128x128xf32> to vector<1x128x128xf32>
    tpu.vector_store %arg3[%swap3A_274, %swap3A_275, %swap3A_276], %swap3A_279 {strides = array<i32>} : memref<32x128x128xf32, #tpu.memory_space<vmem>>, vector<1x128x128xf32>,
    %slice3A_280 = vector.extract_strided_slice %get3A_3 {offsets = [0, 31], sizes = [128, 1], strides = [1, 1]} : vector<128x32xf32> to vector<128x1xf32>
    %broadcast_in_dim3A_281 = vector.shape_cast %slice3A_280 : vector<128x1xf32> to vector<128x1xf32>
    %broadcast_in_dim3A_282 = vector.broadcast %broadcast_in_dim3A_281 : vector<128x1xf32> to vector<128x128xf32>
    %swap3A_283 = arith.constant 31 : index
    %swap3A_284 = arith.constant 0 : index
    %swap3A_285 = arith.constant 0 : index
    %swap3A_286 = vector.load %arg3[%swap3A_283, %swap3A_284, %swap3A_285] : memref<32x128x128xf32, #tpu.memory_space<vmem>>, vector<1x128x128xf32>
    %swap3A_287 = vector.shape_cast %swap3A_286 : vector<1x128x128xf32> to vector<128x128xf32>
    %swap3A_288 = vector.shape_cast %broadcast_in_dim3A_282 : vector<128x128xf32> to vector<1x128x128xf32>
    tpu.vector_store %arg3[%swap3A_283, %swap3A_284, %swap3A_285], %swap3A_288 {strides = array<i32>} : memref<32x128x128xf32, #tpu.memory_space<vmem>>, vector<1x128x128xf32>,
    return
  }
  func.func @transform_0(%arg0: i32) -> (i32, i32, i32) {
    %c0_i32 = arith.constant 0 : i32
    %c0_i32_0 = arith.constant 0 : i32
    %c0_i32_1 = arith.constant 0 : i32
    return %arg0, %c0_i32, %c0_i32_0 : i32, i32, i32
  }
  func.func @transform_2(%arg0: i32) -> (i32, i32, i32) {
    %add3A = arith.constant 32 : i32
    %add3A_0 = arith.addi %add3A, %arg0 : i32
    %c0_i32 = arith.constant 0 : i32
    %c0_i32_1 = arith.constant 0 : i32
    %c0_i32_2 = arith.constant 0 : i32
    return %add3A_0, %c0_i32, %c0_i32_1 : i32, i32, i32
  }
}

</mosaic_0001>

<sc_bundles>
// kernel: _run.6.cloned.1.call-start
scs
__scs_entry_jumppad:
0x0: {  	(pc) =	sbr.rel $0x88, $3  }
0x1: {  	(tag) =	ssettag $0x0;
	lr =	simm.s32 $0x1  }
0x2: {  	[smem:$0x3F9E] =	sst lr;
	_ =	strace $0xD0000000  }
0x3: {  	_ = 	snop  }
0x4: {  	_ = 	snop  }
0x5: {  	_ = 	snop  }
0x6: {  	_ = 	snop  }
0x7: {  	_ = 	snop  }
__scs_overlays_trampoline_lowered:
0x8: {  	[smem:$0x3FAD] =	sst s0  }
0x9: {  	[smem:$0x3FAE] =	sst s1  }
0xa: {  	[smem:$0x3FAF] =	sst s2  }
0xb: {  	[smem:$0x3FB0] =	sst s3  }
0xc: {  	[smem:$0x3FB1] =	sst s4  }
0xd: {  	[smem:$0x3FB2] =	sst s5  }
0xe: {  	[smem:$0x3FB3] =	sst s6  }
0xf: {  	[smem:$0x3FB4] =	sst s7  }
0x10: {  	[smem:$0x3FB5] =	sst s8  }
0x11: {  	[smem:$0x3FB6] =	sst s9;
	s0 =	simm.s32 @!p0 $0x0  }
0x12: {  	s1 =	sld [smem:$0x3F9C];
	s0 =	simm.s32 @p0 $0x1  }
0x13: {  	[smem:$0x3FB7] =	sst s0;
	s0 =	simm.s32 @!p1 $0x0  }
0x14: {  	s2 =	sld [smem:$0x3F9B];
	s0 =	simm.s32 @p1 $0x1  }
0x15: {  	[smem:$0x3FB8] =	sst s0;
	s0 =	simm.s32 @!p2 $0x0  }
0x16: {  	s3 =	sld [smem:$0x3FDB];
	s0 =	simm.s32 @p2 $0x1  }
0x17: {  	s4 =	simm.s32 $0x1BF5;
	[smem:$0x3FBA] =	sst s0  }
0x18: {  	s0 =	sld [smem:$0x3F9D];
	_ =	swait.ge [sflag:s4], $0x0  }
0x19: {  	s7 =	sld [smem:$0x3F9E]  }
0x1a: {  	s8 =	sadd.s32 $0xFFFFE003, lr  }
0x1b: {  	s9 =	sadd.s32 $0xFFFFFEF7, lr;
	s5 =	simm.s32 $0xFFFFFFFF;
	p2 =	slt.u32 s8, $0xFFFFF086  }
0x1c: {  	p1 =	slt.u32 s9, $0xF7A;
	s5 =	simm.s32 @!p2 $0x0  }
0x1d: {  	s5 =	simm.s32 @p1 $0x1;
	p0 =	seq.s32 s7, s2  }
0x1e: {  	s7 =	smul.u32 @!p0 $0xF7A, s2;
	p2 =	seq.s32 @!p0 s5, $0x0  }
0x1f: {  	s9 =	smul.u32 $0xF7A, s1;
	s8 =	simm.s32 @!p0 $0x1BF5;
	p2 =	por !p2, p0  }
0x20: {  	[sflag:s8] =	ssyncset.s32 @!p0 $0xFFFFF086;
	s6 =	sadd.s32 @!p0 s3, s7;
	s7 =	simm.s32 @!p0 $0x108  }
0x21: {  	s3 =	sadd.s32 s3, s9;
	s6 =	sadd.s32 @!p0 $0x88, s6;
	s7 =	simm.s32 @p2 $0x1082  }
0x22: {  	[simem:s7], [sflag:s8] =	dma.local @!p0 [hbm:s6], $0xF7A  }
0x23: {  	s9 =	sor.u32 $0xD0000000, s2;
	s6 =	simm.s32 $0x108;
	_ =	swait.ge @!p0 [sflag:s8], $0x0  }
0x24: {  	s3 =	sadd.s32 $0x88, s3;
	s6 =	simm.s32 @!p1 $0x1082;
	[sflag:s4] =	ssyncset.s32 $0xFFFFF086  }
0x25: {  	[simem:s6], [sflag:s4] =	dma.local [hbm:s3], $0xF7A  }
0x26: {  	[smem:$0x3F9E] =	sst s1;
	(tag) =	ssettag s2;
	_ =	strace s9  }
0x27: {  	s1 =	sld [smem:$0x3FAE]  }
0x28: {  	s2 =	sld [smem:$0x3FAF]  }
0x29: {  	s4 =	sld [smem:$0x3FB1]  }
0x2a: {  	p0 =	seq.s32 s5, $0x0;
	s5 =	sld [smem:$0x3FB2]  }
0x2b: {  	s6 =	sld [smem:$0x3FB3]  }
0x2c: {  	s7 =	sld [smem:$0x3FB4]  }
0x2d: {  	s3 =	simm.s32 $0x108;
	s8 =	sld [smem:$0x3FB5]  }
0x2e: {  	s3 =	simm.s32 @!p0 $0x1082;
	s9 =	sld [smem:$0x3FB6]  }
0x2f: {  	lr =	sadd.s32 s0, s3;
	s0 =	sld [smem:$0x3FAD]  }
0x30: {  	s3 =	sld [smem:$0x3FB0]  }
0x31: {  	[smem:$0x3FB9] =	sst s10  }
0x32: {  	s10 =	sld [smem:$0x3FB7];
	_ =	sdelay $0x3  }
0x33: {  	p0 =	seq.s32 s10, $0x1;
	s10 =	sld [smem:$0x3FB9];
	_ =	sdelay $0x3  }
0x34: {  	[smem:$0x3FB9] =	sst s10  }
0x35: {  	s10 =	sld [smem:$0x3FB8];
	_ =	sdelay $0x3  }
0x36: {  	p1 =	seq.s32 s10, $0x1;
	s10 =	sld [smem:$0x3FB9];
	_ =	sdelay $0x3  }
0x37: {  	[smem:$0x3FB9] =	sst s10  }
0x38: {  	s10 =	sld [smem:$0x3FBA]  }
0x39: {  	_ = 	snop;
	(pc) =	sbr.ind lr, $3  }
0x3a: {  	_ = 	snop  }
0x3b: {  	_ = 	snop  }
0x3c: {  	p2 =	seq.s32 s10, $0x1;
	s10 =	sld [smem:$0x3FB9]  }
0x3d: {  	_ =	shalt  }
0x3e: {  	_ =	shalt  }
0x3f: {  	_ =	shalt  }
0x40: {  	_ =	shalt  }
0x41: {  	_ =	shalt  }
0x42: {  	_ =	shalt  }
0x43: {  	_ =	shalt  }
0x44: {  	_ =	shalt  }
0x45: {  	_ =	shalt  }
0x46: {  	_ =	shalt  }
0x47: {  	_ =	shalt  }
0x48: {  	_ =	shalt  }
0x49: {  	_ =	shalt  }
0x4a: {  	_ =	shalt  }
0x4b: {  	_ =	shalt  }
0x4c: {  	_ =	shalt  }
0x4d: {  	_ =	shalt  }
0x4e: {  	_ =	shalt  }
0x4f: {  	_ =	shalt  }
0x50: {  	_ =	shalt  }
0x51: {  	_ =	shalt  }
0x52: {  	_ =	shalt  }
0x53: {  	_ =	shalt  }
0x54: {  	_ =	shalt  }
0x55: {  	_ =	shalt  }
0x56: {  	_ =	shalt  }
0x57: {  	_ =	shalt  }
0x58: {  	_ =	shalt  }
0x59: {  	_ =	shalt  }
0x5a: {  	_ =	shalt  }
0x5b: {  	_ =	shalt  }
0x5c: {  	_ =	shalt  }
0x5d: {  	_ =	shalt  }
0x5e: {  	_ =	shalt  }
0x5f: {  	_ =	shalt  }
0x60: {  	_ =	shalt  }
0x61: {  	_ =	shalt  }
0x62: {  	_ =	shalt  }
0x63: {  	_ =	shalt  }
0x64: {  	_ =	shalt  }
0x65: {  	_ =	shalt  }
0x66: {  	_ =	shalt  }
0x67: {  	_ =	shalt  }
0x68: {  	_ =	shalt  }
0x69: {  	_ =	shalt  }
0x6a: {  	_ =	shalt  }
0x6b: {  	_ =	shalt  }
0x6c: {  	_ =	shalt  }
0x6d: {  	_ =	shalt  }
0x6e: {  	_ =	shalt  }
0x6f: {  	_ =	shalt  }
0x70: {  	_ =	shalt  }
0x71: {  	_ =	shalt  }
0x72: {  	_ =	shalt  }
0x73: {  	_ =	shalt  }
0x74: {  	_ =	shalt  }
0x75: {  	_ =	shalt  }
0x76: {  	_ =	shalt  }
0x77: {  	_ =	shalt  }
0x78: {  	_ =	shalt  }
0x79: {  	_ =	shalt  }
0x7a: {  	_ =	shalt  }
0x7b: {  	_ =	shalt  }
0x7c: {  	_ =	shalt  }
0x7d: {  	_ =	shalt  }
0x7e: {  	_ =	shalt  }
0x7f: {  	_ =	shalt  }
0x80: {  	_ =	shalt  }
0x81: {  	_ =	shalt  }
0x82: {  	_ =	shalt  }
0x83: {  	_ =	shalt  }
0x84: {  	_ =	shalt  }
0x85: {  	_ =	shalt  }
0x86: {  	_ =	shalt  }
0x87: {  	_ =	shalt  }
.Lfunc_end0:
.L_simem_size_0:
called_computation_lowered:
.L_overlay_start_0:
0x88: {  	s2 =	sld [smem:$0x3FD9]  }
0x89: {  	s3 =	sld [smem:$0x3FFE];
	_ =	sdelay $0x1  }
0x8a: {  	s1 =	srdreg.scid  }
0x8b: {  	s0 =	sand.u32 $0x1, s1  }
0x8c: {  	s17 =	sshll.u32 s0, $0xA;
	s2 =	sadd.s32 s3, s2  }
0x8d: {  	s2 =	sadd.s32 s2, s17  }
0x8e: {  	[smem:$0x3FC5] =	sst s2  }
0x8f: {  	_ = 	snop  }
0x90: {  	s2 =	sld [smem:$0x3FC9]  }
0x91: {  	s18 =	sld [smem:$0x3FD0];
	(tm) =	ssettm $0x1  }
0x92: {  	s4 =	sld [smem:$0x3FFB];
	_ =	sdelay $0x3  }
0x93: {  	_ =	strace s4  }
0x94: {  	s4 =	sld [smem:$0x3FFC];
	_ =	sdelay $0x3  }
0x95: {  	_ =	strace s4  }
0x96: {  	s4 =	sld [smem:$0x3FFD];
	_ =	sdelay $0x3  }
0x97: {  	_ =	strace s4  }
0x98: {  	_ =	strace $0x8FFFFFFF  }
0x99: {  	s19 =	sld [smem:$0x3FDB];
	_ =	sdelay $0x1  }
0x9a: {  	s5 =	simm.s32 $_scs_section_size  }
0x9b: {  	s6 =	simm.s32 $_size__tile_overlayer_lowered;
	s7 =	simm.s32 $_tile_overlayer_lowered  }
0x9c: {  	s22 =	simm.s32 $0x1BFF;
	s21 =	sshll.u32 s7, $0x1;
	s4 =	sadd.s32 s5, s19  }
0x9d: {  	s8 =	simm.s32 $0x0;
	s20 =	sshll.u32 s6, $0x1;
	s6 =	sadd.s32 s21, s4  }
0x9e: {  	[timem:s8], [sflag:s22] =	dma.local [hbm:s6], s20  }
0x9f: {  	_ =	swait.ge [sflag:s22], s20  }
0xa0: {  	s5 =	ssub.s32 $0x0, s20;
	[sflag:s22] =	ssyncset.done $0x0  }
0xa1: {  	[sflag:s22] =	ssyncadd.s32 s5;
	_ =	sdelay $0x1  }
0xa2: {  	s23 =	simm.s32 $0x1B8B  }
0xa3: {  	_ =	swait.ge [sflag:s23], $0x1  }
0xa4: {  	[sflag:s23] =	ssyncset.done $0x0  }
0xa5: {  	s25 =	simm.s32 $0x1B8E;
	s24 =	sld [smem:$0x3FFE];
	[sflag:s23] =	ssyncadd.s32 $0xFFFFFFFF  }
0xa6: {  	s26 =	simm.s32 $execute0_lowered;
	[smem:$0x3FD2] =	sst s25  }
0xa7: {  	s6 =	sshll.u32 s26, $0x1;
	_ =	strace $0x80000046;
	[dreg:$0x1] =	wrdreg $0xFFFFFFFF  }
0xa8: {  	s28 =	simm.s32 $_size_execute0_lowered;
	s4 =	sadd.s32 s4, s6;
	[dreg:$0x0] =	wrdreg $0x0  }
0xa9: {  	s6 =	sshll.u32 s28, $0x1;
	[dreg:$0x2] =	wrdreg s4  }
0xaa: {  	[dreg:$0x3] =	wrdreg s6  }
0xab: {  	[dreg:$0x4] =	wrdreg $0xC0  }
0xac: {  	_ =	task [dreg:s8], $0x5FFFF  }
0xad: {  	[dreg:$0x1] =	wrdreg $0xFFFFFFFF  }
0xae: {  	[dreg:$0x0] =	wrdreg $0x60  }
0xaf: {  	[dreg:$0x2] =	wrdreg s2  }
0xb0: {  	[dreg:$0x3] =	wrdreg s24  }
0xb1: {  	[dreg:$0x4] =	wrdreg s18  }
0xb2: {  	[dreg:$0x5] =	wrdreg $0x9  }
0xb3: {  	_ =	task.clear_ibuf [dreg:s8], $0x6FFFF;
	_ =	strace $0x90000046  }
0xb4: {  	s29 =	simm.s32 $0x9;
	_ =	strace $0x80000048  }
0xb5: {  	_ =	swait.ge [sflag:s29], $0x1  }
0xb6: {  	[sflag:s29] =	ssyncadd.s32 $0xFFFFFFFF  }
0xb7: {  	_ =	strace $0x90000048  }
0xb8: {  	_ =	sfence  }
0xb9: {  	s30 =	sld [smem:$0x0];
	_ =	sdelay $0x2  }
0xba: {  	s31 =	sshll.u32 s1, $0xD;
	s1 =	sshrl.u32 s1, $0x2  }
0xbb: {  	s3 =	sand.u32 $0x4000, s31;
	s1 =	sadd.s32 s1, s30  }
0xbc: {  	s0 =	sor.u32 s3, s0;
	s1 =	sshll.u32 s1, $0x11  }
0xbd: {  	s0 =	sor.u32 s1, s0  }
0xbe: {  	s0 =	sadd.s32 $0x8F2B, s0  }
0xbf: {  	[sflag:s0] =	ssyncadd.remote.s32 $0x1  }
0xc0: {  	_ =	sfence.sel $0xFFFF  }
0xc1: {  	[dreg:$0x0] =	wrdreg $0xFFFFFFFF;
	(pc) =	sbr.abs _section_cstart, $3  }
0xc2: {  	[dreg:$0x1] =	wrdreg $0xFFFFFFFF  }
0xc3: {  	_ =	task.clear_ibuf [dreg:s8], $0x2FFFF;
	_ =	strace $0x9FFFFFFF  }
0xc4: {  	(tm) =	ssettm $0x7FFFFFFF  }
0xc5: {  	_ =	shalt  }
tec
execute0_lowered:
.L_overlay_start_1:
0x0: {  	(tag) =	ssettag $0x1  }
0x1: {  	s2 =	rddreg [dreg:$0x0]  }
0x2: {  	s4 =	rddreg [dreg:$0x1]  }
0x3: {  	s6 =	rddreg [dreg:$0x2]  }
0x4: {  	s3 =	srdreg.scid;
	s1 =	stileid.u32  }
0x5: {  	s0 =	rddreg [dreg:$0x3];
	s10 =	simm.s32 $0x4000;
	s11 =	simm.s32 $0x200  }
0x6: {  	s12 =	simm.s32 $0x1;
	s13 =	simm.s32 $0x8200;
	s14 =	simm.s32 $0x0  }
0x7: {  	s5 =	sand.u32 $0x1, s3;
	s7 =	sshll.u32 s1, $0x1;
	s3 =	simm.s32 $0x0  }
0x8: {  	s7 =	sor.u32 s5, s7;
	s5 =	ssub.s32 $0x2, s5;
	[smem:$0x7FF] =	sst s3  }
0x9: {  	s8 =	sshll.u32 s7, $0x2;
	s9 =	sshrl.u32 s5, $0x1;
	_ =	strace $0x80000047  }
0xa: {  	s7 =	sshll.u32 s7, $0xB;
	s8 =	sadd.s32 s8, s4;
	s9 =	ssub.s32 s5, s9  }
0xb: {  	s6 =	sadd.s32 s6, s7;
	s4 =	sadd.s32 $0x1000, s8;
	s5 =	sadd.s32 $0xE00, s8  }
0xc: {  	v0 =	vimm.f32 $0.0e+00;
	v1 =	vimm.f32 $2.500000000e-01;
	s7 =	smax.u32 s9, $0x1;
	s8 =	simm.s32 $0x2;
	s9 =	simm.s32 $0x80  }
.LBB2_1:
0xd: {  	[tilespmem:s3], [sflag:$0x2] =	stream.linear.gather [hbm4b:s4+s3], $0x20, $0x38;
	[tilespmem:$0xC200] =	vst v63  }
0xe: {  	_ =	swait.ge [sflag:s8], $0x20  }
0xf: {  	[sflag:s8] =	ssyncset.done $0x0  }
0x10: {  	[sflag:s8] =	ssyncadd.s32 $0xFFFFFFE0  }
0x11: {  	[tilespmem:s9], [sflag:$0x2] =	stream.linear.gather [hbm4b:s5+s3], $0x20, $0x38;
	[tilespmem:$0xC200] =	vst v63  }
0x12: {  	_ =	swait.ge [sflag:s8], $0x20  }
0x13: {  	[sflag:s8] =	ssyncset.done $0x0  }
0x14: {  	[sflag:s8] =	ssyncadd.s32 $0xFFFFFFE0  }
0x15: {  	v2 =	vld [tilespmem:$0x0]  }
0x16: {  	v3 =	vld [tilespmem:$0x80]  }
0x17: {  	v58 =	vld [tilespmem:$0x90];
	_ =	sdelay $0x4  }
0x18: {  	v4 =	vadd.s32 $0xFFFFFFFF, v2;
	v6 =	vadd.s32 $0xFFFFFFFF, v3;
	v61 =	vadd.s32 $0xFFFFFFFF, v58  }
0x19: {  	vm0 =	vgt.s32 v4, $0x0;
	vm9 =	vgt.s32 v6, $0x0;
	vm1 =	vgt.s32 v4, $0xFFFFFFFF  }
0x1a: {  	v8 =	vld [tilespmem:$0x10];
	vm10 =	vgt.s32 v6, $0xFFFFFFFF;
	v5 =	vnsel vm0, $0x0, v4;
	v9 =	vnsel vm9, $0x0, v6  }
0x1b: {  	v4 =	vor.u32 v4, v6;
	v60 =	vsel vm1, $0x3E800000, v0;
	v7 =	vshll.u32 v5, $0xE  }
0x1c: {  	v5 =	vshll.u32 v5, $0x7;
	vm2 =	vgt.s32 v4, $0xFFFFFFFF;
	v4 =	vshll.u32 v2, $0xE  }
0x1d: {  	[tilespmem:$0x1E0] =	vst v1;
	v2 =	vshll.u32 v2, $0x7;
	v7 =	vand.u32 $0xFFE00000, v7;
	v5 =	vand.u32 $0x3F80, v5  }
0x1e: {  	[tilespmem:$0x1F0] =	vst v1;
	v59 =	vsel vm2, $0x3E800000, v0;
	v4 =	vand.u32 $0xFFE00000, v4;
	v2 =	vand.u32 $0x3F80, v2  }
0x1f: {  	[tilespmem:$0x1A0] =	vst v60;
	v5 =	vor.u32 v5, v7;
	v2 =	vor.u32 v2, v4;
	v4 =	vadd.s32 $0xFFFFFFFF, v8  }
0x20: {  	[tilespmem:$0x180] =	vst v59;
	v7 =	vadd.s32 v9, v5;
	v5 =	vadd.s32 v3, v5;
	vm11 =	vgt.s32 v4, $0x0  }
0x21: {  	v9 =	vadd.s32 v9, v2;
	v2 =	vadd.s32 v3, v2;
	[tilespmem:$0x100] =	vst v7;
	v3 =	vnsel vm11, $0x0, v4  }
0x22: {  	[tilespmem:$0x120] =	vst v5;
	v5 =	vsel vm10, $0x3E800000, v0;
	v62 =	vshll.u32 v3, $0xE;
	v3 =	vshll.u32 v3, $0x7  }
0x23: {  	vm12 =	vgt.s32 v61, $0x0;
	[tilespmem:$0x1C0] =	vst v5;
	v5 =	vand.u32 $0xFFE00000, v62;
	v3 =	vand.u32 $0x3F80, v3  }
0x24: {  	v63 =	vshll.u32 v8, $0xE;
	[tilespmem:$0x160] =	vst v2;
	v2 =	vnsel vm12, $0x0, v61;
	v3 =	vor.u32 v3, v5  }
0x25: {  	vm13 =	vgt.s32 v4, $0xFFFFFFFF;
	[tilespmem:$0x140] =	vst v9;
	v5 =	vor.u32 v4, v61;
	v4 =	vadd.s32 v2, v3  }
0x26: {  	v8 =	vshll.u32 v8, $0x7;
	vm14 =	vgt.s32 v5, $0xFFFFFFFF;
	v3 =	vadd.s32 v58, v3;
	[tilespmem:$0x110] =	vst v4  }
0x27: {  	v8 =	vand.u32 $0x3F80, v8;
	v5 =	vsel vm14, $0x3E800000, v0;
	v4 =	vand.u32 $0xFFE00000, v63;
	[tilespmem:$0x130] =	vst v3;
	v3 =	vld [tilespmem:$0x100]  }
0x28: {  	[tilespmem:$0x190] =	vst v5;
	v5 =	vsel vm13, $0x3E800000, v0;
	v4 =	vor.u32 v8, v4  }
0x29: {  	vm15 =	vgt.s32 v61, $0xFFFFFFFF;
	v2 =	vadd.s32 v2, v4;
	[tilespmem:$0x1B0] =	vst v5  }
0x2a: {  	v5 =	vsel vm15, $0x3E800000, v0;
	[tilespmem:$0x150] =	vst v2  }
0x2b: {  	v4 =	vadd.s32 v58, v4;
	[tilespmem:$0x1D0] =	vst v5;
	v2 =	vimm.s32 $0x0  }
0x2c: {  	s15 =	simm.s32 $0x2210;
	[tilespmem:$0x170] =	vst v4;
	v3 =	vadd.s32 v2, v3  }
0x2d: {  	[tilespmem:s15+$0xFFFFDFF0] =	vst v3  }
0x2e: {  	v3 =	vld [tilespmem:$0x110];
	_ =	sdelay $0x4  }
0x2f: {  	v3 =	vadd.s32 v2, v3  }
0x30: {  	[tilespmem:s15+$0xFFFFE000] =	vst v3  }
0x31: {  	v3 =	vld [tilespmem:$0x120];
	_ =	sdelay $0x4  }
0x32: {  	s16 =	sand.u32 $0xFC0, s3;
	v3 =	vadd.s32 v2, v3  }
0x33: {  	[tilespmem:s16+$0x1200] =	vst v3  }
0x34: {  	v3 =	vld [tilespmem:$0x130];
	_ =	sdelay $0x4  }
0x35: {  	v3 =	vadd.s32 v2, v3  }
0x36: {  	[tilespmem:s15+$0xFFFFF000] =	vst v3  }
0x37: {  	v3 =	vld [tilespmem:$0x140];
	_ =	sdelay $0x4  }
0x38: {  	v3 =	vadd.s32 v2, v3  }
0x39: {  	[tilespmem:s16+$0x2200] =	vst v3  }
0x3a: {  	v3 =	vld [tilespmem:$0x150];
	_ =	sdelay $0x4  }
0x3b: {  	v3 =	vadd.s32 v2, v3  }
0x3c: {  	[tilespmem:s15+$0x0] =	vst v3  }
0x3d: {  	v3 =	vld [tilespmem:$0x160];
	_ =	sdelay $0x4  }
0x3e: {  	v3 =	vadd.s32 v2, v3  }
0x3f: {  	[tilespmem:s16+$0x3200] =	vst v3  }
0x40: {  	v3 =	vld [tilespmem:$0x170];
	_ =	sdelay $0x4  }
0x41: {  	v3 =	vadd.s32 v2, v3  }
0x42: {  	[tilespmem:s15+$0x1000] =	vst v3  }
0x43: {  	v3 =	vld [tilespmem:$0x100];
	_ =	sdelay $0x3  }
0x44: {  	v4 =	vor.u32 $0x4000, v2  }
0x45: {  	v3 =	vadd.s32 v4, v3  }
0x46: {  	[tilespmem:s15+$0xFFFFE010] =	vst v3  }
0x47: {  	v3 =	vld [tilespmem:$0x110];
	_ =	sdelay $0x4  }
0x48: {  	v3 =	vadd.s32 v4, v3  }
0x49: {  	[tilespmem:s15+$0xFFFFE020] =	vst v3  }
0x4a: {  	v3 =	vld [tilespmem:$0x120];
	_ =	sdelay $0x4  }
0x4b: {  	v3 =	vadd.s32 v4, v3  }
0x4c: {  	[tilespmem:s15+$0xFFFFF010] =	vst v3  }
0x4d: {  	v3 =	vld [tilespmem:$0x130];
	_ =	sdelay $0x4  }
0x4e: {  	v3 =	vadd.s32 v4, v3  }
0x4f: {  	[tilespmem:s15+$0xFFFFF020] =	vst v3  }
0x50: {  	v3 =	vld [tilespmem:$0x140];
	_ =	sdelay $0x4  }
0x51: {  	v3 =	vadd.s32 v4, v3  }
0x52: {  	[tilespmem:s15+$0x10] =	vst v3  }
0x53: {  	v3 =	vld [tilespmem:$0x150];
	_ =	sdelay $0x4  }
0x54: {  	v3 =	vadd.s32 v4, v3  }
0x55: {  	[tilespmem:s15+$0x20] =	vst v3  }
0x56: {  	v3 =	vld [tilespmem:$0x160];
	_ =	sdelay $0x4  }
0x57: {  	v3 =	vadd.s32 v4, v3  }
0x58: {  	[tilespmem:s15+$0x1010] =	vst v3  }
0x59: {  	v3 =	vld [tilespmem:$0x170];
	_ =	sdelay $0x4  }
0x5a: {  	s17 =	simm.s32 $0x0;
	s16 =	simm.s32 $0x0;
	v3 =	vadd.s32 v4, v3  }
.LBB2_2:
0x5b: {  	s16 =	sadd.s32 $0x2, s16;
	[tilespmem:s15+$0x1020] =	vst v3;
	v2 =	vadd.s32 $0x8000, v2;
	s17 =	sadd.s32 $0x40, s17;
	s15 =	sadd.s32 $0x40, s15  }
0x5c: {  	v3 =	vld [tilespmem:$0x100];
	p0 =	slt.u32 s16, $0x7E;
	_ =	sdelay $0x4  }
0x5d: {  	v3 =	vadd.s32 v2, v3  }
0x5e: {  	[tilespmem:s15+$0xFFFFDFF0] =	vst v3  }
0x5f: {  	v3 =	vld [tilespmem:$0x110];
	_ =	sdelay $0x4  }
0x60: {  	v3 =	vadd.s32 v2, v3  }
0x61: {  	[tilespmem:s15+$0xFFFFE000] =	vst v3  }
0x62: {  	v3 =	vld [tilespmem:$0x120];
	_ =	sdelay $0x4  }
0x63: {  	s18 =	sand.u32 $0xFC0, s17;
	v3 =	vadd.s32 v2, v3  }
0x64: {  	[tilespmem:s18+$0x1200] =	vst v3  }
0x65: {  	v3 =	vld [tilespmem:$0x130];
	_ =	sdelay $0x4  }
0x66: {  	v3 =	vadd.s32 v2, v3  }
0x67: {  	[tilespmem:s15+$0xFFFFF000] =	vst v3  }
0x68: {  	v3 =	vld [tilespmem:$0x140];
	_ =	sdelay $0x4  }
0x69: {  	v3 =	vadd.s32 v2, v3  }
0x6a: {  	[tilespmem:s18+$0x2200] =	vst v3  }
0x6b: {  	v3 =	vld [tilespmem:$0x150];
	_ =	sdelay $0x4  }
0x6c: {  	v3 =	vadd.s32 v2, v3  }
0x6d: {  	[tilespmem:s15+$0x0] =	vst v3  }
0x6e: {  	v3 =	vld [tilespmem:$0x160];
	_ =	sdelay $0x4  }
0x6f: {  	v3 =	vadd.s32 v2, v3  }
0x70: {  	[tilespmem:s18+$0x3200] =	vst v3  }
0x71: {  	v3 =	vld [tilespmem:$0x170];
	_ =	sdelay $0x4  }
0x72: {  	v3 =	vadd.s32 v2, v3  }
0x73: {  	[tilespmem:s15+$0x1000] =	vst v3  }
0x74: {  	v3 =	vld [tilespmem:$0x100];
	_ =	sdelay $0x3  }
0x75: {  	v4 =	vor.u32 $0x4000, v2  }
0x76: {  	v3 =	vadd.s32 v4, v3  }
0x77: {  	[tilespmem:s15+$0xFFFFE010] =	vst v3  }
0x78: {  	v3 =	vld [tilespmem:$0x110];
	_ =	sdelay $0x4  }
0x79: {  	v3 =	vadd.s32 v4, v3  }
0x7a: {  	[tilespmem:s15+$0xFFFFE020] =	vst v3  }
0x7b: {  	v3 =	vld [tilespmem:$0x120];
	_ =	sdelay $0x4  }
0x7c: {  	v3 =	vadd.s32 v4, v3  }
0x7d: {  	[tilespmem:s15+$0xFFFFF010] =	vst v3  }
0x7e: {  	v3 =	vld [tilespmem:$0x130];
	_ =	sdelay $0x4  }
0x7f: {  	v3 =	vadd.s32 v4, v3  }
0x80: {  	[tilespmem:s15+$0xFFFFF020] =	vst v3  }
0x81: {  	v3 =	vld [tilespmem:$0x140];
	_ =	sdelay $0x4  }
0x82: {  	v3 =	vadd.s32 v4, v3  }
0x83: {  	[tilespmem:s15+$0x10] =	vst v3  }
0x84: {  	v3 =	vld [tilespmem:$0x150];
	_ =	sdelay $0x4  }
0x85: {  	v3 =	vadd.s32 v4, v3  }
0x86: {  	[tilespmem:s15+$0x20] =	vst v3  }
0x87: {  	v3 =	vld [tilespmem:$0x160];
	_ =	sdelay $0x4  }
0x88: {  	v3 =	vadd.s32 v4, v3  }
0x89: {  	[tilespmem:s15+$0x1010] =	vst v3  }
0x8a: {  	v3 =	vld [tilespmem:$0x170]  }
.Ltmp0:
0x8b: {  	(pc) =	sbr.rel @p0 .LBB2_2-.Ltmp0, $2  }
0x8c: {  	_ =	sdelay $0x2  }
0x8d: {  	v3 =	vadd.s32 v4, v3  }
0x8e: {  	[tilespmem:s15+$0x1020] =	vst v3;
	s18 =	simm.s32 $0x4200  }
0x8f: {  	[tilespmem:s18], [sflag:$0x1] =	stream.indirect.gather [hbm4b:s2+s10], $0x1, s11, s10, $0xb8;
	[tilespmem:$0xC200] =	vst v63  }
0x90: {  	_ =	swait.ge [sflag:s12], $0x4000  }
0x91: {  	[sflag:s12] =	ssyncset.done $0x0  }
0x92: {  	[sflag:s12] =	ssyncadd.s32 $0xFFFFC000  }
0x93: {  	s15 =	simm.s32 $0x0;
	v2 =	vld [tilespmem:$0x180]  }
0x94: {  	s16 =	sand.u32 $0xFC0, s15;
	v3 =	vld [tilespmem:s18+$0x0]  }
0x95: {  	v4 =	vld [tilespmem:s16+$0x5200]  }
0x96: {  	v5 =	vld [tilespmem:$0x1A0]  }
0x97: {  	v6 =	vld [tilespmem:s16+$0x6200]  }
0x98: {  	v7 =	vld [tilespmem:$0x1C0]  }
0x99: {  	v8 =	vld [tilespmem:s16+$0x7200];
	v2 =	vmul.f32 v3, v2  }
0x9a: {  	v3 =	vld [tilespmem:$0x1E0]  }
0x9b: {  	v4 =	vmul.f32 v4, v5;
	v2 =	vadd.f32 $0.0e+00, v2;
	_ =	sdelay $0x1  }
0x9c: {  	v2 =	vadd.f32 v4, v2;
	v4 =	vmul.f32 v6, v7;
	_ =	sdelay $0x1  }
0x9d: {  	v3 =	vmul.f32 v8, v3;
	v2 =	vadd.f32 v4, v2;
	_ =	sdelay $0x1  }
0x9e: {  	v2 =	vadd.f32 v3, v2  }
0x9f: {  	s16 =	simm.s32 $0x8290  }
0xa0: {  	[tilespmem:s16+$0xFFFFFF70] =	vst v2  }
0xa1: {  	v2 =	vld [tilespmem:$0x190]  }
0xa2: {  	v3 =	vld [tilespmem:s18+$0x10]  }
0xa3: {  	v4 =	vld [tilespmem:s18+$0x1010]  }
0xa4: {  	v5 =	vld [tilespmem:$0x1B0]  }
0xa5: {  	v6 =	vld [tilespmem:s18+$0x2010]  }
0xa6: {  	v7 =	vld [tilespmem:$0x1D0]  }
0xa7: {  	v61 =	vld [tilespmem:$0x1F0];
	v2 =	vmul.f32 v3, v2  }
0xa8: {  	v3 =	vld [tilespmem:s18+$0x3010]  }
0xa9: {  	v4 =	vmul.f32 v4, v5;
	v2 =	vadd.f32 $0.0e+00, v2;
	_ =	sdelay $0x1  }
0xaa: {  	v2 =	vadd.f32 v4, v2;
	v4 =	vmul.f32 v6, v7;
	_ =	sdelay $0x1  }
0xab: {  	v3 =	vmul.f32 v3, v61;
	v2 =	vadd.f32 v4, v2;
	_ =	sdelay $0x1  }
0xac: {  	v2 =	vadd.f32 v3, v2;
	_ =	sdelay $0x1  }
0xad: {  	[tilespmem:s16+$0xFFFFFF80] =	vst v2  }
0xae: {  	s17 =	simm.s32 $0x20;
	v2 =	vld [tilespmem:$0x180]  }
0xaf: {  	s17 =	sand.u32 $0xFE0, s17;
	v3 =	vld [tilespmem:s18+$0x20]  }
0xb0: {  	v4 =	vld [tilespmem:s17+$0x5200]  }
0xb1: {  	v5 =	vld [tilespmem:$0x1A0]  }
0xb2: {  	v6 =	vld [tilespmem:s17+$0x6200]  }
0xb3: {  	v7 =	vld [tilespmem:$0x1C0]  }
0xb4: {  	v62 =	vld [tilespmem:$0x1E0];
	v2 =	vmul.f32 v3, v2  }
0xb5: {  	v3 =	vld [tilespmem:s17+$0x7200]  }
0xb6: {  	v4 =	vmul.f32 v4, v5;
	v2 =	vadd.f32 $0.0e+00, v2;
	_ =	sdelay $0x1  }
0xb7: {  	v2 =	vadd.f32 v4, v2;
	v4 =	vmul.f32 v6, v7;
	_ =	sdelay $0x1  }
0xb8: {  	v3 =	vmul.f32 v3, v62;
	v2 =	vadd.f32 v4, v2;
	_ =	sdelay $0x1  }
0xb9: {  	v2 =	vadd.f32 v3, v2;
	_ =	sdelay $0x1  }
0xba: {  	[tilespmem:s16+$0xFFFFFFF0] =	vst v2  }
0xbb: {  	v2 =	vld [tilespmem:$0x190]  }
0xbc: {  	v3 =	vld [tilespmem:s18+$0x30];
	_ =	sdelay $0x1  }
0xbd: {  	v4 =	vld [tilespmem:$0x1B0]  }
0xbe: {  	v5 =	vld [tilespmem:s18+$0x1030]  }
0xbf: {  	v6 =	vld [tilespmem:$0x1D0]  }
0xc0: {  	v7 =	vld [tilespmem:s18+$0x2030];
	v2 =	vmul.f32 v3, v2  }
0xc1: {  	v3 =	vld [tilespmem:s18+$0x3030]  }
0xc2: {  	v63 =	vadd.f32 $0.0e+00, v2;
	v2 =	vld [tilespmem:$0x1F0]  }
0xc3: {  	v4 =	vmul.f32 v5, v4;
	_ =	sdelay $0x1  }
0xc4: {  	v5 =	vmul.f32 v7, v6;
	v4 =	vadd.f32 v4, v63  }
0xc5: {  	s19 =	simm.s32 $0x4240;
	s17 =	simm.s32 $0x0;
	s18 =	simm.s32 $0x8290  }
.LBB2_4:
0xc6: {  	s17 =	sadd.s32 $0x2, s17;
	v4 =	vadd.f32 v5, v4;
	v2 =	vmul.f32 v3, v2;
	s15 =	sadd.s32 $0x40, s15;
	s16 =	sadd.s32 $0x100, s16  }
0xc7: {  	p0 =	slt.u32 s17, $0x7E  }
0xc8: {  	v2 =	vadd.f32 v2, v4;
	_ =	sdelay $0x1  }
0xc9: {  	[tilespmem:s18+$0x0] =	vst v2;
	s18 =	smov.u32 s16  }
0xca: {  	v2 =	vld [tilespmem:$0x180]  }
0xcb: {  	s20 =	sand.u32 $0xFC0, s15;
	v3 =	vld [tilespmem:s19+$0x0]  }
0xcc: {  	v4 =	vld [tilespmem:s20+$0x5200]  }
0xcd: {  	v5 =	vld [tilespmem:$0x1A0]  }
0xce: {  	v6 =	vld [tilespmem:s20+$0x6200]  }
0xcf: {  	v7 =	vld [tilespmem:$0x1C0]  }
0xd0: {  	v2 =	vmul.f32 v3, v2;
	v3 =	vld [tilespmem:$0x1E0]  }
0xd1: {  	v8 =	vld [tilespmem:s20+$0x7200]  }
0xd2: {  	v2 =	vadd.f32 $0.0e+00, v2;
	v4 =	vmul.f32 v4, v5;
	_ =	sdelay $0x1  }
0xd3: {  	v2 =	vadd.f32 v4, v2;
	v4 =	vmul.f32 v6, v7;
	_ =	sdelay $0x1  }
0xd4: {  	v2 =	vadd.f32 v4, v2;
	v3 =	vmul.f32 v8, v3;
	_ =	sdelay $0x1  }
0xd5: {  	v2 =	vadd.f32 v3, v2;
	_ =	sdelay $0x1  }
0xd6: {  	[tilespmem:s16+$0xFFFFFF70] =	vst v2  }
0xd7: {  	v2 =	vld [tilespmem:s19+$0x1010]  }
0xd8: {  	v3 =	vld [tilespmem:$0x190]  }
0xd9: {  	v4 =	vld [tilespmem:s19+$0x10];
	_ =	sdelay $0x1  }
0xda: {  	v5 =	vld [tilespmem:$0x1B0]  }
0xdb: {  	v6 =	vld [tilespmem:s19+$0x2010]  }
0xdc: {  	v7 =	vld [tilespmem:$0x1D0]  }
0xdd: {  	v3 =	vmul.f32 v4, v3;
	v4 =	vld [tilespmem:s19+$0x3010]  }
0xde: {  	v8 =	vld [tilespmem:$0x1F0]  }
0xdf: {  	v3 =	vadd.f32 $0.0e+00, v3;
	v2 =	vmul.f32 v2, v5;
	_ =	sdelay $0x1  }
0xe0: {  	v2 =	vadd.f32 v2, v3;
	v3 =	vmul.f32 v6, v7;
	_ =	sdelay $0x1  }
0xe1: {  	v2 =	vadd.f32 v3, v2;
	v3 =	vmul.f32 v4, v8;
	_ =	sdelay $0x1  }
0xe2: {  	v2 =	vadd.f32 v3, v2;
	_ =	sdelay $0x1  }
0xe3: {  	[tilespmem:s16+$0xFFFFFF80] =	vst v2  }
0xe4: {  	s20 =	sadd.s32 $0x20, s15;
	v2 =	vld [tilespmem:$0x180]  }
0xe5: {  	s20 =	sand.u32 $0xFE0, s20;
	v3 =	vld [tilespmem:s19+$0x20]  }
0xe6: {  	v4 =	vld [tilespmem:s20+$0x5200]  }
0xe7: {  	v5 =	vld [tilespmem:$0x1A0]  }
0xe8: {  	v6 =	vld [tilespmem:s20+$0x6200]  }
0xe9: {  	v7 =	vld [tilespmem:$0x1C0]  }
0xea: {  	v2 =	vmul.f32 v3, v2;
	v3 =	vld [tilespmem:s20+$0x7200]  }
0xeb: {  	v8 =	vld [tilespmem:$0x1E0]  }
0xec: {  	v2 =	vadd.f32 $0.0e+00, v2;
	v4 =	vmul.f32 v4, v5;
	_ =	sdelay $0x1  }
0xed: {  	v2 =	vadd.f32 v4, v2;
	v4 =	vmul.f32 v6, v7;
	_ =	sdelay $0x1  }
0xee: {  	v2 =	vadd.f32 v4, v2;
	v3 =	vmul.f32 v3, v8;
	_ =	sdelay $0x1  }
0xef: {  	v2 =	vadd.f32 v3, v2;
	_ =	sdelay $0x1  }
0xf0: {  	[tilespmem:s16+$0xFFFFFFF0] =	vst v2  }
0xf1: {  	v2 =	vld [tilespmem:$0x190]  }
0xf2: {  	v3 =	vld [tilespmem:s19+$0x30]  }
0xf3: {  	v4 =	vld [tilespmem:$0x1B0]  }
0xf4: {  	v5 =	vld [tilespmem:s19+$0x1030]  }
0xf5: {  	v6 =	vld [tilespmem:$0x1D0]  }
0xf6: {  	v7 =	vld [tilespmem:s19+$0x2030]  }
0xf7: {  	v8 =	vmul.f32 v3, v2;
	v2 =	vld [tilespmem:$0x1F0]  }
.Ltmp1:
0xf8: {  	v3 =	vld [tilespmem:s19+$0x3030];
	(pc) =	sbr.rel @p0 .LBB2_4-.Ltmp1, $3  }
0xf9: {  	v8 =	vadd.f32 $0.0e+00, v8;
	v4 =	vmul.f32 v5, v4;
	_ =	sdelay $0x1  }
0xfa: {  	v4 =	vadd.f32 v4, v8;
	v5 =	vmul.f32 v7, v6  }
0xfb: {  	s19 =	sadd.s32 $0x40, s19  }
0xfc: {  	v4 =	vadd.f32 v5, v4;
	v2 =	vmul.f32 v3, v2;
	_ =	sdelay $0x1  }
0xfd: {  	s14 =	sadd.s32 $0x1, s14;
	v2 =	vadd.f32 v2, v4  }
0xfe: {  	p0 =	sne.s32 s14, s7  }
.Ltmp2:
0xff: {  	[tilespmem:s18+$0x0] =	vst v2;
	(pc) =	sbr.rel @p0 .LBB2_1-.Ltmp2, $4  }
0x100: {  	[hbm4b:s6+s3] =	stream.linear.scatter [tilespmem:s13], [sflag:$0x2], $0x4000, $0x38;
	[tilespmem:$0xC200] =	vst v63  }
0x101: {  	_ =	swait.ge [sflag:s8], $0x4000  }
0x102: {  	[sflag:s8] =	ssyncset.done $0x0  }
0x103: {  	[sflag:s8] =	ssyncadd.s32 $0xFFFFC000  }
0x104: {  	_ =	sfence.sel $0x180000  }
0x105: {  	[bflag:$0x0] =	sbarrier.arrive $0xFFFF  }
0x106: {  	p0 =	sne.s32 s1, $0x0;
	_ =	strace $0x90000047  }
0x107: {  	s0 =	sadd.s32 @!p0 $0x100000, s0;
	[bflag:$0x2] =	sbarrier.arrive $0xFFFF  }
0x108: {  	[sflag:s0] =	ssyncadd.tile.s32 @!p0 $0x1;
	_ =	shalt  }
.Lfunc_end2:
_tile_overlayer_lowered:
.L_overlay_start_2:
0x109: {  	(tag) =	ssettag $0x2  }
0x10a: {  	s0 =	rddreg [dreg:$0x0];
	s2 =	stileid.u32  }
0x10b: {  	s1 =	rddreg [dreg:$0x1];
	p0 =	sne.s32 s2, $0x0  }
0x10c: {  	s3 =	rddreg [dreg:$0x2];
	[bflag:$0x3] =	sbarrier.arrive $0xFFFF;
	s2 =	simm.s32 @!p0 $0x1C02  }
0x10d: {  	[timem:s3], [sflag:s2] =	dma.local @!p0 [hbm:s0], s1  }
0x10e: {  	s0 =	simm.s32 @!p0 $0x2  }
0x10f: {  	_ =	swait.ge @!p0 [sflag:s0], s1  }
0x110: {  	s1 =	ssub.s32 @!p0 $0x0, s1;
	[sflag:s0] =	ssyncset.done @!p0 $0x0  }
0x111: {  	[sflag:s0] =	ssyncadd.s32 @!p0 s1  }
0x112: {  	[bflag:$0x3] =	sbarrier.arrive $0xFFFF  }
0x113: {  	_ =	shalt  }

// kernel: _run.9.cloned.1.call-start
scs
__scs_entry_jumppad:
0x0: {  	(pc) =	sbr.rel $0x88, $3  }
0x1: {  	(tag) =	ssettag $0x0;
	lr =	simm.s32 $0x1  }
0x2: {  	[smem:$0x3F9E] =	sst lr;
	_ =	strace $0xD0000000  }
0x3: {  	_ = 	snop  }
0x4: {  	_ = 	snop  }
0x5: {  	_ = 	snop  }
0x6: {  	_ = 	snop  }
0x7: {  	_ = 	snop  }
__scs_overlays_trampoline_lowered:
0x8: {  	[smem:$0x3FAD] =	sst s0  }
0x9: {  	[smem:$0x3FAE] =	sst s1  }
0xa: {  	[smem:$0x3FAF] =	sst s2  }
0xb: {  	[smem:$0x3FB0] =	sst s3  }
0xc: {  	[smem:$0x3FB1] =	sst s4  }
0xd: {  	[smem:$0x3FB2] =	sst s5  }
0xe: {  	[smem:$0x3FB3] =	sst s6  }
0xf: {  	[smem:$0x3FB4] =	sst s7  }
0x10: {  	[smem:$0x3FB5] =	sst s8  }
0x11: {  	[smem:$0x3FB6] =	sst s9;
	s0 =	simm.s32 @!p0 $0x0  }
0x12: {  	s1 =	sld [smem:$0x3F9C];
	s0 =	simm.s32 @p0 $0x1  }
0x13: {  	[smem:$0x3FB7] =	sst s0;
	s0 =	simm.s32 @!p1 $0x0  }
0x14: {  	s2 =	sld [smem:$0x3F9B];
	s0 =	simm.s32 @p1 $0x1  }
0x15: {  	[smem:$0x3FB8] =	sst s0;
	s0 =	simm.s32 @!p2 $0x0  }
0x16: {  	s3 =	sld [smem:$0x3FDB];
	s0 =	simm.s32 @p2 $0x1  }
0x17: {  	s4 =	simm.s32 $0x1BF5;
	[smem:$0x3FBA] =	sst s0  }
0x18: {  	s0 =	sld [smem:$0x3F9D];
	_ =	swait.ge [sflag:s4], $0x0  }
0x19: {  	s7 =	sld [smem:$0x3F9E]  }
0x1a: {  	s8 =	sadd.s32 $0xFFFFE003, lr  }
0x1b: {  	s9 =	sadd.s32 $0xFFFFFEF7, lr;
	s5 =	simm.s32 $0xFFFFFFFF;
	p2 =	slt.u32 s8, $0xFFFFF086  }
0x1c: {  	p1 =	slt.u32 s9, $0xF7A;
	s5 =	simm.s32 @!p2 $0x0  }
0x1d: {  	s5 =	simm.s32 @p1 $0x1;
	p0 =	seq.s32 s7, s2  }
0x1e: {  	s7 =	smul.u32 @!p0 $0xF7A, s2;
	p2 =	seq.s32 @!p0 s5, $0x0  }
0x1f: {  	s9 =	smul.u32 $0xF7A, s1;
	s8 =	simm.s32 @!p0 $0x1BF5;
	p2 =	por !p2, p0  }
0x20: {  	[sflag:s8] =	ssyncset.s32 @!p0 $0xFFFFF086;
	s6 =	sadd.s32 @!p0 s3, s7;
	s7 =	simm.s32 @!p0 $0x108  }
0x21: {  	s3 =	sadd.s32 s3, s9;
	s6 =	sadd.s32 @!p0 $0x88, s6;
	s7 =	simm.s32 @p2 $0x1082  }
0x22: {  	[simem:s7], [sflag:s8] =	dma.local @!p0 [hbm:s6], $0xF7A  }
0x23: {  	s9 =	sor.u32 $0xD0000000, s2;
	s6 =	simm.s32 $0x108;
	_ =	swait.ge @!p0 [sflag:s8], $0x0  }
0x24: {  	s3 =	sadd.s32 $0x88, s3;
	s6 =	simm.s32 @!p1 $0x1082;
	[sflag:s4] =	ssyncset.s32 $0xFFFFF086  }
0x25: {  	[simem:s6], [sflag:s4] =	dma.local [hbm:s3], $0xF7A  }
0x26: {  	[smem:$0x3F9E] =	sst s1;
	(tag) =	ssettag s2;
	_ =	strace s9  }
0x27: {  	s1 =	sld [smem:$0x3FAE]  }
0x28: {  	s2 =	sld [smem:$0x3FAF]  }
0x29: {  	s4 =	sld [smem:$0x3FB1]  }
0x2a: {  	p0 =	seq.s32 s5, $0x0;
	s5 =	sld [smem:$0x3FB2]  }
0x2b: {  	s6 =	sld [smem:$0x3FB3]  }
0x2c: {  	s7 =	sld [smem:$0x3FB4]  }
0x2d: {  	s3 =	simm.s32 $0x108;
	s8 =	sld [smem:$0x3FB5]  }
0x2e: {  	s3 =	simm.s32 @!p0 $0x1082;
	s9 =	sld [smem:$0x3FB6]  }
0x2f: {  	lr =	sadd.s32 s0, s3;
	s0 =	sld [smem:$0x3FAD]  }
0x30: {  	s3 =	sld [smem:$0x3FB0]  }
0x31: {  	[smem:$0x3FB9] =	sst s10  }
0x32: {  	s10 =	sld [smem:$0x3FB7];
	_ =	sdelay $0x3  }
0x33: {  	p0 =	seq.s32 s10, $0x1;
	s10 =	sld [smem:$0x3FB9];
	_ =	sdelay $0x3  }
0x34: {  	[smem:$0x3FB9] =	sst s10  }
0x35: {  	s10 =	sld [smem:$0x3FB8];
	_ =	sdelay $0x3  }
0x36: {  	p1 =	seq.s32 s10, $0x1;
	s10 =	sld [smem:$0x3FB9];
	_ =	sdelay $0x3  }
0x37: {  	[smem:$0x3FB9] =	sst s10  }
0x38: {  	s10 =	sld [smem:$0x3FBA]  }
0x39: {  	_ = 	snop;
	(pc) =	sbr.ind lr, $3  }
0x3a: {  	_ = 	snop  }
0x3b: {  	_ = 	snop  }
0x3c: {  	p2 =	seq.s32 s10, $0x1;
	s10 =	sld [smem:$0x3FB9]  }
0x3d: {  	_ =	shalt  }
0x3e: {  	_ =	shalt  }
0x3f: {  	_ =	shalt  }
0x40: {  	_ =	shalt  }
0x41: {  	_ =	shalt  }
0x42: {  	_ =	shalt  }
0x43: {  	_ =	shalt  }
0x44: {  	_ =	shalt  }
0x45: {  	_ =	shalt  }
0x46: {  	_ =	shalt  }
0x47: {  	_ =	shalt  }
0x48: {  	_ =	shalt  }
0x49: {  	_ =	shalt  }
0x4a: {  	_ =	shalt  }
0x4b: {  	_ =	shalt  }
0x4c: {  	_ =	shalt  }
0x4d: {  	_ =	shalt  }
0x4e: {  	_ =	shalt  }
0x4f: {  	_ =	shalt  }
0x50: {  	_ =	shalt  }
0x51: {  	_ =	shalt  }
0x52: {  	_ =	shalt  }
0x53: {  	_ =	shalt  }
0x54: {  	_ =	shalt  }
0x55: {  	_ =	shalt  }
0x56: {  	_ =	shalt  }
0x57: {  	_ =	shalt  }
0x58: {  	_ =	shalt  }
0x59: {  	_ =	shalt  }
0x5a: {  	_ =	shalt  }
0x5b: {  	_ =	shalt  }
0x5c: {  	_ =	shalt  }
0x5d: {  	_ =	shalt  }
0x5e: {  	_ =	shalt  }
0x5f: {  	_ =	shalt  }
0x60: {  	_ =	shalt  }
0x61: {  	_ =	shalt  }
0x62: {  	_ =	shalt  }
0x63: {  	_ =	shalt  }
0x64: {  	_ =	shalt  }
0x65: {  	_ =	shalt  }
0x66: {  	_ =	shalt  }
0x67: {  	_ =	shalt  }
0x68: {  	_ =	shalt  }
0x69: {  	_ =	shalt  }
0x6a: {  	_ =	shalt  }
0x6b: {  	_ =	shalt  }
0x6c: {  	_ =	shalt  }
0x6d: {  	_ =	shalt  }
0x6e: {  	_ =	shalt  }
0x6f: {  	_ =	shalt  }
0x70: {  	_ =	shalt  }
0x71: {  	_ =	shalt  }
0x72: {  	_ =	shalt  }
0x73: {  	_ =	shalt  }
0x74: {  	_ =	shalt  }
0x75: {  	_ =	shalt  }
0x76: {  	_ =	shalt  }
0x77: {  	_ =	shalt  }
0x78: {  	_ =	shalt  }
0x79: {  	_ =	shalt  }
0x7a: {  	_ =	shalt  }
0x7b: {  	_ =	shalt  }
0x7c: {  	_ =	shalt  }
0x7d: {  	_ =	shalt  }
0x7e: {  	_ =	shalt  }
0x7f: {  	_ =	shalt  }
0x80: {  	_ =	shalt  }
0x81: {  	_ =	shalt  }
0x82: {  	_ =	shalt  }
0x83: {  	_ =	shalt  }
0x84: {  	_ =	shalt  }
0x85: {  	_ =	shalt  }
0x86: {  	_ =	shalt  }
0x87: {  	_ =	shalt  }
.Lfunc_end0:
.L_simem_size_0:
called_computation.1_lowered:
.L_overlay_start_0:
0x88: {  	s2 =	sld [smem:$0x3FD9]  }
0x89: {  	s3 =	sld [smem:$0x3FFE];
	_ =	sdelay $0x1  }
0x8a: {  	s1 =	srdreg.scid  }
0x8b: {  	s0 =	sand.u32 $0x1, s1  }
0x8c: {  	s17 =	sshll.u32 s0, $0xA;
	s2 =	sadd.s32 s3, s2  }
0x8d: {  	s2 =	sadd.s32 s2, s17  }
0x8e: {  	[smem:$0x3FC5] =	sst s2  }
0x8f: {  	_ = 	snop  }
0x90: {  	s18 =	sld [smem:$0x3FC9];
	(tm) =	ssettm $0x1  }
0x91: {  	s19 =	sld [smem:$0x3FFB];
	_ =	sdelay $0x3  }
0x92: {  	_ =	strace s19  }
0x93: {  	s2 =	sld [smem:$0x3FFC];
	_ =	sdelay $0x3  }
0x94: {  	_ =	strace s2  }
0x95: {  	s2 =	sld [smem:$0x3FFD];
	_ =	sdelay $0x3  }
0x96: {  	_ =	strace s2  }
0x97: {  	_ =	strace $0x8FFFFFFF  }
0x98: {  	s20 =	sld [smem:$0x3FDB];
	_ =	sdelay $0x1  }
0x99: {  	s4 =	simm.s32 $_scs_section_size  }
0x9a: {  	s5 =	simm.s32 $_size__tile_overlayer_lowered;
	s6 =	simm.s32 $_tile_overlayer_lowered  }
0x9b: {  	s7 =	simm.s32 $0x1BFF;
	s21 =	sshll.u32 s6, $0x1;
	s4 =	sadd.s32 s4, s20  }
0x9c: {  	s22 =	simm.s32 $0x0;
	s5 =	sshll.u32 s5, $0x1;
	s6 =	sadd.s32 s21, s4  }
0x9d: {  	[timem:s22], [sflag:s7] =	dma.local [hbm:s6], s5  }
0x9e: {  	_ =	swait.ge [sflag:s7], s5  }
0x9f: {  	s5 =	ssub.s32 $0x0, s5;
	[sflag:s7] =	ssyncset.done $0x0  }
0xa0: {  	[sflag:s7] =	ssyncadd.s32 s5;
	_ =	sdelay $0x1  }
0xa1: {  	s23 =	simm.s32 $0x1B8B  }
0xa2: {  	_ =	swait.ge [sflag:s23], $0x1  }
0xa3: {  	[sflag:s23] =	ssyncset.done $0x0  }
0xa4: {  	[sflag:s23] =	ssyncadd.s32 $0xFFFFFFFF  }
0xa5: {  	s5 =	sld [smem:$0x0]  }
0xa6: {  	s6 =	sand.u32 $0xFFFFFFFE, s1  }
0xa7: {  	p0 =	sne.s32 s1, s6  }
0xa8: {  	s6 =	sshll.u32 @p0 s6, $0xE  }
0xa9: {  	s6 =	sadd.s32 @p0 $0x11B8D, s6;
	s7 =	sshll.u32 @p0 s5, $0x11  }
0xaa: {  	s6 =	sor.u32 @p0 s7, s6  }
0xab: {  	[sflag:s6] =	ssyncadd.remote.s32 @p0 $0x1;
	_ =	sdelay $0x1  }
0xac: {  	s6 =	simm.s32 @p0 $0x1B8D  }
0xad: {  	_ =	swait.eq @p0 [sflag:s6], $0x1  }
0xae: {  	[sflag:s6] =	ssyncadd.s32 @p0 $0xFFFFFFFF  }
0xaf: {  	s7 =	sshll.u32 @!p0 s1, $0xE  }
0xb0: {  	s7 =	sor.u32 @!p0 $0x4000, s7;
	s6 =	simm.s32 @!p0 $0x1B8D  }
0xb1: {  	s5 =	sshll.u32 @!p0 s5, $0x11;
	s7 =	sadd.s32 @!p0 $0x11B8D, s7;
	_ =	swait.eq @!p0 [sflag:s6], $0x1  }
0xb2: {  	s5 =	sor.u32 @!p0 s5, s7;
	[sflag:s6] =	ssyncadd.s32 @!p0 $0xFFFFFFFF  }
0xb3: {  	s25 =	simm.s32 $0x1B8E;
	s24 =	sld [smem:$0x3FFE];
	[sflag:s5] =	ssyncadd.remote.s32 @!p0 $0x1  }
0xb4: {  	s26 =	simm.s32 $execute0_lowered;
	[smem:$0x3FD2] =	sst s25  }
0xb5: {  	s6 =	sshll.u32 s26, $0x1;
	_ =	strace $0x80000049;
	[dreg:$0x1] =	wrdreg $0xFFFFFFFF  }
0xb6: {  	s28 =	simm.s32 $_size_execute0_lowered;
	s4 =	sadd.s32 s4, s6;
	[dreg:$0x0] =	wrdreg $0x0  }
0xb7: {  	s6 =	sshll.u32 s28, $0x1;
	[dreg:$0x2] =	wrdreg s4  }
0xb8: {  	[dreg:$0x3] =	wrdreg s6  }
0xb9: {  	[dreg:$0x4] =	wrdreg $0xC0  }
0xba: {  	_ =	task [dreg:s22], $0x5FFFF  }
0xbb: {  	[dreg:$0x1] =	wrdreg $0xFFFFFFFF  }
0xbc: {  	[dreg:$0x0] =	wrdreg $0x60  }
0xbd: {  	[dreg:$0x2] =	wrdreg s18  }
0xbe: {  	[dreg:$0x3] =	wrdreg s24  }
0xbf: {  	[dreg:$0x4] =	wrdreg $0xA  }
0xc0: {  	_ =	task.clear_ibuf [dreg:s22], $0x5FFFF;
	_ =	strace $0x90000049  }
0xc1: {  	s29 =	simm.s32 $0xA;
	_ =	strace $0x8000004B  }
0xc2: {  	_ =	swait.ge [sflag:s29], $0x1  }
0xc3: {  	[sflag:s29] =	ssyncadd.s32 $0xFFFFFFFF  }
0xc4: {  	_ =	strace $0x9000004B  }
0xc5: {  	_ =	sfence  }
0xc6: {  	s30 =	sld [smem:$0x0];
	_ =	sdelay $0x2  }
0xc7: {  	s31 =	sshll.u32 s1, $0xD;
	s1 =	sshrl.u32 s1, $0x2  }
0xc8: {  	s4 =	sand.u32 $0x4000, s31;
	s1 =	sadd.s32 s1, s30  }
0xc9: {  	s0 =	sor.u32 s4, s0;
	s1 =	sshll.u32 s1, $0x11  }
0xca: {  	s0 =	sor.u32 s1, s0  }
0xcb: {  	s0 =	sadd.s32 $0x8F2B, s0  }
0xcc: {  	[sflag:s0] =	ssyncadd.remote.s32 $0x1  }
0xcd: {  	_ =	sfence.sel $0xFFFF  }
0xce: {  	[dreg:$0x0] =	wrdreg $0xFFFFFFFF;
	(pc) =	sbr.abs _section_cstart, $3  }
0xcf: {  	[dreg:$0x1] =	wrdreg $0xFFFFFFFF  }
0xd0: {  	_ =	task.clear_ibuf [dreg:s22], $0x2FFFF;
	_ =	strace $0x9FFFFFFF  }
0xd1: {  	(tm) =	ssettm $0x7FFFFFFF  }
tec
execute0_lowered:
.L_overlay_start_1:
0x0: {  	(tag) =	ssettag $0x1  }
0x1: {  	s1 =	rddreg [dreg:$0x0]  }
0x2: {  	s4 =	rddreg [dreg:$0x1]  }
0x3: {  	s0 =	rddreg [dreg:$0x2];
	s3 =	simm.s32 $0x0;
	s5 =	srdreg.scid  }
0x4: {  	s2 =	stileid.u32;
	s9 =	simm.s32 $0x80;
	s10 =	simm.s32 $0x4000  }
0x5: {  	s11 =	simm.s32 $0x200;
	s12 =	simm.s32 $0x1;
	s13 =	simm.s32 $0x8200  }
0x6: {  	[smem:$0x7FF] =	sst s3;
	s5 =	sand.u32 $0x1, s5;
	s6 =	sshll.u32 s2, $0x1  }
0x7: {  	s14 =	simm.s32 $0x0;
	_ =	strace $0x8000004A;
	s6 =	sor.u32 s5, s6  }
0x8: {  	s5 =	ssub.s32 $0x2, s5;
	s7 =	sshll.u32 s6, $0x2;
	s6 =	sshll.u32 s6, $0xB  }
0x9: {  	s31 =	sshrl.u32 s5, $0x1;
	s7 =	sadd.s32 s7, s4;
	s6 =	sadd.s32 s6, s4  }
0xa: {  	s8 =	ssub.s32 s5, s31;
	s4 =	sadd.s32 $0x1400, s7;
	s5 =	sadd.s32 $0x1200, s7  }
0xb: {  	v0 =	vimm.f32 $0.0e+00;
	v1 =	vimm.f32 $2.500000000e-01;
	s6 =	sadd.s32 $0x1600, s6;
	s7 =	smax.u32 s8, $0x1;
	s8 =	simm.s32 $0x2  }
.LBB2_1:
0xc: {  	[tilespmem:s3], [sflag:$0x2] =	stream.linear.gather [hbm4b:s4+s3], $0x20, $0x38;
	[tilespmem:$0xC200] =	vst v63  }
0xd: {  	_ =	swait.ge [sflag:s8], $0x20  }
0xe: {  	[sflag:s8] =	ssyncset.done $0x0  }
0xf: {  	[sflag:s8] =	ssyncadd.s32 $0xFFFFFFE0  }
0x10: {  	[tilespmem:s9], [sflag:$0x2] =	stream.linear.gather [hbm4b:s5+s3], $0x20, $0x38;
	[tilespmem:$0xC200] =	vst v63  }
0x11: {  	_ =	swait.ge [sflag:s8], $0x20  }
0x12: {  	[sflag:s8] =	ssyncset.done $0x0  }
0x13: {  	[sflag:s8] =	ssyncadd.s32 $0xFFFFFFE0  }
0x14: {  	v2 =	vld [tilespmem:$0x0]  }
0x15: {  	v3 =	vld [tilespmem:$0x80]  }
0x16: {  	v58 =	vld [tilespmem:$0x90];
	_ =	sdelay $0x4  }
0x17: {  	v4 =	vadd.s32 $0xFFFFFFFF, v2;
	v6 =	vadd.s32 $0xFFFFFFFF, v3;
	v61 =	vadd.s32 $0xFFFFFFFF, v58  }
0x18: {  	vm0 =	vgt.s32 v4, $0x0;
	vm9 =	vgt.s32 v6, $0x0;
	vm1 =	vgt.s32 v4, $0xFFFFFFFF  }
0x19: {  	v8 =	vld [tilespmem:$0x10];
	vm10 =	vgt.s32 v6, $0xFFFFFFFF;
	v5 =	vnsel vm0, $0x0, v4;
	v9 =	vnsel vm9, $0x0, v6  }
0x1a: {  	v4 =	vor.u32 v4, v6;
	v60 =	vsel vm1, $0x3E800000, v0;
	v7 =	vshll.u32 v5, $0xE  }
0x1b: {  	v5 =	vshll.u32 v5, $0x7;
	vm2 =	vgt.s32 v4, $0xFFFFFFFF;
	v4 =	vshll.u32 v2, $0xE  }
0x1c: {  	[tilespmem:$0x1E0] =	vst v1;
	v2 =	vshll.u32 v2, $0x7;
	v7 =	vand.u32 $0xFFE00000, v7;
	v5 =	vand.u32 $0x3F80, v5  }
0x1d: {  	[tilespmem:$0x1F0] =	vst v1;
	v59 =	vsel vm2, $0x3E800000, v0;
	v4 =	vand.u32 $0xFFE00000, v4;
	v2 =	vand.u32 $0x3F80, v2  }
0x1e: {  	[tilespmem:$0x1A0] =	vst v60;
	v5 =	vor.u32 v5, v7;
	v2 =	vor.u32 v2, v4;
	v4 =	vadd.s32 $0xFFFFFFFF, v8  }
0x1f: {  	[tilespmem:$0x180] =	vst v59;
	v7 =	vadd.s32 v9, v5;
	v5 =	vadd.s32 v3, v5;
	vm11 =	vgt.s32 v4, $0x0  }
0x20: {  	v9 =	vadd.s32 v9, v2;
	v2 =	vadd.s32 v3, v2;
	[tilespmem:$0x100] =	vst v7;
	v3 =	vnsel vm11, $0x0, v4  }
0x21: {  	[tilespmem:$0x120] =	vst v5;
	v5 =	vsel vm10, $0x3E800000, v0;
	v62 =	vshll.u32 v3, $0xE;
	v3 =	vshll.u32 v3, $0x7  }
0x22: {  	vm12 =	vgt.s32 v61, $0x0;
	[tilespmem:$0x1C0] =	vst v5;
	v5 =	vand.u32 $0xFFE00000, v62;
	v3 =	vand.u32 $0x3F80, v3  }
0x23: {  	v63 =	vshll.u32 v8, $0xE;
	[tilespmem:$0x160] =	vst v2;
	v2 =	vnsel vm12, $0x0, v61;
	v3 =	vor.u32 v3, v5  }
0x24: {  	vm13 =	vgt.s32 v4, $0xFFFFFFFF;
	[tilespmem:$0x140] =	vst v9;
	v5 =	vor.u32 v4, v61;
	v4 =	vadd.s32 v2, v3  }
0x25: {  	v8 =	vshll.u32 v8, $0x7;
	vm14 =	vgt.s32 v5, $0xFFFFFFFF;
	v3 =	vadd.s32 v58, v3;
	[tilespmem:$0x110] =	vst v4  }
0x26: {  	v8 =	vand.u32 $0x3F80, v8;
	v5 =	vsel vm14, $0x3E800000, v0;
	v4 =	vand.u32 $0xFFE00000, v63;
	[tilespmem:$0x130] =	vst v3;
	v3 =	vld [tilespmem:$0x100]  }
0x27: {  	[tilespmem:$0x190] =	vst v5;
	v5 =	vsel vm13, $0x3E800000, v0;
	v4 =	vor.u32 v8, v4  }
0x28: {  	vm15 =	vgt.s32 v61, $0xFFFFFFFF;
	v2 =	vadd.s32 v2, v4;
	[tilespmem:$0x1B0] =	vst v5  }
0x29: {  	v5 =	vsel vm15, $0x3E800000, v0;
	[tilespmem:$0x150] =	vst v2  }
0x2a: {  	v4 =	vadd.s32 v58, v4;
	[tilespmem:$0x1D0] =	vst v5;
	v2 =	vimm.s32 $0x0  }
0x2b: {  	s15 =	simm.s32 $0x2210;
	[tilespmem:$0x170] =	vst v4;
	v3 =	vadd.s32 v2, v3  }
0x2c: {  	[tilespmem:s15+$0xFFFFDFF0] =	vst v3  }
0x2d: {  	v3 =	vld [tilespmem:$0x110];
	_ =	sdelay $0x4  }
0x2e: {  	v3 =	vadd.s32 v2, v3  }
0x2f: {  	[tilespmem:s15+$0xFFFFE000] =	vst v3  }
0x30: {  	v3 =	vld [tilespmem:$0x120];
	_ =	sdelay $0x4  }
0x31: {  	s16 =	sand.u32 $0xFC0, s3;
	v3 =	vadd.s32 v2, v3  }
0x32: {  	[tilespmem:s16+$0x1200] =	vst v3  }
0x33: {  	v3 =	vld [tilespmem:$0x130];
	_ =	sdelay $0x4  }
0x34: {  	v3 =	vadd.s32 v2, v3  }
0x35: {  	[tilespmem:s15+$0xFFFFF000] =	vst v3  }
0x36: {  	v3 =	vld [tilespmem:$0x140];
	_ =	sdelay $0x4  }
0x37: {  	v3 =	vadd.s32 v2, v3  }
0x38: {  	[tilespmem:s16+$0x2200] =	vst v3  }
0x39: {  	v3 =	vld [tilespmem:$0x150];
	_ =	sdelay $0x4  }
0x3a: {  	v3 =	vadd.s32 v2, v3  }
0x3b: {  	[tilespmem:s15+$0x0] =	vst v3  }
0x3c: {  	v3 =	vld [tilespmem:$0x160];
	_ =	sdelay $0x4  }
0x3d: {  	v3 =	vadd.s32 v2, v3  }
0x3e: {  	[tilespmem:s16+$0x3200] =	vst v3  }
0x3f: {  	v3 =	vld [tilespmem:$0x170];
	_ =	sdelay $0x4  }
0x40: {  	v3 =	vadd.s32 v2, v3  }
0x41: {  	[tilespmem:s15+$0x1000] =	vst v3  }
0x42: {  	v3 =	vld [tilespmem:$0x100];
	_ =	sdelay $0x3  }
0x43: {  	v4 =	vor.u32 $0x4000, v2  }
0x44: {  	v3 =	vadd.s32 v4, v3  }
0x45: {  	[tilespmem:s15+$0xFFFFE010] =	vst v3  }
0x46: {  	v3 =	vld [tilespmem:$0x110];
	_ =	sdelay $0x4  }
0x47: {  	v3 =	vadd.s32 v4, v3  }
0x48: {  	[tilespmem:s15+$0xFFFFE020] =	vst v3  }
0x49: {  	v3 =	vld [tilespmem:$0x120];
	_ =	sdelay $0x4  }
0x4a: {  	v3 =	vadd.s32 v4, v3  }
0x4b: {  	[tilespmem:s15+$0xFFFFF010] =	vst v3  }
0x4c: {  	v3 =	vld [tilespmem:$0x130];
	_ =	sdelay $0x4  }
0x4d: {  	v3 =	vadd.s32 v4, v3  }
0x4e: {  	[tilespmem:s15+$0xFFFFF020] =	vst v3  }
0x4f: {  	v3 =	vld [tilespmem:$0x140];
	_ =	sdelay $0x4  }
0x50: {  	v3 =	vadd.s32 v4, v3  }
0x51: {  	[tilespmem:s15+$0x10] =	vst v3  }
0x52: {  	v3 =	vld [tilespmem:$0x150];
	_ =	sdelay $0x4  }
0x53: {  	v3 =	vadd.s32 v4, v3  }
0x54: {  	[tilespmem:s15+$0x20] =	vst v3  }
0x55: {  	v3 =	vld [tilespmem:$0x160];
	_ =	sdelay $0x4  }
0x56: {  	v3 =	vadd.s32 v4, v3  }
0x57: {  	[tilespmem:s15+$0x1010] =	vst v3  }
0x58: {  	v3 =	vld [tilespmem:$0x170];
	_ =	sdelay $0x4  }
0x59: {  	s17 =	simm.s32 $0x0;
	s16 =	simm.s32 $0x0;
	v3 =	vadd.s32 v4, v3  }
.LBB2_2:
0x5a: {  	s16 =	sadd.s32 $0x2, s16;
	[tilespmem:s15+$0x1020] =	vst v3;
	v2 =	vadd.s32 $0x8000, v2;
	s17 =	sadd.s32 $0x40, s17;
	s15 =	sadd.s32 $0x40, s15  }
0x5b: {  	v3 =	vld [tilespmem:$0x100];
	p0 =	slt.u32 s16, $0x7E;
	_ =	sdelay $0x4  }
0x5c: {  	v3 =	vadd.s32 v2, v3  }
0x5d: {  	[tilespmem:s15+$0xFFFFDFF0] =	vst v3  }
0x5e: {  	v3 =	vld [tilespmem:$0x110];
	_ =	sdelay $0x4  }
0x5f: {  	v3 =	vadd.s32 v2, v3  }
0x60: {  	[tilespmem:s15+$0xFFFFE000] =	vst v3  }
0x61: {  	v3 =	vld [tilespmem:$0x120];
	_ =	sdelay $0x4  }
0x62: {  	s18 =	sand.u32 $0xFC0, s17;
	v3 =	vadd.s32 v2, v3  }
0x63: {  	[tilespmem:s18+$0x1200] =	vst v3  }
0x64: {  	v3 =	vld [tilespmem:$0x130];
	_ =	sdelay $0x4  }
0x65: {  	v3 =	vadd.s32 v2, v3  }
0x66: {  	[tilespmem:s15+$0xFFFFF000] =	vst v3  }
0x67: {  	v3 =	vld [tilespmem:$0x140];
	_ =	sdelay $0x4  }
0x68: {  	v3 =	vadd.s32 v2, v3  }
0x69: {  	[tilespmem:s18+$0x2200] =	vst v3  }
0x6a: {  	v3 =	vld [tilespmem:$0x150];
	_ =	sdelay $0x4  }
0x6b: {  	v3 =	vadd.s32 v2, v3  }
0x6c: {  	[tilespmem:s15+$0x0] =	vst v3  }
0x6d: {  	v3 =	vld [tilespmem:$0x160];
	_ =	sdelay $0x4  }
0x6e: {  	v3 =	vadd.s32 v2, v3  }
0x6f: {  	[tilespmem:s18+$0x3200] =	vst v3  }
0x70: {  	v3 =	vld [tilespmem:$0x170];
	_ =	sdelay $0x4  }
0x71: {  	v3 =	vadd.s32 v2, v3  }
0x72: {  	[tilespmem:s15+$0x1000] =	vst v3  }
0x73: {  	v3 =	vld [tilespmem:$0x100];
	_ =	sdelay $0x3  }
0x74: {  	v4 =	vor.u32 $0x4000, v2  }
0x75: {  	v3 =	vadd.s32 v4, v3  }
0x76: {  	[tilespmem:s15+$0xFFFFE010] =	vst v3  }
0x77: {  	v3 =	vld [tilespmem:$0x110];
	_ =	sdelay $0x4  }
0x78: {  	v3 =	vadd.s32 v4, v3  }
0x79: {  	[tilespmem:s15+$0xFFFFE020] =	vst v3  }
0x7a: {  	v3 =	vld [tilespmem:$0x120];
	_ =	sdelay $0x4  }
0x7b: {  	v3 =	vadd.s32 v4, v3  }
0x7c: {  	[tilespmem:s15+$0xFFFFF010] =	vst v3  }
0x7d: {  	v3 =	vld [tilespmem:$0x130];
	_ =	sdelay $0x4  }
0x7e: {  	v3 =	vadd.s32 v4, v3  }
0x7f: {  	[tilespmem:s15+$0xFFFFF020] =	vst v3  }
0x80: {  	v3 =	vld [tilespmem:$0x140];
	_ =	sdelay $0x4  }
0x81: {  	v3 =	vadd.s32 v4, v3  }
0x82: {  	[tilespmem:s15+$0x10] =	vst v3  }
0x83: {  	v3 =	vld [tilespmem:$0x150];
	_ =	sdelay $0x4  }
0x84: {  	v3 =	vadd.s32 v4, v3  }
0x85: {  	[tilespmem:s15+$0x20] =	vst v3  }
0x86: {  	v3 =	vld [tilespmem:$0x160];
	_ =	sdelay $0x4  }
0x87: {  	v3 =	vadd.s32 v4, v3  }
0x88: {  	[tilespmem:s15+$0x1010] =	vst v3  }
0x89: {  	v3 =	vld [tilespmem:$0x170]  }
.Ltmp0:
0x8a: {  	(pc) =	sbr.rel @p0 .LBB2_2-.Ltmp0, $2  }
0x8b: {  	_ =	sdelay $0x2  }
0x8c: {  	v3 =	vadd.s32 v4, v3  }
0x8d: {  	[tilespmem:s15+$0x1020] =	vst v3;
	s18 =	simm.s32 $0x4200  }
0x8e: {  	[tilespmem:s18], [sflag:$0x1] =	stream.indirect.gather [hbm4b:s1+s10], $0x1, s11, s10, $0xb8;
	[tilespmem:$0xC200] =	vst v63  }
0x8f: {  	_ =	swait.ge [sflag:s12], $0x4000  }
0x90: {  	[sflag:s12] =	ssyncset.done $0x0  }
0x91: {  	[sflag:s12] =	ssyncadd.s32 $0xFFFFC000  }
0x92: {  	s15 =	simm.s32 $0x0;
	v2 =	vld [tilespmem:$0x180]  }
0x93: {  	s16 =	sand.u32 $0xFC0, s15;
	v3 =	vld [tilespmem:s18+$0x0]  }
0x94: {  	v4 =	vld [tilespmem:s16+$0x5200]  }
0x95: {  	v5 =	vld [tilespmem:$0x1A0]  }
0x96: {  	v6 =	vld [tilespmem:s16+$0x6200]  }
0x97: {  	v7 =	vld [tilespmem:$0x1C0]  }
0x98: {  	v8 =	vld [tilespmem:s16+$0x7200];
	v2 =	vmul.f32 v3, v2  }
0x99: {  	v3 =	vld [tilespmem:$0x1E0]  }
0x9a: {  	v4 =	vmul.f32 v4, v5;
	v2 =	vadd.f32 $0.0e+00, v2;
	_ =	sdelay $0x1  }
0x9b: {  	v2 =	vadd.f32 v4, v2;
	v4 =	vmul.f32 v6, v7;
	_ =	sdelay $0x1  }
0x9c: {  	v3 =	vmul.f32 v8, v3;
	v2 =	vadd.f32 v4, v2;
	_ =	sdelay $0x1  }
0x9d: {  	v2 =	vadd.f32 v3, v2  }
0x9e: {  	s16 =	simm.s32 $0x8290  }
0x9f: {  	[tilespmem:s16+$0xFFFFFF70] =	vst v2  }
0xa0: {  	v2 =	vld [tilespmem:$0x190]  }
0xa1: {  	v3 =	vld [tilespmem:s18+$0x10]  }
0xa2: {  	v4 =	vld [tilespmem:s18+$0x1010]  }
0xa3: {  	v5 =	vld [tilespmem:$0x1B0]  }
0xa4: {  	v6 =	vld [tilespmem:s18+$0x2010]  }
0xa5: {  	v7 =	vld [tilespmem:$0x1D0]  }
0xa6: {  	v61 =	vld [tilespmem:$0x1F0];
	v2 =	vmul.f32 v3, v2  }
0xa7: {  	v3 =	vld [tilespmem:s18+$0x3010]  }
0xa8: {  	v4 =	vmul.f32 v4, v5;
	v2 =	vadd.f32 $0.0e+00, v2;
	_ =	sdelay $0x1  }
0xa9: {  	v2 =	vadd.f32 v4, v2;
	v4 =	vmul.f32 v6, v7;
	_ =	sdelay $0x1  }
0xaa: {  	v3 =	vmul.f32 v3, v61;
	v2 =	vadd.f32 v4, v2;
	_ =	sdelay $0x1  }
0xab: {  	v2 =	vadd.f32 v3, v2;
	_ =	sdelay $0x1  }
0xac: {  	[tilespmem:s16+$0xFFFFFF80] =	vst v2  }
0xad: {  	s17 =	simm.s32 $0x20;
	v2 =	vld [tilespmem:$0x180]  }
0xae: {  	s17 =	sand.u32 $0xFE0, s17;
	v3 =	vld [tilespmem:s18+$0x20]  }
0xaf: {  	v4 =	vld [tilespmem:s17+$0x5200]  }
0xb0: {  	v5 =	vld [tilespmem:$0x1A0]  }
0xb1: {  	v6 =	vld [tilespmem:s17+$0x6200]  }
0xb2: {  	v7 =	vld [tilespmem:$0x1C0]  }
0xb3: {  	v62 =	vld [tilespmem:$0x1E0];
	v2 =	vmul.f32 v3, v2  }
0xb4: {  	v3 =	vld [tilespmem:s17+$0x7200]  }
0xb5: {  	v4 =	vmul.f32 v4, v5;
	v2 =	vadd.f32 $0.0e+00, v2;
	_ =	sdelay $0x1  }
0xb6: {  	v2 =	vadd.f32 v4, v2;
	v4 =	vmul.f32 v6, v7;
	_ =	sdelay $0x1  }
0xb7: {  	v3 =	vmul.f32 v3, v62;
	v2 =	vadd.f32 v4, v2;
	_ =	sdelay $0x1  }
0xb8: {  	v2 =	vadd.f32 v3, v2;
	_ =	sdelay $0x1  }
0xb9: {  	[tilespmem:s16+$0xFFFFFFF0] =	vst v2  }
0xba: {  	v2 =	vld [tilespmem:$0x190]  }
0xbb: {  	v3 =	vld [tilespmem:s18+$0x30];
	_ =	sdelay $0x1  }
0xbc: {  	v4 =	vld [tilespmem:$0x1B0]  }
0xbd: {  	v5 =	vld [tilespmem:s18+$0x1030]  }
0xbe: {  	v6 =	vld [tilespmem:$0x1D0]  }
0xbf: {  	v7 =	vld [tilespmem:s18+$0x2030];
	v2 =	vmul.f32 v3, v2  }
0xc0: {  	v3 =	vld [tilespmem:s18+$0x3030]  }
0xc1: {  	v63 =	vadd.f32 $0.0e+00, v2;
	v2 =	vld [tilespmem:$0x1F0]  }
0xc2: {  	v4 =	vmul.f32 v5, v4;
	_ =	sdelay $0x1  }
0xc3: {  	v5 =	vmul.f32 v7, v6;
	v4 =	vadd.f32 v4, v63  }
0xc4: {  	s19 =	simm.s32 $0x4240;
	s17 =	simm.s32 $0x0;
	s18 =	simm.s32 $0x8290  }
.LBB2_4:
0xc5: {  	s17 =	sadd.s32 $0x2, s17;
	v4 =	vadd.f32 v5, v4;
	v2 =	vmul.f32 v3, v2;
	s15 =	sadd.s32 $0x40, s15;
	s16 =	sadd.s32 $0x100, s16  }
0xc6: {  	p0 =	slt.u32 s17, $0x7E  }
0xc7: {  	v2 =	vadd.f32 v2, v4;
	_ =	sdelay $0x1  }
0xc8: {  	[tilespmem:s18+$0x0] =	vst v2;
	s18 =	smov.u32 s16  }
0xc9: {  	v2 =	vld [tilespmem:$0x180]  }
0xca: {  	s20 =	sand.u32 $0xFC0, s15;
	v3 =	vld [tilespmem:s19+$0x0]  }
0xcb: {  	v4 =	vld [tilespmem:s20+$0x5200]  }
0xcc: {  	v5 =	vld [tilespmem:$0x1A0]  }
0xcd: {  	v6 =	vld [tilespmem:s20+$0x6200]  }
0xce: {  	v7 =	vld [tilespmem:$0x1C0]  }
0xcf: {  	v2 =	vmul.f32 v3, v2;
	v3 =	vld [tilespmem:$0x1E0]  }
0xd0: {  	v8 =	vld [tilespmem:s20+$0x7200]  }
0xd1: {  	v2 =	vadd.f32 $0.0e+00, v2;
	v4 =	vmul.f32 v4, v5;
	_ =	sdelay $0x1  }
0xd2: {  	v2 =	vadd.f32 v4, v2;
	v4 =	vmul.f32 v6, v7;
	_ =	sdelay $0x1  }
0xd3: {  	v2 =	vadd.f32 v4, v2;
	v3 =	vmul.f32 v8, v3;
	_ =	sdelay $0x1  }
0xd4: {  	v2 =	vadd.f32 v3, v2;
	_ =	sdelay $0x1  }
0xd5: {  	[tilespmem:s16+$0xFFFFFF70] =	vst v2  }
0xd6: {  	v2 =	vld [tilespmem:s19+$0x1010]  }
0xd7: {  	v3 =	vld [tilespmem:$0x190]  }
0xd8: {  	v4 =	vld [tilespmem:s19+$0x10];
	_ =	sdelay $0x1  }
0xd9: {  	v5 =	vld [tilespmem:$0x1B0]  }
0xda: {  	v6 =	vld [tilespmem:s19+$0x2010]  }
0xdb: {  	v7 =	vld [tilespmem:$0x1D0]  }
0xdc: {  	v3 =	vmul.f32 v4, v3;
	v4 =	vld [tilespmem:s19+$0x3010]  }
0xdd: {  	v8 =	vld [tilespmem:$0x1F0]  }
0xde: {  	v3 =	vadd.f32 $0.0e+00, v3;
	v2 =	vmul.f32 v2, v5;
	_ =	sdelay $0x1  }
0xdf: {  	v2 =	vadd.f32 v2, v3;
	v3 =	vmul.f32 v6, v7;
	_ =	sdelay $0x1  }
0xe0: {  	v2 =	vadd.f32 v3, v2;
	v3 =	vmul.f32 v4, v8;
	_ =	sdelay $0x1  }
0xe1: {  	v2 =	vadd.f32 v3, v2;
	_ =	sdelay $0x1  }
0xe2: {  	[tilespmem:s16+$0xFFFFFF80] =	vst v2  }
0xe3: {  	s20 =	sadd.s32 $0x20, s15;
	v2 =	vld [tilespmem:$0x180]  }
0xe4: {  	s20 =	sand.u32 $0xFE0, s20;
	v3 =	vld [tilespmem:s19+$0x20]  }
0xe5: {  	v4 =	vld [tilespmem:s20+$0x5200]  }
0xe6: {  	v5 =	vld [tilespmem:$0x1A0]  }
0xe7: {  	v6 =	vld [tilespmem:s20+$0x6200]  }
0xe8: {  	v7 =	vld [tilespmem:$0x1C0]  }
0xe9: {  	v2 =	vmul.f32 v3, v2;
	v3 =	vld [tilespmem:s20+$0x7200]  }
0xea: {  	v8 =	vld [tilespmem:$0x1E0]  }
0xeb: {  	v2 =	vadd.f32 $0.0e+00, v2;
	v4 =	vmul.f32 v4, v5;
	_ =	sdelay $0x1  }
0xec: {  	v2 =	vadd.f32 v4, v2;
	v4 =	vmul.f32 v6, v7;
	_ =	sdelay $0x1  }
0xed: {  	v2 =	vadd.f32 v4, v2;
	v3 =	vmul.f32 v3, v8;
	_ =	sdelay $0x1  }
0xee: {  	v2 =	vadd.f32 v3, v2;
	_ =	sdelay $0x1  }
0xef: {  	[tilespmem:s16+$0xFFFFFFF0] =	vst v2  }
0xf0: {  	v2 =	vld [tilespmem:$0x190]  }
0xf1: {  	v3 =	vld [tilespmem:s19+$0x30]  }
0xf2: {  	v4 =	vld [tilespmem:$0x1B0]  }
0xf3: {  	v5 =	vld [tilespmem:s19+$0x1030]  }
0xf4: {  	v6 =	vld [tilespmem:$0x1D0]  }
0xf5: {  	v7 =	vld [tilespmem:s19+$0x2030]  }
0xf6: {  	v8 =	vmul.f32 v3, v2;
	v2 =	vld [tilespmem:$0x1F0]  }
.Ltmp1:
0xf7: {  	v3 =	vld [tilespmem:s19+$0x3030];
	(pc) =	sbr.rel @p0 .LBB2_4-.Ltmp1, $3  }
0xf8: {  	v8 =	vadd.f32 $0.0e+00, v8;
	v4 =	vmul.f32 v5, v4;
	_ =	sdelay $0x1  }
0xf9: {  	v4 =	vadd.f32 v4, v8;
	v5 =	vmul.f32 v7, v6  }
0xfa: {  	s19 =	sadd.s32 $0x40, s19  }
0xfb: {  	v4 =	vadd.f32 v5, v4;
	v2 =	vmul.f32 v3, v2;
	_ =	sdelay $0x1  }
0xfc: {  	s14 =	sadd.s32 $0x1, s14;
	v2 =	vadd.f32 v2, v4  }
0xfd: {  	p0 =	sne.s32 s14, s7  }
.Ltmp2:
0xfe: {  	[tilespmem:s18+$0x0] =	vst v2;
	(pc) =	sbr.rel @p0 .LBB2_1-.Ltmp2, $4  }
0xff: {  	[hbm4b:s6+s3] =	stream.linear.scatter [tilespmem:s13], [sflag:$0x2], $0x4000, $0x38;
	[tilespmem:$0xC200] =	vst v63  }
0x100: {  	_ =	swait.ge [sflag:s8], $0x4000  }
0x101: {  	[sflag:s8] =	ssyncset.done $0x0  }
0x102: {  	[sflag:s8] =	ssyncadd.s32 $0xFFFFC000  }
0x103: {  	_ =	sfence.sel $0x180000  }
0x104: {  	[bflag:$0x0] =	sbarrier.arrive $0xFFFF  }
0x105: {  	p0 =	sne.s32 s2, $0x0;
	_ =	strace $0x9000004A  }
0x106: {  	s0 =	sadd.s32 @!p0 $0x100000, s0;
	[bflag:$0x2] =	sbarrier.arrive $0xFFFF  }
0x107: {  	[sflag:s0] =	ssyncadd.tile.s32 @!p0 $0x1;
	_ =	shalt  }
.Lfunc_end2:
_tile_overlayer_lowered:
.L_overlay_start_2:
0x108: {  	(tag) =	ssettag $0x2  }
0x109: {  	s0 =	rddreg [dreg:$0x0];
	s2 =	stileid.u32  }
0x10a: {  	s1 =	rddreg [dreg:$0x1];
	p0 =	sne.s32 s2, $0x0  }
0x10b: {  	s3 =	rddreg [dreg:$0x2];
	[bflag:$0x3] =	sbarrier.arrive $0xFFFF;
	s2 =	simm.s32 @!p0 $0x1C02  }
0x10c: {  	[timem:s3], [sflag:s2] =	dma.local @!p0 [hbm:s0], s1  }
0x10d: {  	s0 =	simm.s32 @!p0 $0x2  }
0x10e: {  	_ =	swait.ge @!p0 [sflag:s0], s1  }
0x10f: {  	s1 =	ssub.s32 @!p0 $0x0, s1;
	[sflag:s0] =	ssyncset.done @!p0 $0x0  }
0x110: {  	[sflag:s0] =	ssyncadd.s32 @!p0 s1  }
0x111: {  	[bflag:$0x3] =	sbarrier.arrive $0xFFFF  }
0x112: {  	_ =	shalt  }

</sc_bundles>
